<compile_context>
chip_gen: v7x
topology: tpu7x:2x2x1
jax: 0.10.2.dev20260603
libtpu: 0.0.44.dev20260713+nightly
codegen_flags: <defaults>
</compile_context>

<pallas_src>
import functools

import jax
import jax.numpy as jnp
from jax import lax
from jax.experimental import pallas as pl
from jax.experimental.pallas import tpu as pltpu
from jax.experimental.pallas import tpu_sc as plsc

_B = 16384
_C = 1000
_K = _B + 1
_NBUCKET = 32768
_NC, _NS, _L = 2, 16, 16
_NW = _NC * _NS
_STRIP = _B // _NW
_GROUPS = _STRIP // _L
_CR = 40
_NCHUNK = _C // _CR
_BLK = 8


def _sc_body(ph_ref, gt_ref, cnt_out, pl_out,
             bufall, gt_v, cnt_v, pl_v, sem0, sem1, gsem):
    wid = lax.axis_index("s") * _NC + lax.axis_index("c")

    zi = jnp.zeros((_L,), jnp.int32)
    zf = jnp.zeros((_L,), jnp.float32)

    col0 = wid * _STRIP
    ones = jnp.ones((_L,), jnp.int32)
    onef = jnp.float32(1.0)
    lane = lax.iota(jnp.int32, _L)
    sems = (sem0, sem1)

    def issue(cc, sem):
        pltpu.async_copy(
            ph_ref.at[pl.ds(cc * _CR, _CR), pl.ds(col0, _STRIP)],
            bufall.at[cc % 2], sem)

    issue(0, sem0)
    issue(1, sem1)
    gt_cp = pltpu.make_async_copy(
        gt_ref.at[pl.ds(col0, _STRIP)], gt_v, gsem)
    gt_cp.start()

    @pl.loop(0, _NBUCKET // _L, unroll=8)
    def _zero(i):
        cnt_v[pl.ds(i * _L, _L)] = zi

    pl_v[...] = zf
    gt_cp.wait()

    @pl.loop(0, _NCHUNK)
    def _outer(cc):
        par = cc % 2
        buf = bufall.at[par]
        for sem_i, sem in enumerate(sems):
            @pl.when(par == sem_i)
            def _wait():
                pltpu.make_async_copy(
                    ph_ref.at[pl.ds(cc * _CR, _CR), pl.ds(col0, _STRIP)],
                    bufall.at[par], sem).wait()
        c0 = cc * _CR

        @plsc.parallel_loop(0, _CR)
        def _hist(r):
            vs = [buf[r, pl.ds(j * _L, _L)] for j in range(_GROUPS)]
            bids = []
            for v in vs:
                bits = (lax.bitcast_convert_type(v, jnp.int32)
                        & jnp.int32(0x7FFFFFFF))
                bids.append(bits >> 16)
            for bid in bids:
                plsc.addupdate_scatter(cnt_v, [bid], ones)

        for j in range(_GROUPS):
            g = gt_v[pl.ds(j * _L, _L)]
            inr = (g >= c0) & (g < c0 + _CR)
            gv = plsc.load_gather(
                buf, [g - c0, lane + jnp.int32(j * _L)], mask=inr)
            gbits = (lax.bitcast_convert_type(gv, jnp.int32)
                     & jnp.int32(0x7FFFFFFF))
            gid = gbits >> 16
            plsc.addupdate_scatter(cnt_v, [gid], -ones, mask=inr)
            pl_v[...] = pl_v[...] + jnp.where(
                inr, jnp.abs(gv - onef), 0.0)

        for sem_i, sem in enumerate(sems):
            @pl.when((par == sem_i) & (cc + 2 < _NCHUNK))
            def _prefetch():
                issue(cc + 2, sem)

    pltpu.sync_copy(cnt_v, cnt_out.at[wid])
    pltpu.sync_copy(pl_v, pl_out.at[wid])


_sc_hist = functools.partial(
    pl.kernel,
    out_type=[
        jax.ShapeDtypeStruct((_NW, _NBUCKET), jnp.int32),
        jax.ShapeDtypeStruct((_NW, _L), jnp.float32),
    ],
    mesh=plsc.VectorSubcoreMesh(core_axis_name="c", subcore_axis_name="s"),
    compiler_params=pltpu.CompilerParams(
        needs_layout_passes=False, use_tc_tiling_on_sc=True),
    scratch_types=[
        pltpu.VMEM((2, _CR, _STRIP), jnp.float32),
        pltpu.VMEM((_STRIP,), jnp.int32),
        pltpu.VMEM((_NBUCKET,), jnp.int32),
        pltpu.VMEM((_L,), jnp.float32),
        pltpu.SemaphoreType.DMA,
        pltpu.SemaphoreType.DMA,
        pltpu.SemaphoreType.DMA,
    ],
)(_sc_body)

_R = _NBUCKET // 128


def _finish_body(cnt_ref, plp_ref, out_ref):
    cnt = jnp.sum(cnt_ref[...], axis=0)
    row = lax.broadcasted_iota(jnp.int32, (_R, 128), 0)
    col = lax.broadcasted_iota(jnp.int32, (_R, 128), 1)
    ids = row * 128 + col
    centers = lax.bitcast_convert_type(
        ids * jnp.int32(65536) + jnp.int32(32768), jnp.float32)
    cnt = cnt + jnp.where(ids == 0, jnp.int32(_B), jnp.int32(0))

    def bs_body(_, lo_hi):
        lo, hi = lo_hi
        mid = (lo + hi + jnp.int32(1)) // 2
        c_ge = jnp.sum(jnp.where(ids >= mid, cnt, 0))
        ok = c_ge >= _K
        return (jnp.where(ok, mid, lo), jnp.where(ok, hi, mid - 1))

    lo, _hi = lax.fori_loop(
        0, 15, bs_body, (jnp.int32(0), jnp.int32(_NBUCKET - 1)))
    bstar = lo

    above = ids > bstar
    a_cnt = jnp.sum(jnp.where(above, cnt, 0))
    sum_above = jnp.sum(
        jnp.where(above & (cnt != 0),
                  cnt.astype(jnp.float32) * centers, 0.0))
    center_b = jnp.sum(jnp.where(ids == bstar, centers, 0.0))
    need = (jnp.int32(_K) - a_cnt).astype(jnp.float32)
    nl = (sum_above + need * center_b) / jnp.float32(_K)
    pl_term = jnp.sum(plp_ref[...]) / jnp.float32(_B + 0.009)
    out_ref[...] = jnp.reshape((nl + pl_term) * 0.5, (1, 1))


_finish = pl.pallas_call(
    _finish_body,
    out_shape=jax.ShapeDtypeStruct((1, 1), jnp.float32),
)


def kernel(pred, gt):
    cnt, plp = _sc_hist(pred.T, gt)
    out = _finish(cnt.reshape(_NW, _R, 128), plp)
    return out[0, 0]

# --- scband reference (transcript-rebuilt; emitter-appended) ---
"""Pipeline reference for scband-neko-cos-lossx-88072599372511 (READ-ONLY COPY).

The authoritative reference and input builder live on the scoring server;
editing this copy changes nothing except your own understanding.
"""

import jax, jax.numpy as jnp
import numpy as np


def setup_inputs(seed: int = 0) -> dict:
    key = jax.random.key(seed)
    k1, k2 = jax.random.split(key)
    pred = jax.random.normal(k1, (16384, 1000), dtype=jnp.float32)
    gt = jax.random.randint(k2, (16384,), 0, 1000, dtype=jnp.int32)
    return {"pred": pred, "gt": gt}


def reference(pred, gt):
    B, C = pred.shape
    # oh = zeros_like(pred).scatter_(1, gt.unsqueeze(-1), 1)
    oh = jnp.zeros_like(pred).at[jnp.arange(B), gt].set(1.0)
    noh = 1.0 - oh
    # l1_loss(pred, oh, reduction='none')
    pwl = jnp.abs(pred - oh)
    # int(torch.sum(oh).item() + 1): scatter_ sets exactly one entry per row,
    # so sum(oh) == B and k == B + 1 (static).
    k = B + 1
    nl_vals, _ = jax.lax.top_k((noh * pwl).reshape(-1), k)
    nl = jnp.mean(nl_vals)
    pl = jnp.sum(oh * pwl) / (jnp.sum(oh) + 0.009)
    return (nl + pl) / 2.0

if __name__ == "__main__":
    import jax
    _d = setup_inputs()
    print(jax.jit(kernel)(*tuple(_d.values())))

</pallas_src>

<mosaic_0001>
#map = affine_map<(d0, d1) -> (0, 0)>
#map1 = affine_map<(d0, d1) -> (0)>
module attributes {stable_mosaic.version = 14 : i64} {
  func.func @_sc_body(%arg0: i32, %arg1: i32, %arg2: memref<1000x16384xf32, #tpu.memory_space<hbm>>, %arg3: memref<16384xi32, #tpu.memory_space<hbm>>, %arg4: memref<32x32768xi32, #tpu.memory_space<hbm>>, %arg5: memref<32x16xf32, #tpu.memory_space<hbm>>, %arg6: memref<2x40x512xf32, #tpu.memory_space<vmem>>, %arg7: memref<512xi32, #tpu.memory_space<vmem>>, %arg8: memref<32768xi32, #tpu.memory_space<vmem>>, %arg9: memref<16xf32, #tpu.memory_space<vmem>>, %arg10: memref<!tpu.dma_semaphore, #tpu.memory_space<semaphore_mem>>, %arg11: memref<!tpu.dma_semaphore, #tpu.memory_space<semaphore_mem>>, %arg12: memref<!tpu.dma_semaphore, #tpu.memory_space<semaphore_mem>>) attributes {dimension_semantics = [#tpu.dimension_semantics<core_parallel>, #tpu.dimension_semantics<subcore_parallel>], iteration_bounds = array<i64: 2, 16>, scalar_prefetch = 0 : i64, scratch_operands = 7 : i64, tpu.core_type = #tpu.core_type<sc_vector_subcore>, window_params = [{transform_indices = #map}, {transform_indices = #map1}, {transform_indices = #map}, {transform_indices = #map}]} {
    %mul3A = arith.constant 2 : i32
    %mul3A_0 = arith.muli %arg1, %mul3A : i32
    %add3A = arith.addi %mul3A_0, %arg0 : i32
    %broadcast_in_dim3A = arith.constant 0 : i32
    %broadcast_in_dim3A_1 = vector.broadcast %broadcast_in_dim3A : i32 to vector<16xi32>
    %broadcast_in_dim3A_2 = arith.constant 0.000000e+00 : f32
    %broadcast_in_dim3A_3 = vector.broadcast %broadcast_in_dim3A_2 : f32 to vector<16xf32>
    %mul3A_4 = arith.constant 512 : i32
    %mul3A_5 = arith.muli %add3A, %mul3A_4 : i32
    %broadcast_in_dim3A_6 = arith.constant 1 : i32
    %broadcast_in_dim3A_7 = vector.broadcast %broadcast_in_dim3A_6 : i32 to vector<16xi32>
    %iota3A = tpu.iota {dimensions = array<i32: 0>} : vector<16xi32>
    %dma_start3A = arith.constant 0 : i32
    %dma_start3A_8 = arith.constant 0 : i32
    %dma_start3A_9 = arith.constant 0 : i32
    %dma_start3A_10 = tpu.memref_slice %arg6[%dma_start3A, %dma_start3A_8, %dma_start3A_9] : memref<2x40x512xf32, #tpu.memory_space<vmem>> -> memref<1x40x512xf32, #tpu.memory_space<vmem>>
    %dma_start3A_11 = tpu.memref_squeeze %dma_start3A_10 : memref<1x40x512xf32, #tpu.memory_space<vmem>> -> memref<40x512xf32, #tpu.memory_space<vmem>>
    %dma_start3A_12 = arith.constant 0 : i32
    %dma_start3A_13 = tpu.memref_slice %arg2[%dma_start3A_12, %mul3A_5] : memref<1000x16384xf32, #tpu.memory_space<hbm>> -> memref<40x512xf32, #tpu.memory_space<hbm>>
    %dma_start3A_14 = arith.constant 0 : i32
    %dma_start3A_15 = arith.constant 0 : i32
    %dma_start3A_16 = tpu.memref_slice %arg6[%dma_start3A, %dma_start3A_14, %dma_start3A_15] : memref<2x40x512xf32, #tpu.memory_space<vmem>> -> memref<1x40x512xf32, #tpu.memory_space<vmem>>
    %dma_start3A_17 = tpu.memref_squeeze %dma_start3A_16 : memref<1x40x512xf32, #tpu.memory_space<vmem>> -> memref<40x512xf32, #tpu.memory_space<vmem>>
    %dma_start3A_18 = arith.constant 0 : i32
    %dma_start3A_19 = tpu.memref_slice %arg2[%dma_start3A_18, %mul3A_5] : memref<1000x16384xf32, #tpu.memory_space<hbm>> -> memref<40x512xf32, #tpu.memory_space<hbm>>
    tpu.enqueue_dma source(%dma_start3A_19 : memref<40x512xf32, #tpu.memory_space<hbm>>) target(%dma_start3A_17 : memref<40x512xf32, #tpu.memory_space<vmem>>) target_semaphore(%arg10 : memref<!tpu.dma_semaphore, #tpu.memory_space<semaphore_mem>>)
    %dma_start3A_20 = arith.constant 1 : i32
    %dma_start3A_21 = arith.constant 0 : i32
    %dma_start3A_22 = arith.constant 0 : i32
    %dma_start3A_23 = tpu.memref_slice %arg6[%dma_start3A_20, %dma_start3A_21, %dma_start3A_22] : memref<2x40x512xf32, #tpu.memory_space<vmem>> -> memref<1x40x512xf32, #tpu.memory_space<vmem>>
    %dma_start3A_24 = tpu.memref_squeeze %dma_start3A_23 : memref<1x40x512xf32, #tpu.memory_space<vmem>> -> memref<40x512xf32, #tpu.memory_space<vmem>>
    %dma_start3A_25 = arith.constant 40 : i32
    %dma_start3A_26 = tpu.memref_slice %arg2[%dma_start3A_25, %mul3A_5] : memref<1000x16384xf32, #tpu.memory_space<hbm>> -> memref<40x512xf32, #tpu.memory_space<hbm>>
    %dma_start3A_27 = arith.constant 0 : i32
    %dma_start3A_28 = arith.constant 0 : i32
    %dma_start3A_29 = tpu.memref_slice %arg6[%dma_start3A_20, %dma_start3A_27, %dma_start3A_28] : memref<2x40x512xf32, #tpu.memory_space<vmem>> -> memref<1x40x512xf32, #tpu.memory_space<vmem>>
    %dma_start3A_30 = tpu.memref_squeeze %dma_start3A_29 : memref<1x40x512xf32, #tpu.memory_space<vmem>> -> memref<40x512xf32, #tpu.memory_space<vmem>>
    %dma_start3A_31 = arith.constant 40 : i32
    %dma_start3A_32 = tpu.memref_slice %arg2[%dma_start3A_31, %mul3A_5] : memref<1000x16384xf32, #tpu.memory_space<hbm>> -> memref<40x512xf32, #tpu.memory_space<hbm>>
    tpu.enqueue_dma source(%dma_start3A_32 : memref<40x512xf32, #tpu.memory_space<hbm>>) target(%dma_start3A_30 : memref<40x512xf32, #tpu.memory_space<vmem>>) target_semaphore(%arg11 : memref<!tpu.dma_semaphore, #tpu.memory_space<semaphore_mem>>)
    %dma_start3A_33 = tpu.memref_slice %arg3[%mul3A_5] : memref<16384xi32, #tpu.memory_space<hbm>> -> memref<512xi32, #tpu.memory_space<hbm>>
    %dma_start3A_34 = tpu.memref_slice %arg3[%mul3A_5] : memref<16384xi32, #tpu.memory_space<hbm>> -> memref<512xi32, #tpu.memory_space<hbm>>
    tpu.enqueue_dma source(%dma_start3A_34 : memref<512xi32, #tpu.memory_space<hbm>>) target(%arg7 : memref<512xi32, #tpu.memory_space<vmem>>) target_semaphore(%arg12 : memref<!tpu.dma_semaphore, #tpu.memory_space<semaphore_mem>>)
    %scan3A = arith.constant 0 : i32
    %scan3A_35 = arith.constant 2048 : i32
    %scan3A_36 = arith.addi %scan3A, %scan3A_35 : i32
    %scan3A_37 = arith.constant 8 : i32
    scf.for %scan3A_47 = %scan3A to %scan3A_36 step %scan3A_37  : i32 {
      %mul3A_48 = arith.constant 1 : i32
      %mul3A_49 = arith.muli %scan3A_47, %mul3A_48 : i32
      %add3A_50 = arith.constant 0 : i32
      %add3A_51 = arith.addi %add3A_50, %mul3A_49 : i32
      %mul3A_52 = arith.constant 16 : i32
      %mul3A_53 = arith.muli %add3A_51, %mul3A_52 : i32
      %swap3A_54 = arith.index_cast %mul3A_53 : i32 to index
      %swap3A_55 = tpu.vector_load %arg8[%swap3A_54] {strides = array<i32>} : memref<32768xi32, #tpu.memory_space<vmem>>, vector<16xi32>,
      tpu.vector_store %arg8[%swap3A_54], %broadcast_in_dim3A_1 {strides = array<i32>} : memref<32768xi32, #tpu.memory_space<vmem>>, vector<16xi32>,
      %scan3A_56 = arith.constant 1 : i32
      %scan3A_57 = arith.addi %scan3A_47, %scan3A_56 : i32
      %mul3A_58 = arith.constant 1 : i32
      %mul3A_59 = arith.muli %scan3A_57, %mul3A_58 : i32
      %add3A_60 = arith.constant 0 : i32
      %add3A_61 = arith.addi %add3A_60, %mul3A_59 : i32
      %mul3A_62 = arith.constant 16 : i32
      %mul3A_63 = arith.muli %add3A_61, %mul3A_62 : i32
      %swap3A_64 = arith.index_cast %mul3A_63 : i32 to index
      %swap3A_65 = tpu.vector_load %arg8[%swap3A_64] {strides = array<i32>} : memref<32768xi32, #tpu.memory_space<vmem>>, vector<16xi32>,
      tpu.vector_store %arg8[%swap3A_64], %broadcast_in_dim3A_1 {strides = array<i32>} : memref<32768xi32, #tpu.memory_space<vmem>>, vector<16xi32>,
      %scan3A_66 = arith.constant 2 : i32
      %scan3A_67 = arith.addi %scan3A_47, %scan3A_66 : i32
      %mul3A_68 = arith.constant 1 : i32
      %mul3A_69 = arith.muli %scan3A_67, %mul3A_68 : i32
      %add3A_70 = arith.constant 0 : i32
      %add3A_71 = arith.addi %add3A_70, %mul3A_69 : i32
      %mul3A_72 = arith.constant 16 : i32
      %mul3A_73 = arith.muli %add3A_71, %mul3A_72 : i32
      %swap3A_74 = arith.index_cast %mul3A_73 : i32 to index
      %swap3A_75 = tpu.vector_load %arg8[%swap3A_74] {strides = array<i32>} : memref<32768xi32, #tpu.memory_space<vmem>>, vector<16xi32>,
      tpu.vector_store %arg8[%swap3A_74], %broadcast_in_dim3A_1 {strides = array<i32>} : memref<32768xi32, #tpu.memory_space<vmem>>, vector<16xi32>,
      %scan3A_76 = arith.constant 3 : i32
      %scan3A_77 = arith.addi %scan3A_47, %scan3A_76 : i32
      %mul3A_78 = arith.constant 1 : i32
      %mul3A_79 = arith.muli %scan3A_77, %mul3A_78 : i32
      %add3A_80 = arith.constant 0 : i32
      %add3A_81 = arith.addi %add3A_80, %mul3A_79 : i32
      %mul3A_82 = arith.constant 16 : i32
      %mul3A_83 = arith.muli %add3A_81, %mul3A_82 : i32
      %swap3A_84 = arith.index_cast %mul3A_83 : i32 to index
      %swap3A_85 = tpu.vector_load %arg8[%swap3A_84] {strides = array<i32>} : memref<32768xi32, #tpu.memory_space<vmem>>, vector<16xi32>,
      tpu.vector_store %arg8[%swap3A_84], %broadcast_in_dim3A_1 {strides = array<i32>} : memref<32768xi32, #tpu.memory_space<vmem>>, vector<16xi32>,
      %scan3A_86 = arith.constant 4 : i32
      %scan3A_87 = arith.addi %scan3A_47, %scan3A_86 : i32
      %mul3A_88 = arith.constant 1 : i32
      %mul3A_89 = arith.muli %scan3A_87, %mul3A_88 : i32
      %add3A_90 = arith.constant 0 : i32
      %add3A_91 = arith.addi %add3A_90, %mul3A_89 : i32
      %mul3A_92 = arith.constant 16 : i32
      %mul3A_93 = arith.muli %add3A_91, %mul3A_92 : i32
      %swap3A_94 = arith.index_cast %mul3A_93 : i32 to index
      %swap3A_95 = tpu.vector_load %arg8[%swap3A_94] {strides = array<i32>} : memref<32768xi32, #tpu.memory_space<vmem>>, vector<16xi32>,
      tpu.vector_store %arg8[%swap3A_94], %broadcast_in_dim3A_1 {strides = array<i32>} : memref<32768xi32, #tpu.memory_space<vmem>>, vector<16xi32>,
      %scan3A_96 = arith.constant 5 : i32
      %scan3A_97 = arith.addi %scan3A_47, %scan3A_96 : i32
      %mul3A_98 = arith.constant 1 : i32
      %mul3A_99 = arith.muli %scan3A_97, %mul3A_98 : i32
      %add3A_100 = arith.constant 0 : i32
      %add3A_101 = arith.addi %add3A_100, %mul3A_99 : i32
      %mul3A_102 = arith.constant 16 : i32
      %mul3A_103 = arith.muli %add3A_101, %mul3A_102 : i32
      %swap3A_104 = arith.index_cast %mul3A_103 : i32 to index
      %swap3A_105 = tpu.vector_load %arg8[%swap3A_104] {strides = array<i32>} : memref<32768xi32, #tpu.memory_space<vmem>>, vector<16xi32>,
      tpu.vector_store %arg8[%swap3A_104], %broadcast_in_dim3A_1 {strides = array<i32>} : memref<32768xi32, #tpu.memory_space<vmem>>, vector<16xi32>,
      %scan3A_106 = arith.constant 6 : i32
      %scan3A_107 = arith.addi %scan3A_47, %scan3A_106 : i32
      %mul3A_108 = arith.constant 1 : i32
      %mul3A_109 = arith.muli %scan3A_107, %mul3A_108 : i32
      %add3A_110 = arith.constant 0 : i32
      %add3A_111 = arith.addi %add3A_110, %mul3A_109 : i32
      %mul3A_112 = arith.constant 16 : i32
      %mul3A_113 = arith.muli %add3A_111, %mul3A_112 : i32
      %swap3A_114 = arith.index_cast %mul3A_113 : i32 to index
      %swap3A_115 = tpu.vector_load %arg8[%swap3A_114] {strides = array<i32>} : memref<32768xi32, #tpu.memory_space<vmem>>, vector<16xi32>,
      tpu.vector_store %arg8[%swap3A_114], %broadcast_in_dim3A_1 {strides = array<i32>} : memref<32768xi32, #tpu.memory_space<vmem>>, vector<16xi32>,
      %scan3A_116 = arith.constant 7 : i32
      %scan3A_117 = arith.addi %scan3A_47, %scan3A_116 : i32
      %mul3A_118 = arith.constant 1 : i32
      %mul3A_119 = arith.muli %scan3A_117, %mul3A_118 : i32
      %add3A_120 = arith.constant 0 : i32
      %add3A_121 = arith.addi %add3A_120, %mul3A_119 : i32
      %mul3A_122 = arith.constant 16 : i32
      %mul3A_123 = arith.muli %add3A_121, %mul3A_122 : i32
      %swap3A_124 = arith.index_cast %mul3A_123 : i32 to index
      %swap3A_125 = tpu.vector_load %arg8[%swap3A_124] {strides = array<i32>} : memref<32768xi32, #tpu.memory_space<vmem>>, vector<16xi32>,
      tpu.vector_store %arg8[%swap3A_124], %broadcast_in_dim3A_1 {strides = array<i32>} : memref<32768xi32, #tpu.memory_space<vmem>>, vector<16xi32>,
    }
    %scan3A_38 = arith.constant 2048 : i32
    %swap3A = arith.constant 0 : index
    %swap3A_39 = tpu.vector_load %arg9[%swap3A] {strides = array<i32>} : memref<16xf32, #tpu.memory_space<vmem>>, vector<16xf32>,
    tpu.vector_store %arg9[%swap3A], %broadcast_in_dim3A_3 {strides = array<i32>} : memref<16xf32, #tpu.memory_space<vmem>>, vector<16xf32>,
    %dma_wait3A = tpu.memref_slice %arg3[%mul3A_5] : memref<16384xi32, #tpu.memory_space<hbm>> -> memref<512xi32, #tpu.memory_space<hbm>>
    %dma_wait3A_40 = tpu.memref_slice %arg3[%mul3A_5] : memref<16384xi32, #tpu.memory_space<hbm>> -> memref<512xi32, #tpu.memory_space<hbm>>
    tpu.wait_dma2 semaphore(%arg12 : memref<!tpu.dma_semaphore, #tpu.memory_space<semaphore_mem>>) src(%dma_wait3A_40 : memref<512xi32, #tpu.memory_space<hbm>>) dst(%arg7 : memref<512xi32, #tpu.memory_space<vmem>>)
    %scan3A_41 = arith.constant 1.000000e+00 : f32
    %scan3A_42 = arith.constant 0 : i32
    %scan3A_43 = arith.constant 25 : i32
    %scan3A_44 = arith.addi %scan3A_42, %scan3A_43 : i32
    %scan3A_45 = arith.constant 1 : i32
    scf.for %scan3A_47 = %scan3A_42 to %scan3A_44 step %scan3A_45  : i32 {
      %mul3A_48 = arith.constant 1 : i32
      %mul3A_49 = arith.muli %scan3A_47, %mul3A_48 : i32
      %add3A_50 = arith.constant 0 : i32
      %add3A_51 = arith.addi %add3A_50, %mul3A_49 : i32
      %jit3A = arith.constant 2 : i32
      %eq3A = arith.constant 0 : i32
      %eq3A_52 = arith.cmpi eq, %jit3A, %eq3A : i32
      %jit3A_53 = arith.constant 1 : i32
      %select_n3A = arith.select %eq3A_52, %jit3A_53, %jit3A : i32
      %rem3A = arith.remsi %add3A_51, %select_n3A : i32
      %ne3A = arith.constant 0 : i32
      %ne3A_54 = arith.cmpi ne, %rem3A, %ne3A : i32
      %lt3A = arith.constant 0 : i32
      %lt3A_55 = arith.cmpi slt, %rem3A, %lt3A : i32
      %lt3A_56 = arith.constant 0 : i32
      %lt3A_57 = arith.cmpi slt, %select_n3A, %lt3A_56 : i32
      %ne3A_58 = arith.xori %lt3A_55, %lt3A_57 : i1
      %and3A = arith.andi %ne3A_58, %ne3A_54 : i1
      %add3A_59 = arith.addi %rem3A, %select_n3A : i32
      %select_n3A_60 = arith.select %and3A, %add3A_59, %rem3A : i32
      %eq3A_61 = arith.constant 0 : i32
      %eq3A_62 = arith.cmpi eq, %select_n3A_60, %eq3A_61 : i32
      %convert_element_type3A = arith.extui %eq3A_62 : i1 to i32
      %cond3A = arith.constant 0 : i32
      %cond3A_63 = arith.cmpi ne, %convert_element_type3A, %cond3A : i32
      scf.if %cond3A_63 {
        %mul3A_1365 = arith.constant 40 : i32
        %mul3A_1366 = arith.muli %add3A_51, %mul3A_1365 : i32
        %dma_wait3A_1367 = arith.constant 0 : i32
        %dma_wait3A_1368 = arith.constant 0 : i32
        %dma_wait3A_1369 = tpu.memref_slice %arg6[%select_n3A_60, %dma_wait3A_1367, %dma_wait3A_1368] : memref<2x40x512xf32, #tpu.memory_space<vmem>> -> memref<1x40x512xf32, #tpu.memory_space<vmem>>
        %dma_wait3A_1370 = tpu.memref_squeeze %dma_wait3A_1369 : memref<1x40x512xf32, #tpu.memory_space<vmem>> -> memref<40x512xf32, #tpu.memory_space<vmem>>
        %dma_wait3A_1371 = tpu.memref_slice %arg2[%mul3A_1366, %mul3A_5] : memref<1000x16384xf32, #tpu.memory_space<hbm>> -> memref<40x512xf32, #tpu.memory_space<hbm>>
        %dma_wait3A_1372 = arith.constant 0 : i32
        %dma_wait3A_1373 = arith.constant 0 : i32
        %dma_wait3A_1374 = tpu.memref_slice %arg6[%select_n3A_60, %dma_wait3A_1372, %dma_wait3A_1373] : memref<2x40x512xf32, #tpu.memory_space<vmem>> -> memref<1x40x512xf32, #tpu.memory_space<vmem>>
        %dma_wait3A_1375 = tpu.memref_squeeze %dma_wait3A_1374 : memref<1x40x512xf32, #tpu.memory_space<vmem>> -> memref<40x512xf32, #tpu.memory_space<vmem>>
        %dma_wait3A_1376 = tpu.memref_slice %arg2[%mul3A_1366, %mul3A_5] : memref<1000x16384xf32, #tpu.memory_space<hbm>> -> memref<40x512xf32, #tpu.memory_space<hbm>>
        tpu.wait_dma2 semaphore(%arg10 : memref<!tpu.dma_semaphore, #tpu.memory_space<semaphore_mem>>) src(%dma_wait3A_1376 : memref<40x512xf32, #tpu.memory_space<hbm>>) dst(%dma_wait3A_1375 : memref<40x512xf32, #tpu.memory_space<vmem>>)
      } else {
      }
      %eq3A_64 = arith.constant 1 : i32
      %eq3A_65 = arith.cmpi eq, %select_n3A_60, %eq3A_64 : i32
      %convert_element_type3A_66 = arith.extui %eq3A_65 : i1 to i32
      %cond3A_67 = arith.constant 0 : i32
      %cond3A_68 = arith.cmpi ne, %convert_element_type3A_66, %cond3A_67 : i32
      scf.if %cond3A_68 {
        %mul3A_1365 = arith.constant 40 : i32
        %mul3A_1366 = arith.muli %add3A_51, %mul3A_1365 : i32
        %dma_wait3A_1367 = arith.constant 0 : i32
        %dma_wait3A_1368 = arith.constant 0 : i32
        %dma_wait3A_1369 = tpu.memref_slice %arg6[%select_n3A_60, %dma_wait3A_1367, %dma_wait3A_1368] : memref<2x40x512xf32, #tpu.memory_space<vmem>> -> memref<1x40x512xf32, #tpu.memory_space<vmem>>
        %dma_wait3A_1370 = tpu.memref_squeeze %dma_wait3A_1369 : memref<1x40x512xf32, #tpu.memory_space<vmem>> -> memref<40x512xf32, #tpu.memory_space<vmem>>
        %dma_wait3A_1371 = tpu.memref_slice %arg2[%mul3A_1366, %mul3A_5] : memref<1000x16384xf32, #tpu.memory_space<hbm>> -> memref<40x512xf32, #tpu.memory_space<hbm>>
        %dma_wait3A_1372 = arith.constant 0 : i32
        %dma_wait3A_1373 = arith.constant 0 : i32
        %dma_wait3A_1374 = tpu.memref_slice %arg6[%select_n3A_60, %dma_wait3A_1372, %dma_wait3A_1373] : memref<2x40x512xf32, #tpu.memory_space<vmem>> -> memref<1x40x512xf32, #tpu.memory_space<vmem>>
        %dma_wait3A_1375 = tpu.memref_squeeze %dma_wait3A_1374 : memref<1x40x512xf32, #tpu.memory_space<vmem>> -> memref<40x512xf32, #tpu.memory_space<vmem>>
        %dma_wait3A_1376 = tpu.memref_slice %arg2[%mul3A_1366, %mul3A_5] : memref<1000x16384xf32, #tpu.memory_space<hbm>> -> memref<40x512xf32, #tpu.memory_space<hbm>>
        tpu.wait_dma2 semaphore(%arg11 : memref<!tpu.dma_semaphore, #tpu.memory_space<semaphore_mem>>) src(%dma_wait3A_1376 : memref<40x512xf32, #tpu.memory_space<hbm>>) dst(%dma_wait3A_1375 : memref<40x512xf32, #tpu.memory_space<vmem>>)
      } else {
      }
      %mul3A_69 = arith.constant 40 : i32
      %mul3A_70 = arith.muli %add3A_51, %mul3A_69 : i32
      %parallel_loop3A = arith.constant 0 : i32
      %parallel_loop3A_71 = arith.constant 40 : i32
      %parallel_loop3A_72 = arith.constant 1 : i32
      scf.for %parallel_loop3A_1365 = %parallel_loop3A to %parallel_loop3A_71 step %parallel_loop3A_72  : i32 {
        %parallel_loop3A_1366 = arith.constant 0 : i32
        %parallel_loop3A_1367 = arith.constant 0 : i32
        %parallel_loop3A_1368 = tpu.memref_slice %arg6[%select_n3A_60, %parallel_loop3A_1366, %parallel_loop3A_1367] : memref<2x40x512xf32, #tpu.memory_space<vmem>> -> memref<1x40x512xf32, #tpu.memory_space<vmem>>
        %parallel_loop3A_1369 = tpu.memref_squeeze %parallel_loop3A_1368 : memref<1x40x512xf32, #tpu.memory_space<vmem>> -> memref<40x512xf32, #tpu.memory_space<vmem>>
        %parallel_loop3A_1370 = arith.index_cast %parallel_loop3A_1365 : i32 to index
        %parallel_loop3A_1371 = arith.constant 0 : index
        %parallel_loop3A_1372 = tpu.vector_load %parallel_loop3A_1369[%parallel_loop3A_1370, %parallel_loop3A_1371] {strides = array<i32>} : memref<40x512xf32, #tpu.memory_space<vmem>>, vector<16xf32>,
        %parallel_loop3A_1373 = arith.constant 0 : i32
        %parallel_loop3A_1374 = arith.constant 0 : i32
        %parallel_loop3A_1375 = tpu.memref_slice %arg6[%select_n3A_60, %parallel_loop3A_1373, %parallel_loop3A_1374] : memref<2x40x512xf32, #tpu.memory_space<vmem>> -> memref<1x40x512xf32, #tpu.memory_space<vmem>>
        %parallel_loop3A_1376 = tpu.memref_squeeze %parallel_loop3A_1375 : memref<1x40x512xf32, #tpu.memory_space<vmem>> -> memref<40x512xf32, #tpu.memory_space<vmem>>
        %parallel_loop3A_1377 = arith.index_cast %parallel_loop3A_1365 : i32 to index
        %parallel_loop3A_1378 = arith.constant 16 : index
        %parallel_loop3A_1379 = tpu.vector_load %parallel_loop3A_1376[%parallel_loop3A_1377, %parallel_loop3A_1378] {strides = array<i32>} : memref<40x512xf32, #tpu.memory_space<vmem>>, vector<16xf32>,
        %parallel_loop3A_1380 = arith.constant 0 : i32
        %parallel_loop3A_1381 = arith.constant 0 : i32
        %parallel_loop3A_1382 = tpu.memref_slice %arg6[%select_n3A_60, %parallel_loop3A_1380, %parallel_loop3A_1381] : memref<2x40x512xf32, #tpu.memory_space<vmem>> -> memref<1x40x512xf32, #tpu.memory_space<vmem>>
        %parallel_loop3A_1383 = tpu.memref_squeeze %parallel_loop3A_1382 : memref<1x40x512xf32, #tpu.memory_space<vmem>> -> memref<40x512xf32, #tpu.memory_space<vmem>>
        %parallel_loop3A_1384 = arith.index_cast %parallel_loop3A_1365 : i32 to index
        %parallel_loop3A_1385 = arith.constant 32 : index
        %parallel_loop3A_1386 = tpu.vector_load %parallel_loop3A_1383[%parallel_loop3A_1384, %parallel_loop3A_1385] {strides = array<i32>} : memref<40x512xf32, #tpu.memory_space<vmem>>, vector<16xf32>,
        %parallel_loop3A_1387 = arith.constant 0 : i32
        %parallel_loop3A_1388 = arith.constant 0 : i32
        %parallel_loop3A_1389 = tpu.memref_slice %arg6[%select_n3A_60, %parallel_loop3A_1387, %parallel_loop3A_1388] : memref<2x40x512xf32, #tpu.memory_space<vmem>> -> memref<1x40x512xf32, #tpu.memory_space<vmem>>
        %parallel_loop3A_1390 = tpu.memref_squeeze %parallel_loop3A_1389 : memref<1x40x512xf32, #tpu.memory_space<vmem>> -> memref<40x512xf32, #tpu.memory_space<vmem>>
        %parallel_loop3A_1391 = arith.index_cast %parallel_loop3A_1365 : i32 to index
        %parallel_loop3A_1392 = arith.constant 48 : index
        %parallel_loop3A_1393 = tpu.vector_load %parallel_loop3A_1390[%parallel_loop3A_1391, %parallel_loop3A_1392] {strides = array<i32>} : memref<40x512xf32, #tpu.memory_space<vmem>>, vector<16xf32>,
        %parallel_loop3A_1394 = arith.constant 0 : i32
        %parallel_loop3A_1395 = arith.constant 0 : i32
        %parallel_loop3A_1396 = tpu.memref_slice %arg6[%select_n3A_60, %parallel_loop3A_1394, %parallel_loop3A_1395] : memref<2x40x512xf32, #tpu.memory_space<vmem>> -> memref<1x40x512xf32, #tpu.memory_space<vmem>>
        %parallel_loop3A_1397 = tpu.memref_squeeze %parallel_loop3A_1396 : memref<1x40x512xf32, #tpu.memory_space<vmem>> -> memref<40x512xf32, #tpu.memory_space<vmem>>
        %parallel_loop3A_1398 = arith.index_cast %parallel_loop3A_1365 : i32 to index
        %parallel_loop3A_1399 = arith.constant 64 : index
        %parallel_loop3A_1400 = tpu.vector_load %parallel_loop3A_1397[%parallel_loop3A_1398, %parallel_loop3A_1399] {strides = array<i32>} : memref<40x512xf32, #tpu.memory_space<vmem>>, vector<16xf32>,
        %parallel_loop3A_1401 = arith.constant 0 : i32
        %parallel_loop3A_1402 = arith.constant 0 : i32
        %parallel_loop3A_1403 = tpu.memref_slice %arg6[%select_n3A_60, %parallel_loop3A_1401, %parallel_loop3A_1402] : memref<2x40x512xf32, #tpu.memory_space<vmem>> -> memref<1x40x512xf32, #tpu.memory_space<vmem>>
        %parallel_loop3A_1404 = tpu.memref_squeeze %parallel_loop3A_1403 : memref<1x40x512xf32, #tpu.memory_space<vmem>> -> memref<40x512xf32, #tpu.memory_space<vmem>>
        %parallel_loop3A_1405 = arith.index_cast %parallel_loop3A_1365 : i32 to index
        %parallel_loop3A_1406 = arith.constant 80 : index
        %parallel_loop3A_1407 = tpu.vector_load %parallel_loop3A_1404[%parallel_loop3A_1405, %parallel_loop3A_1406] {strides = array<i32>} : memref<40x512xf32, #tpu.memory_space<vmem>>, vector<16xf32>,
        %parallel_loop3A_1408 = arith.constant 0 : i32
        %parallel_loop3A_1409 = arith.constant 0 : i32
        %parallel_loop3A_1410 = tpu.memref_slice %arg6[%select_n3A_60, %parallel_loop3A_1408, %parallel_loop3A_1409] : memref<2x40x512xf32, #tpu.memory_space<vmem>> -> memref<1x40x512xf32, #tpu.memory_space<vmem>>
        %parallel_loop3A_1411 = tpu.memref_squeeze %parallel_loop3A_1410 : memref<1x40x512xf32, #tpu.memory_space<vmem>> -> memref<40x512xf32, #tpu.memory_space<vmem>>
        %parallel_loop3A_1412 = arith.index_cast %parallel_loop3A_1365 : i32 to index
        %parallel_loop3A_1413 = arith.constant 96 : index
        %parallel_loop3A_1414 = tpu.vector_load %parallel_loop3A_1411[%parallel_loop3A_1412, %parallel_loop3A_1413] {strides = array<i32>} : memref<40x512xf32, #tpu.memory_space<vmem>>, vector<16xf32>,
        %parallel_loop3A_1415 = arith.constant 0 : i32
        %parallel_loop3A_1416 = arith.constant 0 : i32
        %parallel_loop3A_1417 = tpu.memref_slice %arg6[%select_n3A_60, %parallel_loop3A_1415, %parallel_loop3A_1416] : memref<2x40x512xf32, #tpu.memory_space<vmem>> -> memref<1x40x512xf32, #tpu.memory_space<vmem>>
        %parallel_loop3A_1418 = tpu.memref_squeeze %parallel_loop3A_1417 : memref<1x40x512xf32, #tpu.memory_space<vmem>> -> memref<40x512xf32, #tpu.memory_space<vmem>>
        %parallel_loop3A_1419 = arith.index_cast %parallel_loop3A_1365 : i32 to index
        %parallel_loop3A_1420 = arith.constant 112 : index
        %parallel_loop3A_1421 = tpu.vector_load %parallel_loop3A_1418[%parallel_loop3A_1419, %parallel_loop3A_1420] {strides = array<i32>} : memref<40x512xf32, #tpu.memory_space<vmem>>, vector<16xf32>,
        %parallel_loop3A_1422 = arith.constant 0 : i32
        %parallel_loop3A_1423 = arith.constant 0 : i32
        %parallel_loop3A_1424 = tpu.memref_slice %arg6[%select_n3A_60, %parallel_loop3A_1422, %parallel_loop3A_1423] : memref<2x40x512xf32, #tpu.memory_space<vmem>> -> memref<1x40x512xf32, #tpu.memory_space<vmem>>
        %parallel_loop3A_1425 = tpu.memref_squeeze %parallel_loop3A_1424 : memref<1x40x512xf32, #tpu.memory_space<vmem>> -> memref<40x512xf32, #tpu.memory_space<vmem>>
        %parallel_loop3A_1426 = arith.index_cast %parallel_loop3A_1365 : i32 to index
        %parallel_loop3A_1427 = arith.constant 128 : index
        %parallel_loop3A_1428 = tpu.vector_load %parallel_loop3A_1425[%parallel_loop3A_1426, %parallel_loop3A_1427] {strides = array<i32>} : memref<40x512xf32, #tpu.memory_space<vmem>>, vector<16xf32>,
        %parallel_loop3A_1429 = arith.constant 0 : i32
        %parallel_loop3A_1430 = arith.constant 0 : i32
        %parallel_loop3A_1431 = tpu.memref_slice %arg6[%select_n3A_60, %parallel_loop3A_1429, %parallel_loop3A_1430] : memref<2x40x512xf32, #tpu.memory_space<vmem>> -> memref<1x40x512xf32, #tpu.memory_space<vmem>>
        %parallel_loop3A_1432 = tpu.memref_squeeze %parallel_loop3A_1431 : memref<1x40x512xf32, #tpu.memory_space<vmem>> -> memref<40x512xf32, #tpu.memory_space<vmem>>
        %parallel_loop3A_1433 = arith.index_cast %parallel_loop3A_1365 : i32 to index
        %parallel_loop3A_1434 = arith.constant 144 : index
        %parallel_loop3A_1435 = tpu.vector_load %parallel_loop3A_1432[%parallel_loop3A_1433, %parallel_loop3A_1434] {strides = array<i32>} : memref<40x512xf32, #tpu.memory_space<vmem>>, vector<16xf32>,
        %parallel_loop3A_1436 = arith.constant 0 : i32
        %parallel_loop3A_1437 = arith.constant 0 : i32
        %parallel_loop3A_1438 = tpu.memref_slice %arg6[%select_n3A_60, %parallel_loop3A_1436, %parallel_loop3A_1437] : memref<2x40x512xf32, #tpu.memory_space<vmem>> -> memref<1x40x512xf32, #tpu.memory_space<vmem>>
        %parallel_loop3A_1439 = tpu.memref_squeeze %parallel_loop3A_1438 : memref<1x40x512xf32, #tpu.memory_space<vmem>> -> memref<40x512xf32, #tpu.memory_space<vmem>>
        %parallel_loop3A_1440 = arith.index_cast %parallel_loop3A_1365 : i32 to index
        %parallel_loop3A_1441 = arith.constant 160 : index
        %parallel_loop3A_1442 = tpu.vector_load %parallel_loop3A_1439[%parallel_loop3A_1440, %parallel_loop3A_1441] {strides = array<i32>} : memref<40x512xf32, #tpu.memory_space<vmem>>, vector<16xf32>,
        %parallel_loop3A_1443 = arith.constant 0 : i32
        %parallel_loop3A_1444 = arith.constant 0 : i32
        %parallel_loop3A_1445 = tpu.memref_slice %arg6[%select_n3A_60, %parallel_loop3A_1443, %parallel_loop3A_1444] : memref<2x40x512xf32, #tpu.memory_space<vmem>> -> memref<1x40x512xf32, #tpu.memory_space<vmem>>
        %parallel_loop3A_1446 = tpu.memref_squeeze %parallel_loop3A_1445 : memref<1x40x512xf32, #tpu.memory_space<vmem>> -> memref<40x512xf32, #tpu.memory_space<vmem>>
        %parallel_loop3A_1447 = arith.index_cast %parallel_loop3A_1365 : i32 to index
        %parallel_loop3A_1448 = arith.constant 176 : index
        %parallel_loop3A_1449 = tpu.vector_load %parallel_loop3A_1446[%parallel_loop3A_1447, %parallel_loop3A_1448] {strides = array<i32>} : memref<40x512xf32, #tpu.memory_space<vmem>>, vector<16xf32>,
        %parallel_loop3A_1450 = arith.constant 0 : i32
        %parallel_loop3A_1451 = arith.constant 0 : i32
        %parallel_loop3A_1452 = tpu.memref_slice %arg6[%select_n3A_60, %parallel_loop3A_1450, %parallel_loop3A_1451] : memref<2x40x512xf32, #tpu.memory_space<vmem>> -> memref<1x40x512xf32, #tpu.memory_space<vmem>>
        %parallel_loop3A_1453 = tpu.memref_squeeze %parallel_loop3A_1452 : memref<1x40x512xf32, #tpu.memory_space<vmem>> -> memref<40x512xf32, #tpu.memory_space<vmem>>
        %parallel_loop3A_1454 = arith.index_cast %parallel_loop3A_1365 : i32 to index
        %parallel_loop3A_1455 = arith.constant 192 : index
        %parallel_loop3A_1456 = tpu.vector_load %parallel_loop3A_1453[%parallel_loop3A_1454, %parallel_loop3A_1455] {strides = array<i32>} : memref<40x512xf32, #tpu.memory_space<vmem>>, vector<16xf32>,
        %parallel_loop3A_1457 = arith.constant 0 : i32
        %parallel_loop3A_1458 = arith.constant 0 : i32
        %parallel_loop3A_1459 = tpu.memref_slice %arg6[%select_n3A_60, %parallel_loop3A_1457, %parallel_loop3A_1458] : memref<2x40x512xf32, #tpu.memory_space<vmem>> -> memref<1x40x512xf32, #tpu.memory_space<vmem>>
        %parallel_loop3A_1460 = tpu.memref_squeeze %parallel_loop3A_1459 : memref<1x40x512xf32, #tpu.memory_space<vmem>> -> memref<40x512xf32, #tpu.memory_space<vmem>>
        %parallel_loop3A_1461 = arith.index_cast %parallel_loop3A_1365 : i32 to index
        %parallel_loop3A_1462 = arith.constant 208 : index
        %parallel_loop3A_1463 = tpu.vector_load %parallel_loop3A_1460[%parallel_loop3A_1461, %parallel_loop3A_1462] {strides = array<i32>} : memref<40x512xf32, #tpu.memory_space<vmem>>, vector<16xf32>,
        %parallel_loop3A_1464 = arith.constant 0 : i32
        %parallel_loop3A_1465 = arith.constant 0 : i32
        %parallel_loop3A_1466 = tpu.memref_slice %arg6[%select_n3A_60, %parallel_loop3A_1464, %parallel_loop3A_1465] : memref<2x40x512xf32, #tpu.memory_space<vmem>> -> memref<1x40x512xf32, #tpu.memory_space<vmem>>
        %parallel_loop3A_1467 = tpu.memref_squeeze %parallel_loop3A_1466 : memref<1x40x512xf32, #tpu.memory_space<vmem>> -> memref<40x512xf32, #tpu.memory_space<vmem>>
        %parallel_loop3A_1468 = arith.index_cast %parallel_loop3A_1365 : i32 to index
        %parallel_loop3A_1469 = arith.constant 224 : index
        %parallel_loop3A_1470 = tpu.vector_load %parallel_loop3A_1467[%parallel_loop3A_1468, %parallel_loop3A_1469] {strides = array<i32>} : memref<40x512xf32, #tpu.memory_space<vmem>>, vector<16xf32>,
        %parallel_loop3A_1471 = arith.constant 0 : i32
        %parallel_loop3A_1472 = arith.constant 0 : i32
        %parallel_loop3A_1473 = tpu.memref_slice %arg6[%select_n3A_60, %parallel_loop3A_1471, %parallel_loop3A_1472] : memref<2x40x512xf32, #tpu.memory_space<vmem>> -> memref<1x40x512xf32, #tpu.memory_space<vmem>>
        %parallel_loop3A_1474 = tpu.memref_squeeze %parallel_loop3A_1473 : memref<1x40x512xf32, #tpu.memory_space<vmem>> -> memref<40x512xf32, #tpu.memory_space<vmem>>
        %parallel_loop3A_1475 = arith.index_cast %parallel_loop3A_1365 : i32 to index
        %parallel_loop3A_1476 = arith.constant 240 : index
        %parallel_loop3A_1477 = tpu.vector_load %parallel_loop3A_1474[%parallel_loop3A_1475, %parallel_loop3A_1476] {strides = array<i32>} : memref<40x512xf32, #tpu.memory_space<vmem>>, vector<16xf32>,
        %parallel_loop3A_1478 = arith.constant 0 : i32
        %parallel_loop3A_1479 = arith.constant 0 : i32
        %parallel_loop3A_1480 = tpu.memref_slice %arg6[%select_n3A_60, %parallel_loop3A_1478, %parallel_loop3A_1479] : memref<2x40x512xf32, #tpu.memory_space<vmem>> -> memref<1x40x512xf32, #tpu.memory_space<vmem>>
        %parallel_loop3A_1481 = tpu.memref_squeeze %parallel_loop3A_1480 : memref<1x40x512xf32, #tpu.memory_space<vmem>> -> memref<40x512xf32, #tpu.memory_space<vmem>>
        %parallel_loop3A_1482 = arith.index_cast %parallel_loop3A_1365 : i32 to index
        %parallel_loop3A_1483 = arith.constant 256 : index
        %parallel_loop3A_1484 = tpu.vector_load %parallel_loop3A_1481[%parallel_loop3A_1482, %parallel_loop3A_1483] {strides = array<i32>} : memref<40x512xf32, #tpu.memory_space<vmem>>, vector<16xf32>,
        %parallel_loop3A_1485 = arith.constant 0 : i32
        %parallel_loop3A_1486 = arith.constant 0 : i32
        %parallel_loop3A_1487 = tpu.memref_slice %arg6[%select_n3A_60, %parallel_loop3A_1485, %parallel_loop3A_1486] : memref<2x40x512xf32, #tpu.memory_space<vmem>> -> memref<1x40x512xf32, #tpu.memory_space<vmem>>
        %parallel_loop3A_1488 = tpu.memref_squeeze %parallel_loop3A_1487 : memref<1x40x512xf32, #tpu.memory_space<vmem>> -> memref<40x512xf32, #tpu.memory_space<vmem>>
        %parallel_loop3A_1489 = arith.index_cast %parallel_loop3A_1365 : i32 to index
        %parallel_loop3A_1490 = arith.constant 272 : index
        %parallel_loop3A_1491 = tpu.vector_load %parallel_loop3A_1488[%parallel_loop3A_1489, %parallel_loop3A_1490] {strides = array<i32>} : memref<40x512xf32, #tpu.memory_space<vmem>>, vector<16xf32>,
        %parallel_loop3A_1492 = arith.constant 0 : i32
        %parallel_loop3A_1493 = arith.constant 0 : i32
        %parallel_loop3A_1494 = tpu.memref_slice %arg6[%select_n3A_60, %parallel_loop3A_1492, %parallel_loop3A_1493] : memref<2x40x512xf32, #tpu.memory_space<vmem>> -> memref<1x40x512xf32, #tpu.memory_space<vmem>>
        %parallel_loop3A_1495 = tpu.memref_squeeze %parallel_loop3A_1494 : memref<1x40x512xf32, #tpu.memory_space<vmem>> -> memref<40x512xf32, #tpu.memory_space<vmem>>
        %parallel_loop3A_1496 = arith.index_cast %parallel_loop3A_1365 : i32 to index
        %parallel_loop3A_1497 = arith.constant 288 : index
        %parallel_loop3A_1498 = tpu.vector_load %parallel_loop3A_1495[%parallel_loop3A_1496, %parallel_loop3A_1497] {strides = array<i32>} : memref<40x512xf32, #tpu.memory_space<vmem>>, vector<16xf32>,
        %parallel_loop3A_1499 = arith.constant 0 : i32
        %parallel_loop3A_1500 = arith.constant 0 : i32
        %parallel_loop3A_1501 = tpu.memref_slice %arg6[%select_n3A_60, %parallel_loop3A_1499, %parallel_loop3A_1500] : memref<2x40x512xf32, #tpu.memory_space<vmem>> -> memref<1x40x512xf32, #tpu.memory_space<vmem>>
        %parallel_loop3A_1502 = tpu.memref_squeeze %parallel_loop3A_1501 : memref<1x40x512xf32, #tpu.memory_space<vmem>> -> memref<40x512xf32, #tpu.memory_space<vmem>>
        %parallel_loop3A_1503 = arith.index_cast %parallel_loop3A_1365 : i32 to index
        %parallel_loop3A_1504 = arith.constant 304 : index
        %parallel_loop3A_1505 = tpu.vector_load %parallel_loop3A_1502[%parallel_loop3A_1503, %parallel_loop3A_1504] {strides = array<i32>} : memref<40x512xf32, #tpu.memory_space<vmem>>, vector<16xf32>,
        %parallel_loop3A_1506 = arith.constant 0 : i32
        %parallel_loop3A_1507 = arith.constant 0 : i32
        %parallel_loop3A_1508 = tpu.memref_slice %arg6[%select_n3A_60, %parallel_loop3A_1506, %parallel_loop3A_1507] : memref<2x40x512xf32, #tpu.memory_space<vmem>> -> memref<1x40x512xf32, #tpu.memory_space<vmem>>
        %parallel_loop3A_1509 = tpu.memref_squeeze %parallel_loop3A_1508 : memref<1x40x512xf32, #tpu.memory_space<vmem>> -> memref<40x512xf32, #tpu.memory_space<vmem>>
        %parallel_loop3A_1510 = arith.index_cast %parallel_loop3A_1365 : i32 to index
        %parallel_loop3A_1511 = arith.constant 320 : index
        %parallel_loop3A_1512 = tpu.vector_load %parallel_loop3A_1509[%parallel_loop3A_1510, %parallel_loop3A_1511] {strides = array<i32>} : memref<40x512xf32, #tpu.memory_space<vmem>>, vector<16xf32>,
        %parallel_loop3A_1513 = arith.constant 0 : i32
        %parallel_loop3A_1514 = arith.constant 0 : i32
        %parallel_loop3A_1515 = tpu.memref_slice %arg6[%select_n3A_60, %parallel_loop3A_1513, %parallel_loop3A_1514] : memref<2x40x512xf32, #tpu.memory_space<vmem>> -> memref<1x40x512xf32, #tpu.memory_space<vmem>>
        %parallel_loop3A_1516 = tpu.memref_squeeze %parallel_loop3A_1515 : memref<1x40x512xf32, #tpu.memory_space<vmem>> -> memref<40x512xf32, #tpu.memory_space<vmem>>
        %parallel_loop3A_1517 = arith.index_cast %parallel_loop3A_1365 : i32 to index
        %parallel_loop3A_1518 = arith.constant 336 : index
        %parallel_loop3A_1519 = tpu.vector_load %parallel_loop3A_1516[%parallel_loop3A_1517, %parallel_loop3A_1518] {strides = array<i32>} : memref<40x512xf32, #tpu.memory_space<vmem>>, vector<16xf32>,
        %parallel_loop3A_1520 = arith.constant 0 : i32
        %parallel_loop3A_1521 = arith.constant 0 : i32
        %parallel_loop3A_1522 = tpu.memref_slice %arg6[%select_n3A_60, %parallel_loop3A_1520, %parallel_loop3A_1521] : memref<2x40x512xf32, #tpu.memory_space<vmem>> -> memref<1x40x512xf32, #tpu.memory_space<vmem>>
        %parallel_loop3A_1523 = tpu.memref_squeeze %parallel_loop3A_1522 : memref<1x40x512xf32, #tpu.memory_space<vmem>> -> memref<40x512xf32, #tpu.memory_space<vmem>>
        %parallel_loop3A_1524 = arith.index_cast %parallel_loop3A_1365 : i32 to index
        %parallel_loop3A_1525 = arith.constant 352 : index
        %parallel_loop3A_1526 = tpu.vector_load %parallel_loop3A_1523[%parallel_loop3A_1524, %parallel_loop3A_1525] {strides = array<i32>} : memref<40x512xf32, #tpu.memory_space<vmem>>, vector<16xf32>,
        %parallel_loop3A_1527 = arith.constant 0 : i32
        %parallel_loop3A_1528 = arith.constant 0 : i32
        %parallel_loop3A_1529 = tpu.memref_slice %arg6[%select_n3A_60, %parallel_loop3A_1527, %parallel_loop3A_1528] : memref<2x40x512xf32, #tpu.memory_space<vmem>> -> memref<1x40x512xf32, #tpu.memory_space<vmem>>
        %parallel_loop3A_1530 = tpu.memref_squeeze %parallel_loop3A_1529 : memref<1x40x512xf32, #tpu.memory_space<vmem>> -> memref<40x512xf32, #tpu.memory_space<vmem>>
        %parallel_loop3A_1531 = arith.index_cast %parallel_loop3A_1365 : i32 to index
        %parallel_loop3A_1532 = arith.constant 368 : index
        %parallel_loop3A_1533 = tpu.vector_load %parallel_loop3A_1530[%parallel_loop3A_1531, %parallel_loop3A_1532] {strides = array<i32>} : memref<40x512xf32, #tpu.memory_space<vmem>>, vector<16xf32>,
        %parallel_loop3A_1534 = arith.constant 0 : i32
        %parallel_loop3A_1535 = arith.constant 0 : i32
        %parallel_loop3A_1536 = tpu.memref_slice %arg6[%select_n3A_60, %parallel_loop3A_1534, %parallel_loop3A_1535] : memref<2x40x512xf32, #tpu.memory_space<vmem>> -> memref<1x40x512xf32, #tpu.memory_space<vmem>>
        %parallel_loop3A_1537 = tpu.memref_squeeze %parallel_loop3A_1536 : memref<1x40x512xf32, #tpu.memory_space<vmem>> -> memref<40x512xf32, #tpu.memory_space<vmem>>
        %parallel_loop3A_1538 = arith.index_cast %parallel_loop3A_1365 : i32 to index
        %parallel_loop3A_1539 = arith.constant 384 : index
        %parallel_loop3A_1540 = tpu.vector_load %parallel_loop3A_1537[%parallel_loop3A_1538, %parallel_loop3A_1539] {strides = array<i32>} : memref<40x512xf32, #tpu.memory_space<vmem>>, vector<16xf32>,
        %parallel_loop3A_1541 = arith.constant 0 : i32
        %parallel_loop3A_1542 = arith.constant 0 : i32
        %parallel_loop3A_1543 = tpu.memref_slice %arg6[%select_n3A_60, %parallel_loop3A_1541, %parallel_loop3A_1542] : memref<2x40x512xf32, #tpu.memory_space<vmem>> -> memref<1x40x512xf32, #tpu.memory_space<vmem>>
        %parallel_loop3A_1544 = tpu.memref_squeeze %parallel_loop3A_1543 : memref<1x40x512xf32, #tpu.memory_space<vmem>> -> memref<40x512xf32, #tpu.memory_space<vmem>>
        %parallel_loop3A_1545 = arith.index_cast %parallel_loop3A_1365 : i32 to index
        %parallel_loop3A_1546 = arith.constant 400 : index
        %parallel_loop3A_1547 = tpu.vector_load %parallel_loop3A_1544[%parallel_loop3A_1545, %parallel_loop3A_1546] {strides = array<i32>} : memref<40x512xf32, #tpu.memory_space<vmem>>, vector<16xf32>,
        %parallel_loop3A_1548 = arith.constant 0 : i32
        %parallel_loop3A_1549 = arith.constant 0 : i32
        %parallel_loop3A_1550 = tpu.memref_slice %arg6[%select_n3A_60, %parallel_loop3A_1548, %parallel_loop3A_1549] : memref<2x40x512xf32, #tpu.memory_space<vmem>> -> memref<1x40x512xf32, #tpu.memory_space<vmem>>
        %parallel_loop3A_1551 = tpu.memref_squeeze %parallel_loop3A_1550 : memref<1x40x512xf32, #tpu.memory_space<vmem>> -> memref<40x512xf32, #tpu.memory_space<vmem>>
        %parallel_loop3A_1552 = arith.index_cast %parallel_loop3A_1365 : i32 to index
        %parallel_loop3A_1553 = arith.constant 416 : index
        %parallel_loop3A_1554 = tpu.vector_load %parallel_loop3A_1551[%parallel_loop3A_1552, %parallel_loop3A_1553] {strides = array<i32>} : memref<40x512xf32, #tpu.memory_space<vmem>>, vector<16xf32>,
        %parallel_loop3A_1555 = arith.constant 0 : i32
        %parallel_loop3A_1556 = arith.constant 0 : i32
        %parallel_loop3A_1557 = tpu.memref_slice %arg6[%select_n3A_60, %parallel_loop3A_1555, %parallel_loop3A_1556] : memref<2x40x512xf32, #tpu.memory_space<vmem>> -> memref<1x40x512xf32, #tpu.memory_space<vmem>>
        %parallel_loop3A_1558 = tpu.memref_squeeze %parallel_loop3A_1557 : memref<1x40x512xf32, #tpu.memory_space<vmem>> -> memref<40x512xf32, #tpu.memory_space<vmem>>
        %parallel_loop3A_1559 = arith.index_cast %parallel_loop3A_1365 : i32 to index
        %parallel_loop3A_1560 = arith.constant 432 : index
        %parallel_loop3A_1561 = tpu.vector_load %parallel_loop3A_1558[%parallel_loop3A_1559, %parallel_loop3A_1560] {strides = array<i32>} : memref<40x512xf32, #tpu.memory_space<vmem>>, vector<16xf32>,
        %parallel_loop3A_1562 = arith.constant 0 : i32
        %parallel_loop3A_1563 = arith.constant 0 : i32
        %parallel_loop3A_1564 = tpu.memref_slice %arg6[%select_n3A_60, %parallel_loop3A_1562, %parallel_loop3A_1563] : memref<2x40x512xf32, #tpu.memory_space<vmem>> -> memref<1x40x512xf32, #tpu.memory_space<vmem>>
        %parallel_loop3A_1565 = tpu.memref_squeeze %parallel_loop3A_1564 : memref<1x40x512xf32, #tpu.memory_space<vmem>> -> memref<40x512xf32, #tpu.memory_space<vmem>>
        %parallel_loop3A_1566 = arith.index_cast %parallel_loop3A_1365 : i32 to index
        %parallel_loop3A_1567 = arith.constant 448 : index
        %parallel_loop3A_1568 = tpu.vector_load %parallel_loop3A_1565[%parallel_loop3A_1566, %parallel_loop3A_1567] {strides = array<i32>} : memref<40x512xf32, #tpu.memory_space<vmem>>, vector<16xf32>,
        %parallel_loop3A_1569 = arith.constant 0 : i32
        %parallel_loop3A_1570 = arith.constant 0 : i32
        %parallel_loop3A_1571 = tpu.memref_slice %arg6[%select_n3A_60, %parallel_loop3A_1569, %parallel_loop3A_1570] : memref<2x40x512xf32, #tpu.memory_space<vmem>> -> memref<1x40x512xf32, #tpu.memory_space<vmem>>
        %parallel_loop3A_1572 = tpu.memref_squeeze %parallel_loop3A_1571 : memref<1x40x512xf32, #tpu.memory_space<vmem>> -> memref<40x512xf32, #tpu.memory_space<vmem>>
        %parallel_loop3A_1573 = arith.index_cast %parallel_loop3A_1365 : i32 to index
        %parallel_loop3A_1574 = arith.constant 464 : index
        %parallel_loop3A_1575 = tpu.vector_load %parallel_loop3A_1572[%parallel_loop3A_1573, %parallel_loop3A_1574] {strides = array<i32>} : memref<40x512xf32, #tpu.memory_space<vmem>>, vector<16xf32>,
        %parallel_loop3A_1576 = arith.constant 0 : i32
        %parallel_loop3A_1577 = arith.constant 0 : i32
        %parallel_loop3A_1578 = tpu.memref_slice %arg6[%select_n3A_60, %parallel_loop3A_1576, %parallel_loop3A_1577] : memref<2x40x512xf32, #tpu.memory_space<vmem>> -> memref<1x40x512xf32, #tpu.memory_space<vmem>>
        %parallel_loop3A_1579 = tpu.memref_squeeze %parallel_loop3A_1578 : memref<1x40x512xf32, #tpu.memory_space<vmem>> -> memref<40x512xf32, #tpu.memory_space<vmem>>
        %parallel_loop3A_1580 = arith.index_cast %parallel_loop3A_1365 : i32 to index
        %parallel_loop3A_1581 = arith.constant 480 : index
        %parallel_loop3A_1582 = tpu.vector_load %parallel_loop3A_1579[%parallel_loop3A_1580, %parallel_loop3A_1581] {strides = array<i32>} : memref<40x512xf32, #tpu.memory_space<vmem>>, vector<16xf32>,
        %parallel_loop3A_1583 = arith.constant 0 : i32
        %parallel_loop3A_1584 = arith.constant 0 : i32
        %parallel_loop3A_1585 = tpu.memref_slice %arg6[%select_n3A_60, %parallel_loop3A_1583, %parallel_loop3A_1584] : memref<2x40x512xf32, #tpu.memory_space<vmem>> -> memref<1x40x512xf32, #tpu.memory_space<vmem>>
        %parallel_loop3A_1586 = tpu.memref_squeeze %parallel_loop3A_1585 : memref<1x40x512xf32, #tpu.memory_space<vmem>> -> memref<40x512xf32, #tpu.memory_space<vmem>>
        %parallel_loop3A_1587 = arith.index_cast %parallel_loop3A_1365 : i32 to index
        %parallel_loop3A_1588 = arith.constant 496 : index
        %parallel_loop3A_1589 = tpu.vector_load %parallel_loop3A_1586[%parallel_loop3A_1587, %parallel_loop3A_1588] {strides = array<i32>} : memref<40x512xf32, #tpu.memory_space<vmem>>, vector<16xf32>,
        %parallel_loop3A_1590 = tpu.bitcast %parallel_loop3A_1372 : vector<16xf32> -> vector<16xi32>
        %parallel_loop3A_1591 = arith.constant 2147483647 : i32
        %parallel_loop3A_1592 = vector.broadcast %parallel_loop3A_1591 : i32 to vector<16xi32>
        %parallel_loop3A_1593 = arith.andi %parallel_loop3A_1590, %parallel_loop3A_1592 : vector<16xi32>
        %parallel_loop3A_1594 = arith.constant 16 : i32
        %parallel_loop3A_1595 = vector.broadcast %parallel_loop3A_1594 : i32 to vector<16xi32>
        %parallel_loop3A_1596 = arith.shrsi %parallel_loop3A_1593, %parallel_loop3A_1595 : vector<16xi32>
        %parallel_loop3A_1597 = tpu.bitcast %parallel_loop3A_1379 : vector<16xf32> -> vector<16xi32>
        %parallel_loop3A_1598 = arith.constant 2147483647 : i32
        %parallel_loop3A_1599 = vector.broadcast %parallel_loop3A_1598 : i32 to vector<16xi32>
        %parallel_loop3A_1600 = arith.andi %parallel_loop3A_1597, %parallel_loop3A_1599 : vector<16xi32>
        %parallel_loop3A_1601 = arith.constant 16 : i32
        %parallel_loop3A_1602 = vector.broadcast %parallel_loop3A_1601 : i32 to vector<16xi32>
        %parallel_loop3A_1603 = arith.shrsi %parallel_loop3A_1600, %parallel_loop3A_1602 : vector<16xi32>
        %parallel_loop3A_1604 = tpu.bitcast %parallel_loop3A_1386 : vector<16xf32> -> vector<16xi32>
        %parallel_loop3A_1605 = arith.constant 2147483647 : i32
        %parallel_loop3A_1606 = vector.broadcast %parallel_loop3A_1605 : i32 to vector<16xi32>
        %parallel_loop3A_1607 = arith.andi %parallel_loop3A_1604, %parallel_loop3A_1606 : vector<16xi32>
        %parallel_loop3A_1608 = arith.constant 16 : i32
        %parallel_loop3A_1609 = vector.broadcast %parallel_loop3A_1608 : i32 to vector<16xi32>
        %parallel_loop3A_1610 = arith.shrsi %parallel_loop3A_1607, %parallel_loop3A_1609 : vector<16xi32>
        %parallel_loop3A_1611 = tpu.bitcast %parallel_loop3A_1393 : vector<16xf32> -> vector<16xi32>
        %parallel_loop3A_1612 = arith.constant 2147483647 : i32
        %parallel_loop3A_1613 = vector.broadcast %parallel_loop3A_1612 : i32 to vector<16xi32>
        %parallel_loop3A_1614 = arith.andi %parallel_loop3A_1611, %parallel_loop3A_1613 : vector<16xi32>
        %parallel_loop3A_1615 = arith.constant 16 : i32
        %parallel_loop3A_1616 = vector.broadcast %parallel_loop3A_1615 : i32 to vector<16xi32>
        %parallel_loop3A_1617 = arith.shrsi %parallel_loop3A_1614, %parallel_loop3A_1616 : vector<16xi32>
        %parallel_loop3A_1618 = tpu.bitcast %parallel_loop3A_1400 : vector<16xf32> -> vector<16xi32>
        %parallel_loop3A_1619 = arith.constant 2147483647 : i32
        %parallel_loop3A_1620 = vector.broadcast %parallel_loop3A_1619 : i32 to vector<16xi32>
        %parallel_loop3A_1621 = arith.andi %parallel_loop3A_1618, %parallel_loop3A_1620 : vector<16xi32>
        %parallel_loop3A_1622 = arith.constant 16 : i32
        %parallel_loop3A_1623 = vector.broadcast %parallel_loop3A_1622 : i32 to vector<16xi32>
        %parallel_loop3A_1624 = arith.shrsi %parallel_loop3A_1621, %parallel_loop3A_1623 : vector<16xi32>
        %parallel_loop3A_1625 = tpu.bitcast %parallel_loop3A_1407 : vector<16xf32> -> vector<16xi32>
        %parallel_loop3A_1626 = arith.constant 2147483647 : i32
        %parallel_loop3A_1627 = vector.broadcast %parallel_loop3A_1626 : i32 to vector<16xi32>
        %parallel_loop3A_1628 = arith.andi %parallel_loop3A_1625, %parallel_loop3A_1627 : vector<16xi32>
        %parallel_loop3A_1629 = arith.constant 16 : i32
        %parallel_loop3A_1630 = vector.broadcast %parallel_loop3A_1629 : i32 to vector<16xi32>
        %parallel_loop3A_1631 = arith.shrsi %parallel_loop3A_1628, %parallel_loop3A_1630 : vector<16xi32>
        %parallel_loop3A_1632 = tpu.bitcast %parallel_loop3A_1414 : vector<16xf32> -> vector<16xi32>
        %parallel_loop3A_1633 = arith.constant 2147483647 : i32
        %parallel_loop3A_1634 = vector.broadcast %parallel_loop3A_1633 : i32 to vector<16xi32>
        %parallel_loop3A_1635 = arith.andi %parallel_loop3A_1632, %parallel_loop3A_1634 : vector<16xi32>
        %parallel_loop3A_1636 = arith.constant 16 : i32
        %parallel_loop3A_1637 = vector.broadcast %parallel_loop3A_1636 : i32 to vector<16xi32>
        %parallel_loop3A_1638 = arith.shrsi %parallel_loop3A_1635, %parallel_loop3A_1637 : vector<16xi32>
        %parallel_loop3A_1639 = tpu.bitcast %parallel_loop3A_1421 : vector<16xf32> -> vector<16xi32>
        %parallel_loop3A_1640 = arith.constant 2147483647 : i32
        %parallel_loop3A_1641 = vector.broadcast %parallel_loop3A_1640 : i32 to vector<16xi32>
        %parallel_loop3A_1642 = arith.andi %parallel_loop3A_1639, %parallel_loop3A_1641 : vector<16xi32>
        %parallel_loop3A_1643 = arith.constant 16 : i32
        %parallel_loop3A_1644 = vector.broadcast %parallel_loop3A_1643 : i32 to vector<16xi32>
        %parallel_loop3A_1645 = arith.shrsi %parallel_loop3A_1642, %parallel_loop3A_1644 : vector<16xi32>
        %parallel_loop3A_1646 = tpu.bitcast %parallel_loop3A_1428 : vector<16xf32> -> vector<16xi32>
        %parallel_loop3A_1647 = arith.constant 2147483647 : i32
        %parallel_loop3A_1648 = vector.broadcast %parallel_loop3A_1647 : i32 to vector<16xi32>
        %parallel_loop3A_1649 = arith.andi %parallel_loop3A_1646, %parallel_loop3A_1648 : vector<16xi32>
        %parallel_loop3A_1650 = arith.constant 16 : i32
        %parallel_loop3A_1651 = vector.broadcast %parallel_loop3A_1650 : i32 to vector<16xi32>
        %parallel_loop3A_1652 = arith.shrsi %parallel_loop3A_1649, %parallel_loop3A_1651 : vector<16xi32>
        %parallel_loop3A_1653 = tpu.bitcast %parallel_loop3A_1435 : vector<16xf32> -> vector<16xi32>
        %parallel_loop3A_1654 = arith.constant 2147483647 : i32
        %parallel_loop3A_1655 = vector.broadcast %parallel_loop3A_1654 : i32 to vector<16xi32>
        %parallel_loop3A_1656 = arith.andi %parallel_loop3A_1653, %parallel_loop3A_1655 : vector<16xi32>
        %parallel_loop3A_1657 = arith.constant 16 : i32
        %parallel_loop3A_1658 = vector.broadcast %parallel_loop3A_1657 : i32 to vector<16xi32>
        %parallel_loop3A_1659 = arith.shrsi %parallel_loop3A_1656, %parallel_loop3A_1658 : vector<16xi32>
        %parallel_loop3A_1660 = tpu.bitcast %parallel_loop3A_1442 : vector<16xf32> -> vector<16xi32>
        %parallel_loop3A_1661 = arith.constant 2147483647 : i32
        %parallel_loop3A_1662 = vector.broadcast %parallel_loop3A_1661 : i32 to vector<16xi32>
        %parallel_loop3A_1663 = arith.andi %parallel_loop3A_1660, %parallel_loop3A_1662 : vector<16xi32>
        %parallel_loop3A_1664 = arith.constant 16 : i32
        %parallel_loop3A_1665 = vector.broadcast %parallel_loop3A_1664 : i32 to vector<16xi32>
        %parallel_loop3A_1666 = arith.shrsi %parallel_loop3A_1663, %parallel_loop3A_1665 : vector<16xi32>
        %parallel_loop3A_1667 = tpu.bitcast %parallel_loop3A_1449 : vector<16xf32> -> vector<16xi32>
        %parallel_loop3A_1668 = arith.constant 2147483647 : i32
        %parallel_loop3A_1669 = vector.broadcast %parallel_loop3A_1668 : i32 to vector<16xi32>
        %parallel_loop3A_1670 = arith.andi %parallel_loop3A_1667, %parallel_loop3A_1669 : vector<16xi32>
        %parallel_loop3A_1671 = arith.constant 16 : i32
        %parallel_loop3A_1672 = vector.broadcast %parallel_loop3A_1671 : i32 to vector<16xi32>
        %parallel_loop3A_1673 = arith.shrsi %parallel_loop3A_1670, %parallel_loop3A_1672 : vector<16xi32>
        %parallel_loop3A_1674 = tpu.bitcast %parallel_loop3A_1456 : vector<16xf32> -> vector<16xi32>
        %parallel_loop3A_1675 = arith.constant 2147483647 : i32
        %parallel_loop3A_1676 = vector.broadcast %parallel_loop3A_1675 : i32 to vector<16xi32>
        %parallel_loop3A_1677 = arith.andi %parallel_loop3A_1674, %parallel_loop3A_1676 : vector<16xi32>
        %parallel_loop3A_1678 = arith.constant 16 : i32
        %parallel_loop3A_1679 = vector.broadcast %parallel_loop3A_1678 : i32 to vector<16xi32>
        %parallel_loop3A_1680 = arith.shrsi %parallel_loop3A_1677, %parallel_loop3A_1679 : vector<16xi32>
        %parallel_loop3A_1681 = tpu.bitcast %parallel_loop3A_1463 : vector<16xf32> -> vector<16xi32>
        %parallel_loop3A_1682 = arith.constant 2147483647 : i32
        %parallel_loop3A_1683 = vector.broadcast %parallel_loop3A_1682 : i32 to vector<16xi32>
        %parallel_loop3A_1684 = arith.andi %parallel_loop3A_1681, %parallel_loop3A_1683 : vector<16xi32>
        %parallel_loop3A_1685 = arith.constant 16 : i32
        %parallel_loop3A_1686 = vector.broadcast %parallel_loop3A_1685 : i32 to vector<16xi32>
        %parallel_loop3A_1687 = arith.shrsi %parallel_loop3A_1684, %parallel_loop3A_1686 : vector<16xi32>
        %parallel_loop3A_1688 = tpu.bitcast %parallel_loop3A_1470 : vector<16xf32> -> vector<16xi32>
        %parallel_loop3A_1689 = arith.constant 2147483647 : i32
        %parallel_loop3A_1690 = vector.broadcast %parallel_loop3A_1689 : i32 to vector<16xi32>
        %parallel_loop3A_1691 = arith.andi %parallel_loop3A_1688, %parallel_loop3A_1690 : vector<16xi32>
        %parallel_loop3A_1692 = arith.constant 16 : i32
        %parallel_loop3A_1693 = vector.broadcast %parallel_loop3A_1692 : i32 to vector<16xi32>
        %parallel_loop3A_1694 = arith.shrsi %parallel_loop3A_1691, %parallel_loop3A_1693 : vector<16xi32>
        %parallel_loop3A_1695 = tpu.bitcast %parallel_loop3A_1477 : vector<16xf32> -> vector<16xi32>
        %parallel_loop3A_1696 = arith.constant 2147483647 : i32
        %parallel_loop3A_1697 = vector.broadcast %parallel_loop3A_1696 : i32 to vector<16xi32>
        %parallel_loop3A_1698 = arith.andi %parallel_loop3A_1695, %parallel_loop3A_1697 : vector<16xi32>
        %parallel_loop3A_1699 = arith.constant 16 : i32
        %parallel_loop3A_1700 = vector.broadcast %parallel_loop3A_1699 : i32 to vector<16xi32>
        %parallel_loop3A_1701 = arith.shrsi %parallel_loop3A_1698, %parallel_loop3A_1700 : vector<16xi32>
        %parallel_loop3A_1702 = tpu.bitcast %parallel_loop3A_1484 : vector<16xf32> -> vector<16xi32>
        %parallel_loop3A_1703 = arith.constant 2147483647 : i32
        %parallel_loop3A_1704 = vector.broadcast %parallel_loop3A_1703 : i32 to vector<16xi32>
        %parallel_loop3A_1705 = arith.andi %parallel_loop3A_1702, %parallel_loop3A_1704 : vector<16xi32>
        %parallel_loop3A_1706 = arith.constant 16 : i32
        %parallel_loop3A_1707 = vector.broadcast %parallel_loop3A_1706 : i32 to vector<16xi32>
        %parallel_loop3A_1708 = arith.shrsi %parallel_loop3A_1705, %parallel_loop3A_1707 : vector<16xi32>
        %parallel_loop3A_1709 = tpu.bitcast %parallel_loop3A_1491 : vector<16xf32> -> vector<16xi32>
        %parallel_loop3A_1710 = arith.constant 2147483647 : i32
        %parallel_loop3A_1711 = vector.broadcast %parallel_loop3A_1710 : i32 to vector<16xi32>
        %parallel_loop3A_1712 = arith.andi %parallel_loop3A_1709, %parallel_loop3A_1711 : vector<16xi32>
        %parallel_loop3A_1713 = arith.constant 16 : i32
        %parallel_loop3A_1714 = vector.broadcast %parallel_loop3A_1713 : i32 to vector<16xi32>
        %parallel_loop3A_1715 = arith.shrsi %parallel_loop3A_1712, %parallel_loop3A_1714 : vector<16xi32>
        %parallel_loop3A_1716 = tpu.bitcast %parallel_loop3A_1498 : vector<16xf32> -> vector<16xi32>
        %parallel_loop3A_1717 = arith.constant 2147483647 : i32
        %parallel_loop3A_1718 = vector.broadcast %parallel_loop3A_1717 : i32 to vector<16xi32>
        %parallel_loop3A_1719 = arith.andi %parallel_loop3A_1716, %parallel_loop3A_1718 : vector<16xi32>
        %parallel_loop3A_1720 = arith.constant 16 : i32
        %parallel_loop3A_1721 = vector.broadcast %parallel_loop3A_1720 : i32 to vector<16xi32>
        %parallel_loop3A_1722 = arith.shrsi %parallel_loop3A_1719, %parallel_loop3A_1721 : vector<16xi32>
        %parallel_loop3A_1723 = tpu.bitcast %parallel_loop3A_1505 : vector<16xf32> -> vector<16xi32>
        %parallel_loop3A_1724 = arith.constant 2147483647 : i32
        %parallel_loop3A_1725 = vector.broadcast %parallel_loop3A_1724 : i32 to vector<16xi32>
        %parallel_loop3A_1726 = arith.andi %parallel_loop3A_1723, %parallel_loop3A_1725 : vector<16xi32>
        %parallel_loop3A_1727 = arith.constant 16 : i32
        %parallel_loop3A_1728 = vector.broadcast %parallel_loop3A_1727 : i32 to vector<16xi32>
        %parallel_loop3A_1729 = arith.shrsi %parallel_loop3A_1726, %parallel_loop3A_1728 : vector<16xi32>
        %parallel_loop3A_1730 = tpu.bitcast %parallel_loop3A_1512 : vector<16xf32> -> vector<16xi32>
        %parallel_loop3A_1731 = arith.constant 2147483647 : i32
        %parallel_loop3A_1732 = vector.broadcast %parallel_loop3A_1731 : i32 to vector<16xi32>
        %parallel_loop3A_1733 = arith.andi %parallel_loop3A_1730, %parallel_loop3A_1732 : vector<16xi32>
        %parallel_loop3A_1734 = arith.constant 16 : i32
        %parallel_loop3A_1735 = vector.broadcast %parallel_loop3A_1734 : i32 to vector<16xi32>
        %parallel_loop3A_1736 = arith.shrsi %parallel_loop3A_1733, %parallel_loop3A_1735 : vector<16xi32>
        %parallel_loop3A_1737 = tpu.bitcast %parallel_loop3A_1519 : vector<16xf32> -> vector<16xi32>
        %parallel_loop3A_1738 = arith.constant 2147483647 : i32
        %parallel_loop3A_1739 = vector.broadcast %parallel_loop3A_1738 : i32 to vector<16xi32>
        %parallel_loop3A_1740 = arith.andi %parallel_loop3A_1737, %parallel_loop3A_1739 : vector<16xi32>
        %parallel_loop3A_1741 = arith.constant 16 : i32
        %parallel_loop3A_1742 = vector.broadcast %parallel_loop3A_1741 : i32 to vector<16xi32>
        %parallel_loop3A_1743 = arith.shrsi %parallel_loop3A_1740, %parallel_loop3A_1742 : vector<16xi32>
        %parallel_loop3A_1744 = tpu.bitcast %parallel_loop3A_1526 : vector<16xf32> -> vector<16xi32>
        %parallel_loop3A_1745 = arith.constant 2147483647 : i32
        %parallel_loop3A_1746 = vector.broadcast %parallel_loop3A_1745 : i32 to vector<16xi32>
        %parallel_loop3A_1747 = arith.andi %parallel_loop3A_1744, %parallel_loop3A_1746 : vector<16xi32>
        %parallel_loop3A_1748 = arith.constant 16 : i32
        %parallel_loop3A_1749 = vector.broadcast %parallel_loop3A_1748 : i32 to vector<16xi32>
        %parallel_loop3A_1750 = arith.shrsi %parallel_loop3A_1747, %parallel_loop3A_1749 : vector<16xi32>
        %parallel_loop3A_1751 = tpu.bitcast %parallel_loop3A_1533 : vector<16xf32> -> vector<16xi32>
        %parallel_loop3A_1752 = arith.constant 2147483647 : i32
        %parallel_loop3A_1753 = vector.broadcast %parallel_loop3A_1752 : i32 to vector<16xi32>
        %parallel_loop3A_1754 = arith.andi %parallel_loop3A_1751, %parallel_loop3A_1753 : vector<16xi32>
        %parallel_loop3A_1755 = arith.constant 16 : i32
        %parallel_loop3A_1756 = vector.broadcast %parallel_loop3A_1755 : i32 to vector<16xi32>
        %parallel_loop3A_1757 = arith.shrsi %parallel_loop3A_1754, %parallel_loop3A_1756 : vector<16xi32>
        %parallel_loop3A_1758 = tpu.bitcast %parallel_loop3A_1540 : vector<16xf32> -> vector<16xi32>
        %parallel_loop3A_1759 = arith.constant 2147483647 : i32
        %parallel_loop3A_1760 = vector.broadcast %parallel_loop3A_1759 : i32 to vector<16xi32>
        %parallel_loop3A_1761 = arith.andi %parallel_loop3A_1758, %parallel_loop3A_1760 : vector<16xi32>
        %parallel_loop3A_1762 = arith.constant 16 : i32
        %parallel_loop3A_1763 = vector.broadcast %parallel_loop3A_1762 : i32 to vector<16xi32>
        %parallel_loop3A_1764 = arith.shrsi %parallel_loop3A_1761, %parallel_loop3A_1763 : vector<16xi32>
        %parallel_loop3A_1765 = tpu.bitcast %parallel_loop3A_1547 : vector<16xf32> -> vector<16xi32>
        %parallel_loop3A_1766 = arith.constant 2147483647 : i32
        %parallel_loop3A_1767 = vector.broadcast %parallel_loop3A_1766 : i32 to vector<16xi32>
        %parallel_loop3A_1768 = arith.andi %parallel_loop3A_1765, %parallel_loop3A_1767 : vector<16xi32>
        %parallel_loop3A_1769 = arith.constant 16 : i32
        %parallel_loop3A_1770 = vector.broadcast %parallel_loop3A_1769 : i32 to vector<16xi32>
        %parallel_loop3A_1771 = arith.shrsi %parallel_loop3A_1768, %parallel_loop3A_1770 : vector<16xi32>
        %parallel_loop3A_1772 = tpu.bitcast %parallel_loop3A_1554 : vector<16xf32> -> vector<16xi32>
        %parallel_loop3A_1773 = arith.constant 2147483647 : i32
        %parallel_loop3A_1774 = vector.broadcast %parallel_loop3A_1773 : i32 to vector<16xi32>
        %parallel_loop3A_1775 = arith.andi %parallel_loop3A_1772, %parallel_loop3A_1774 : vector<16xi32>
        %parallel_loop3A_1776 = arith.constant 16 : i32
        %parallel_loop3A_1777 = vector.broadcast %parallel_loop3A_1776 : i32 to vector<16xi32>
        %parallel_loop3A_1778 = arith.shrsi %parallel_loop3A_1775, %parallel_loop3A_1777 : vector<16xi32>
        %parallel_loop3A_1779 = tpu.bitcast %parallel_loop3A_1561 : vector<16xf32> -> vector<16xi32>
        %parallel_loop3A_1780 = arith.constant 2147483647 : i32
        %parallel_loop3A_1781 = vector.broadcast %parallel_loop3A_1780 : i32 to vector<16xi32>
        %parallel_loop3A_1782 = arith.andi %parallel_loop3A_1779, %parallel_loop3A_1781 : vector<16xi32>
        %parallel_loop3A_1783 = arith.constant 16 : i32
        %parallel_loop3A_1784 = vector.broadcast %parallel_loop3A_1783 : i32 to vector<16xi32>
        %parallel_loop3A_1785 = arith.shrsi %parallel_loop3A_1782, %parallel_loop3A_1784 : vector<16xi32>
        %parallel_loop3A_1786 = tpu.bitcast %parallel_loop3A_1568 : vector<16xf32> -> vector<16xi32>
        %parallel_loop3A_1787 = arith.constant 2147483647 : i32
        %parallel_loop3A_1788 = vector.broadcast %parallel_loop3A_1787 : i32 to vector<16xi32>
        %parallel_loop3A_1789 = arith.andi %parallel_loop3A_1786, %parallel_loop3A_1788 : vector<16xi32>
        %parallel_loop3A_1790 = arith.constant 16 : i32
        %parallel_loop3A_1791 = vector.broadcast %parallel_loop3A_1790 : i32 to vector<16xi32>
        %parallel_loop3A_1792 = arith.shrsi %parallel_loop3A_1789, %parallel_loop3A_1791 : vector<16xi32>
        %parallel_loop3A_1793 = tpu.bitcast %parallel_loop3A_1575 : vector<16xf32> -> vector<16xi32>
        %parallel_loop3A_1794 = arith.constant 2147483647 : i32
        %parallel_loop3A_1795 = vector.broadcast %parallel_loop3A_1794 : i32 to vector<16xi32>
        %parallel_loop3A_1796 = arith.andi %parallel_loop3A_1793, %parallel_loop3A_1795 : vector<16xi32>
        %parallel_loop3A_1797 = arith.constant 16 : i32
        %parallel_loop3A_1798 = vector.broadcast %parallel_loop3A_1797 : i32 to vector<16xi32>
        %parallel_loop3A_1799 = arith.shrsi %parallel_loop3A_1796, %parallel_loop3A_1798 : vector<16xi32>
        %parallel_loop3A_1800 = tpu.bitcast %parallel_loop3A_1582 : vector<16xf32> -> vector<16xi32>
        %parallel_loop3A_1801 = arith.constant 2147483647 : i32
        %parallel_loop3A_1802 = vector.broadcast %parallel_loop3A_1801 : i32 to vector<16xi32>
        %parallel_loop3A_1803 = arith.andi %parallel_loop3A_1800, %parallel_loop3A_1802 : vector<16xi32>
        %parallel_loop3A_1804 = arith.constant 16 : i32
        %parallel_loop3A_1805 = vector.broadcast %parallel_loop3A_1804 : i32 to vector<16xi32>
        %parallel_loop3A_1806 = arith.shrsi %parallel_loop3A_1803, %parallel_loop3A_1805 : vector<16xi32>
        %parallel_loop3A_1807 = tpu.bitcast %parallel_loop3A_1589 : vector<16xf32> -> vector<16xi32>
        %parallel_loop3A_1808 = arith.constant 2147483647 : i32
        %parallel_loop3A_1809 = vector.broadcast %parallel_loop3A_1808 : i32 to vector<16xi32>
        %parallel_loop3A_1810 = arith.andi %parallel_loop3A_1807, %parallel_loop3A_1809 : vector<16xi32>
        %parallel_loop3A_1811 = arith.constant 16 : i32
        %parallel_loop3A_1812 = vector.broadcast %parallel_loop3A_1811 : i32 to vector<16xi32>
        %parallel_loop3A_1813 = arith.shrsi %parallel_loop3A_1810, %parallel_loop3A_1812 : vector<16xi32>
        tpu.vector_store_idx %arg8[%parallel_loop3A_1596], %broadcast_in_dim3A_7 {add = true} : memref<32768xi32, #tpu.memory_space<vmem>>[vector<16xi32>], vector<16xi32>,
        tpu.vector_store_idx %arg8[%parallel_loop3A_1603], %broadcast_in_dim3A_7 {add = true} : memref<32768xi32, #tpu.memory_space<vmem>>[vector<16xi32>], vector<16xi32>,
        tpu.vector_store_idx %arg8[%parallel_loop3A_1610], %broadcast_in_dim3A_7 {add = true} : memref<32768xi32, #tpu.memory_space<vmem>>[vector<16xi32>], vector<16xi32>,
        tpu.vector_store_idx %arg8[%parallel_loop3A_1617], %broadcast_in_dim3A_7 {add = true} : memref<32768xi32, #tpu.memory_space<vmem>>[vector<16xi32>], vector<16xi32>,
        tpu.vector_store_idx %arg8[%parallel_loop3A_1624], %broadcast_in_dim3A_7 {add = true} : memref<32768xi32, #tpu.memory_space<vmem>>[vector<16xi32>], vector<16xi32>,
        tpu.vector_store_idx %arg8[%parallel_loop3A_1631], %broadcast_in_dim3A_7 {add = true} : memref<32768xi32, #tpu.memory_space<vmem>>[vector<16xi32>], vector<16xi32>,
        tpu.vector_store_idx %arg8[%parallel_loop3A_1638], %broadcast_in_dim3A_7 {add = true} : memref<32768xi32, #tpu.memory_space<vmem>>[vector<16xi32>], vector<16xi32>,
        tpu.vector_store_idx %arg8[%parallel_loop3A_1645], %broadcast_in_dim3A_7 {add = true} : memref<32768xi32, #tpu.memory_space<vmem>>[vector<16xi32>], vector<16xi32>,
        tpu.vector_store_idx %arg8[%parallel_loop3A_1652], %broadcast_in_dim3A_7 {add = true} : memref<32768xi32, #tpu.memory_space<vmem>>[vector<16xi32>], vector<16xi32>,
        tpu.vector_store_idx %arg8[%parallel_loop3A_1659], %broadcast_in_dim3A_7 {add = true} : memref<32768xi32, #tpu.memory_space<vmem>>[vector<16xi32>], vector<16xi32>,
        tpu.vector_store_idx %arg8[%parallel_loop3A_1666], %broadcast_in_dim3A_7 {add = true} : memref<32768xi32, #tpu.memory_space<vmem>>[vector<16xi32>], vector<16xi32>,
        tpu.vector_store_idx %arg8[%parallel_loop3A_1673], %broadcast_in_dim3A_7 {add = true} : memref<32768xi32, #tpu.memory_space<vmem>>[vector<16xi32>], vector<16xi32>,
        tpu.vector_store_idx %arg8[%parallel_loop3A_1680], %broadcast_in_dim3A_7 {add = true} : memref<32768xi32, #tpu.memory_space<vmem>>[vector<16xi32>], vector<16xi32>,
        tpu.vector_store_idx %arg8[%parallel_loop3A_1687], %broadcast_in_dim3A_7 {add = true} : memref<32768xi32, #tpu.memory_space<vmem>>[vector<16xi32>], vector<16xi32>,
        tpu.vector_store_idx %arg8[%parallel_loop3A_1694], %broadcast_in_dim3A_7 {add = true} : memref<32768xi32, #tpu.memory_space<vmem>>[vector<16xi32>], vector<16xi32>,
        tpu.vector_store_idx %arg8[%parallel_loop3A_1701], %broadcast_in_dim3A_7 {add = true} : memref<32768xi32, #tpu.memory_space<vmem>>[vector<16xi32>], vector<16xi32>,
        tpu.vector_store_idx %arg8[%parallel_loop3A_1708], %broadcast_in_dim3A_7 {add = true} : memref<32768xi32, #tpu.memory_space<vmem>>[vector<16xi32>], vector<16xi32>,
        tpu.vector_store_idx %arg8[%parallel_loop3A_1715], %broadcast_in_dim3A_7 {add = true} : memref<32768xi32, #tpu.memory_space<vmem>>[vector<16xi32>], vector<16xi32>,
        tpu.vector_store_idx %arg8[%parallel_loop3A_1722], %broadcast_in_dim3A_7 {add = true} : memref<32768xi32, #tpu.memory_space<vmem>>[vector<16xi32>], vector<16xi32>,
        tpu.vector_store_idx %arg8[%parallel_loop3A_1729], %broadcast_in_dim3A_7 {add = true} : memref<32768xi32, #tpu.memory_space<vmem>>[vector<16xi32>], vector<16xi32>,
        tpu.vector_store_idx %arg8[%parallel_loop3A_1736], %broadcast_in_dim3A_7 {add = true} : memref<32768xi32, #tpu.memory_space<vmem>>[vector<16xi32>], vector<16xi32>,
        tpu.vector_store_idx %arg8[%parallel_loop3A_1743], %broadcast_in_dim3A_7 {add = true} : memref<32768xi32, #tpu.memory_space<vmem>>[vector<16xi32>], vector<16xi32>,
        tpu.vector_store_idx %arg8[%parallel_loop3A_1750], %broadcast_in_dim3A_7 {add = true} : memref<32768xi32, #tpu.memory_space<vmem>>[vector<16xi32>], vector<16xi32>,
        tpu.vector_store_idx %arg8[%parallel_loop3A_1757], %broadcast_in_dim3A_7 {add = true} : memref<32768xi32, #tpu.memory_space<vmem>>[vector<16xi32>], vector<16xi32>,
        tpu.vector_store_idx %arg8[%parallel_loop3A_1764], %broadcast_in_dim3A_7 {add = true} : memref<32768xi32, #tpu.memory_space<vmem>>[vector<16xi32>], vector<16xi32>,
        tpu.vector_store_idx %arg8[%parallel_loop3A_1771], %broadcast_in_dim3A_7 {add = true} : memref<32768xi32, #tpu.memory_space<vmem>>[vector<16xi32>], vector<16xi32>,
        tpu.vector_store_idx %arg8[%parallel_loop3A_1778], %broadcast_in_dim3A_7 {add = true} : memref<32768xi32, #tpu.memory_space<vmem>>[vector<16xi32>], vector<16xi32>,
        tpu.vector_store_idx %arg8[%parallel_loop3A_1785], %broadcast_in_dim3A_7 {add = true} : memref<32768xi32, #tpu.memory_space<vmem>>[vector<16xi32>], vector<16xi32>,
        tpu.vector_store_idx %arg8[%parallel_loop3A_1792], %broadcast_in_dim3A_7 {add = true} : memref<32768xi32, #tpu.memory_space<vmem>>[vector<16xi32>], vector<16xi32>,
        tpu.vector_store_idx %arg8[%parallel_loop3A_1799], %broadcast_in_dim3A_7 {add = true} : memref<32768xi32, #tpu.memory_space<vmem>>[vector<16xi32>], vector<16xi32>,
        tpu.vector_store_idx %arg8[%parallel_loop3A_1806], %broadcast_in_dim3A_7 {add = true} : memref<32768xi32, #tpu.memory_space<vmem>>[vector<16xi32>], vector<16xi32>,
        tpu.vector_store_idx %arg8[%parallel_loop3A_1813], %broadcast_in_dim3A_7 {add = true} : memref<32768xi32, #tpu.memory_space<vmem>>[vector<16xi32>], vector<16xi32>,
      } {sc.loop_unroll_factor = 1 : i64, sc.parallel_access}
      %get3A = arith.constant 0 : index
      %get3A_73 = tpu.vector_load %arg7[%get3A] {strides = array<i32>} : memref<512xi32, #tpu.memory_space<vmem>>, vector<16xi32>,
      %ge3A = vector.broadcast %mul3A_70 : i32 to vector<16xi32>
      %ge3A_74 = arith.cmpi sge, %get3A_73, %ge3A : vector<16xi32>
      %add3A_75 = arith.constant 40 : i32
      %add3A_76 = arith.addi %mul3A_70, %add3A_75 : i32
      %lt3A_77 = vector.broadcast %add3A_76 : i32 to vector<16xi32>
      %lt3A_78 = arith.cmpi slt, %get3A_73, %lt3A_77 : vector<16xi32>
      %and3A_79 = arith.andi %ge3A_74, %lt3A_78 : vector<16xi1>
      %sub3A = vector.broadcast %mul3A_70 : i32 to vector<16xi32>
      %sub3A_80 = arith.subi %get3A_73, %sub3A : vector<16xi32>
      %add3A_81 = arith.constant 0 : i32
      %add3A_82 = vector.broadcast %add3A_81 : i32 to vector<16xi32>
      %add3A_83 = arith.addi %iota3A, %add3A_82 : vector<16xi32>
      %gather3A = arith.constant 0 : i32
      %gather3A_84 = arith.constant 0 : i32
      %gather3A_85 = tpu.memref_slice %arg6[%select_n3A_60, %gather3A, %gather3A_84] : memref<2x40x512xf32, #tpu.memory_space<vmem>> -> memref<1x40x512xf32, #tpu.memory_space<vmem>>
      %gather3A_86 = tpu.memref_squeeze %gather3A_85 : memref<1x40x512xf32, #tpu.memory_space<vmem>> -> memref<40x512xf32, #tpu.memory_space<vmem>>
      %gather3A_87 = tpu.vector_load_idx %gather3A_86[%sub3A_80, %add3A_83] masked %and3A_79 : memref<40x512xf32, #tpu.memory_space<vmem>>[vector<16xi32>, vector<16xi32>], vector<16xf32>, vector<16xi1>
      %bitcast_convert_type3A = tpu.bitcast %gather3A_87 : vector<16xf32> -> vector<16xi32>
      %and3A_88 = arith.constant 2147483647 : i32
      %and3A_89 = vector.broadcast %and3A_88 : i32 to vector<16xi32>
      %and3A_90 = arith.andi %bitcast_convert_type3A, %and3A_89 : vector<16xi32>
      %shift_right_arithmetic3A = arith.constant 16 : i32
      %shift_right_arithmetic3A_91 = vector.broadcast %shift_right_arithmetic3A : i32 to vector<16xi32>
      %shift_right_arithmetic3A_92 = arith.shrsi %and3A_90, %shift_right_arithmetic3A_91 : vector<16xi32>
      %neg3A = arith.constant 0 : i32
      %neg3A_93 = vector.broadcast %neg3A : i32 to vector<16xi32>
      %neg3A_94 = arith.subi %neg3A_93, %broadcast_in_dim3A_7 : vector<16xi32>
      tpu.vector_store_idx %arg8[%shift_right_arithmetic3A_92], %neg3A_94 masked %and3A_79 {add = true} : memref<32768xi32, #tpu.memory_space<vmem>>[vector<16xi32>], vector<16xi32>, vector<16xi1>
      %get3A_95 = arith.constant 0 : index
      %get3A_96 = tpu.vector_load %arg9[%get3A_95] {strides = array<i32>} : memref<16xf32, #tpu.memory_space<vmem>>, vector<16xf32>,
      %sub3A_97 = vector.broadcast %scan3A_41 : f32 to vector<16xf32>
      %sub3A_98 = arith.subf %gather3A_87, %sub3A_97 : vector<16xf32>
      %abs3A = math.absf %sub3A_98 : vector<16xf32>
      %jit3A_99 = arith.constant 0.000000e+00 : f32
      %broadcast_in_dim3A_100 = vector.broadcast %jit3A_99 : f32 to vector<16xf32>
      %select_n3A_101 = arith.select %and3A_79, %abs3A, %broadcast_in_dim3A_100 : vector<16xi1>, vector<16xf32>
      %add3A_102 = arith.addf %get3A_96, %select_n3A_101 : vector<16xf32>
      %swap3A_103 = arith.constant 0 : index
      %swap3A_104 = tpu.vector_load %arg9[%swap3A_103] {strides = array<i32>} : memref<16xf32, #tpu.memory_space<vmem>>, vector<16xf32>,
      tpu.vector_store %arg9[%swap3A_103], %add3A_102 {strides = array<i32>} : memref<16xf32, #tpu.memory_space<vmem>>, vector<16xf32>,
      %get3A_105 = arith.constant 16 : index
      %get3A_106 = tpu.vector_load %arg7[%get3A_105] {strides = array<i32>} : memref<512xi32, #tpu.memory_space<vmem>>, vector<16xi32>,
      %ge3A_107 = vector.broadcast %mul3A_70 : i32 to vector<16xi32>
      %ge3A_108 = arith.cmpi sge, %get3A_106, %ge3A_107 : vector<16xi32>
      %add3A_109 = arith.constant 40 : i32
      %add3A_110 = arith.addi %mul3A_70, %add3A_109 : i32
      %lt3A_111 = vector.broadcast %add3A_110 : i32 to vector<16xi32>
      %lt3A_112 = arith.cmpi slt, %get3A_106, %lt3A_111 : vector<16xi32>
      %and3A_113 = arith.andi %ge3A_108, %lt3A_112 : vector<16xi1>
      %sub3A_114 = vector.broadcast %mul3A_70 : i32 to vector<16xi32>
      %sub3A_115 = arith.subi %get3A_106, %sub3A_114 : vector<16xi32>
      %add3A_116 = arith.constant 16 : i32
      %add3A_117 = vector.broadcast %add3A_116 : i32 to vector<16xi32>
      %add3A_118 = arith.addi %iota3A, %add3A_117 : vector<16xi32>
      %gather3A_119 = arith.constant 0 : i32
      %gather3A_120 = arith.constant 0 : i32
      %gather3A_121 = tpu.memref_slice %arg6[%select_n3A_60, %gather3A_119, %gather3A_120] : memref<2x40x512xf32, #tpu.memory_space<vmem>> -> memref<1x40x512xf32, #tpu.memory_space<vmem>>
      %gather3A_122 = tpu.memref_squeeze %gather3A_121 : memref<1x40x512xf32, #tpu.memory_space<vmem>> -> memref<40x512xf32, #tpu.memory_space<vmem>>
      %gather3A_123 = tpu.vector_load_idx %gather3A_122[%sub3A_115, %add3A_118] masked %and3A_113 : memref<40x512xf32, #tpu.memory_space<vmem>>[vector<16xi32>, vector<16xi32>], vector<16xf32>, vector<16xi1>
      %bitcast_convert_type3A_124 = tpu.bitcast %gather3A_123 : vector<16xf32> -> vector<16xi32>
      %and3A_125 = arith.constant 2147483647 : i32
      %and3A_126 = vector.broadcast %and3A_125 : i32 to vector<16xi32>
      %and3A_127 = arith.andi %bitcast_convert_type3A_124, %and3A_126 : vector<16xi32>
      %shift_right_arithmetic3A_128 = arith.constant 16 : i32
      %shift_right_arithmetic3A_129 = vector.broadcast %shift_right_arithmetic3A_128 : i32 to vector<16xi32>
      %shift_right_arithmetic3A_130 = arith.shrsi %and3A_127, %shift_right_arithmetic3A_129 : vector<16xi32>
      %neg3A_131 = arith.constant 0 : i32
      %neg3A_132 = vector.broadcast %neg3A_131 : i32 to vector<16xi32>
      %neg3A_133 = arith.subi %neg3A_132, %broadcast_in_dim3A_7 : vector<16xi32>
      tpu.vector_store_idx %arg8[%shift_right_arithmetic3A_130], %neg3A_133 masked %and3A_113 {add = true} : memref<32768xi32, #tpu.memory_space<vmem>>[vector<16xi32>], vector<16xi32>, vector<16xi1>
      %get3A_134 = arith.constant 0 : index
      %get3A_135 = tpu.vector_load %arg9[%get3A_134] {strides = array<i32>} : memref<16xf32, #tpu.memory_space<vmem>>, vector<16xf32>,
      %sub3A_136 = vector.broadcast %scan3A_41 : f32 to vector<16xf32>
      %sub3A_137 = arith.subf %gather3A_123, %sub3A_136 : vector<16xf32>
      %abs3A_138 = math.absf %sub3A_137 : vector<16xf32>
      %jit3A_139 = arith.constant 0.000000e+00 : f32
      %broadcast_in_dim3A_140 = vector.broadcast %jit3A_139 : f32 to vector<16xf32>
      %select_n3A_141 = arith.select %and3A_113, %abs3A_138, %broadcast_in_dim3A_140 : vector<16xi1>, vector<16xf32>
      %add3A_142 = arith.addf %get3A_135, %select_n3A_141 : vector<16xf32>
      %swap3A_143 = arith.constant 0 : index
      %swap3A_144 = tpu.vector_load %arg9[%swap3A_143] {strides = array<i32>} : memref<16xf32, #tpu.memory_space<vmem>>, vector<16xf32>,
      tpu.vector_store %arg9[%swap3A_143], %add3A_142 {strides = array<i32>} : memref<16xf32, #tpu.memory_space<vmem>>, vector<16xf32>,
      %get3A_145 = arith.constant 32 : index
      %get3A_146 = tpu.vector_load %arg7[%get3A_145] {strides = array<i32>} : memref<512xi32, #tpu.memory_space<vmem>>, vector<16xi32>,
      %ge3A_147 = vector.broadcast %mul3A_70 : i32 to vector<16xi32>
      %ge3A_148 = arith.cmpi sge, %get3A_146, %ge3A_147 : vector<16xi32>
      %add3A_149 = arith.constant 40 : i32
      %add3A_150 = arith.addi %mul3A_70, %add3A_149 : i32
      %lt3A_151 = vector.broadcast %add3A_150 : i32 to vector<16xi32>
      %lt3A_152 = arith.cmpi slt, %get3A_146, %lt3A_151 : vector<16xi32>
      %and3A_153 = arith.andi %ge3A_148, %lt3A_152 : vector<16xi1>
      %sub3A_154 = vector.broadcast %mul3A_70 : i32 to vector<16xi32>
      %sub3A_155 = arith.subi %get3A_146, %sub3A_154 : vector<16xi32>
      %add3A_156 = arith.constant 32 : i32
      %add3A_157 = vector.broadcast %add3A_156 : i32 to vector<16xi32>
      %add3A_158 = arith.addi %iota3A, %add3A_157 : vector<16xi32>
      %gather3A_159 = arith.constant 0 : i32
      %gather3A_160 = arith.constant 0 : i32
      %gather3A_161 = tpu.memref_slice %arg6[%select_n3A_60, %gather3A_159, %gather3A_160] : memref<2x40x512xf32, #tpu.memory_space<vmem>> -> memref<1x40x512xf32, #tpu.memory_space<vmem>>
      %gather3A_162 = tpu.memref_squeeze %gather3A_161 : memref<1x40x512xf32, #tpu.memory_space<vmem>> -> memref<40x512xf32, #tpu.memory_space<vmem>>
      %gather3A_163 = tpu.vector_load_idx %gather3A_162[%sub3A_155, %add3A_158] masked %and3A_153 : memref<40x512xf32, #tpu.memory_space<vmem>>[vector<16xi32>, vector<16xi32>], vector<16xf32>, vector<16xi1>
      %bitcast_convert_type3A_164 = tpu.bitcast %gather3A_163 : vector<16xf32> -> vector<16xi32>
      %and3A_165 = arith.constant 2147483647 : i32
      %and3A_166 = vector.broadcast %and3A_165 : i32 to vector<16xi32>
      %and3A_167 = arith.andi %bitcast_convert_type3A_164, %and3A_166 : vector<16xi32>
      %shift_right_arithmetic3A_168 = arith.constant 16 : i32
      %shift_right_arithmetic3A_169 = vector.broadcast %shift_right_arithmetic3A_168 : i32 to vector<16xi32>
      %shift_right_arithmetic3A_170 = arith.shrsi %and3A_167, %shift_right_arithmetic3A_169 : vector<16xi32>
      %neg3A_171 = arith.constant 0 : i32
      %neg3A_172 = vector.broadcast %neg3A_171 : i32 to vector<16xi32>
      %neg3A_173 = arith.subi %neg3A_172, %broadcast_in_dim3A_7 : vector<16xi32>
      tpu.vector_store_idx %arg8[%shift_right_arithmetic3A_170], %neg3A_173 masked %and3A_153 {add = true} : memref<32768xi32, #tpu.memory_space<vmem>>[vector<16xi32>], vector<16xi32>, vector<16xi1>
      %get3A_174 = arith.constant 0 : index
      %get3A_175 = tpu.vector_load %arg9[%get3A_174] {strides = array<i32>} : memref<16xf32, #tpu.memory_space<vmem>>, vector<16xf32>,
      %sub3A_176 = vector.broadcast %scan3A_41 : f32 to vector<16xf32>
      %sub3A_177 = arith.subf %gather3A_163, %sub3A_176 : vector<16xf32>
      %abs3A_178 = math.absf %sub3A_177 : vector<16xf32>
      %jit3A_179 = arith.constant 0.000000e+00 : f32
      %broadcast_in_dim3A_180 = vector.broadcast %jit3A_179 : f32 to vector<16xf32>
      %select_n3A_181 = arith.select %and3A_153, %abs3A_178, %broadcast_in_dim3A_180 : vector<16xi1>, vector<16xf32>
      %add3A_182 = arith.addf %get3A_175, %select_n3A_181 : vector<16xf32>
      %swap3A_183 = arith.constant 0 : index
      %swap3A_184 = tpu.vector_load %arg9[%swap3A_183] {strides = array<i32>} : memref<16xf32, #tpu.memory_space<vmem>>, vector<16xf32>,
      tpu.vector_store %arg9[%swap3A_183], %add3A_182 {strides = array<i32>} : memref<16xf32, #tpu.memory_space<vmem>>, vector<16xf32>,
      %get3A_185 = arith.constant 48 : index
      %get3A_186 = tpu.vector_load %arg7[%get3A_185] {strides = array<i32>} : memref<512xi32, #tpu.memory_space<vmem>>, vector<16xi32>,
      %ge3A_187 = vector.broadcast %mul3A_70 : i32 to vector<16xi32>
      %ge3A_188 = arith.cmpi sge, %get3A_186, %ge3A_187 : vector<16xi32>
      %add3A_189 = arith.constant 40 : i32
      %add3A_190 = arith.addi %mul3A_70, %add3A_189 : i32
      %lt3A_191 = vector.broadcast %add3A_190 : i32 to vector<16xi32>
      %lt3A_192 = arith.cmpi slt, %get3A_186, %lt3A_191 : vector<16xi32>
      %and3A_193 = arith.andi %ge3A_188, %lt3A_192 : vector<16xi1>
      %sub3A_194 = vector.broadcast %mul3A_70 : i32 to vector<16xi32>
      %sub3A_195 = arith.subi %get3A_186, %sub3A_194 : vector<16xi32>
      %add3A_196 = arith.constant 48 : i32
      %add3A_197 = vector.broadcast %add3A_196 : i32 to vector<16xi32>
      %add3A_198 = arith.addi %iota3A, %add3A_197 : vector<16xi32>
      %gather3A_199 = arith.constant 0 : i32
      %gather3A_200 = arith.constant 0 : i32
      %gather3A_201 = tpu.memref_slice %arg6[%select_n3A_60, %gather3A_199, %gather3A_200] : memref<2x40x512xf32, #tpu.memory_space<vmem>> -> memref<1x40x512xf32, #tpu.memory_space<vmem>>
      %gather3A_202 = tpu.memref_squeeze %gather3A_201 : memref<1x40x512xf32, #tpu.memory_space<vmem>> -> memref<40x512xf32, #tpu.memory_space<vmem>>
      %gather3A_203 = tpu.vector_load_idx %gather3A_202[%sub3A_195, %add3A_198] masked %and3A_193 : memref<40x512xf32, #tpu.memory_space<vmem>>[vector<16xi32>, vector<16xi32>], vector<16xf32>, vector<16xi1>
      %bitcast_convert_type3A_204 = tpu.bitcast %gather3A_203 : vector<16xf32> -> vector<16xi32>
      %and3A_205 = arith.constant 2147483647 : i32
      %and3A_206 = vector.broadcast %and3A_205 : i32 to vector<16xi32>
      %and3A_207 = arith.andi %bitcast_convert_type3A_204, %and3A_206 : vector<16xi32>
      %shift_right_arithmetic3A_208 = arith.constant 16 : i32
      %shift_right_arithmetic3A_209 = vector.broadcast %shift_right_arithmetic3A_208 : i32 to vector<16xi32>
      %shift_right_arithmetic3A_210 = arith.shrsi %and3A_207, %shift_right_arithmetic3A_209 : vector<16xi32>
      %neg3A_211 = arith.constant 0 : i32
      %neg3A_212 = vector.broadcast %neg3A_211 : i32 to vector<16xi32>
      %neg3A_213 = arith.subi %neg3A_212, %broadcast_in_dim3A_7 : vector<16xi32>
      tpu.vector_store_idx %arg8[%shift_right_arithmetic3A_210], %neg3A_213 masked %and3A_193 {add = true} : memref<32768xi32, #tpu.memory_space<vmem>>[vector<16xi32>], vector<16xi32>, vector<16xi1>
      %get3A_214 = arith.constant 0 : index
      %get3A_215 = tpu.vector_load %arg9[%get3A_214] {strides = array<i32>} : memref<16xf32, #tpu.memory_space<vmem>>, vector<16xf32>,
      %sub3A_216 = vector.broadcast %scan3A_41 : f32 to vector<16xf32>
      %sub3A_217 = arith.subf %gather3A_203, %sub3A_216 : vector<16xf32>
      %abs3A_218 = math.absf %sub3A_217 : vector<16xf32>
      %jit3A_219 = arith.constant 0.000000e+00 : f32
      %broadcast_in_dim3A_220 = vector.broadcast %jit3A_219 : f32 to vector<16xf32>
      %select_n3A_221 = arith.select %and3A_193, %abs3A_218, %broadcast_in_dim3A_220 : vector<16xi1>, vector<16xf32>
      %add3A_222 = arith.addf %get3A_215, %select_n3A_221 : vector<16xf32>
      %swap3A_223 = arith.constant 0 : index
      %swap3A_224 = tpu.vector_load %arg9[%swap3A_223] {strides = array<i32>} : memref<16xf32, #tpu.memory_space<vmem>>, vector<16xf32>,
      tpu.vector_store %arg9[%swap3A_223], %add3A_222 {strides = array<i32>} : memref<16xf32, #tpu.memory_space<vmem>>, vector<16xf32>,
      %get3A_225 = arith.constant 64 : index
      %get3A_226 = tpu.vector_load %arg7[%get3A_225] {strides = array<i32>} : memref<512xi32, #tpu.memory_space<vmem>>, vector<16xi32>,
      %ge3A_227 = vector.broadcast %mul3A_70 : i32 to vector<16xi32>
      %ge3A_228 = arith.cmpi sge, %get3A_226, %ge3A_227 : vector<16xi32>
      %add3A_229 = arith.constant 40 : i32
      %add3A_230 = arith.addi %mul3A_70, %add3A_229 : i32
      %lt3A_231 = vector.broadcast %add3A_230 : i32 to vector<16xi32>
      %lt3A_232 = arith.cmpi slt, %get3A_226, %lt3A_231 : vector<16xi32>
      %and3A_233 = arith.andi %ge3A_228, %lt3A_232 : vector<16xi1>
      %sub3A_234 = vector.broadcast %mul3A_70 : i32 to vector<16xi32>
      %sub3A_235 = arith.subi %get3A_226, %sub3A_234 : vector<16xi32>
      %add3A_236 = arith.constant 64 : i32
      %add3A_237 = vector.broadcast %add3A_236 : i32 to vector<16xi32>
      %add3A_238 = arith.addi %iota3A, %add3A_237 : vector<16xi32>
      %gather3A_239 = arith.constant 0 : i32
      %gather3A_240 = arith.constant 0 : i32
      %gather3A_241 = tpu.memref_slice %arg6[%select_n3A_60, %gather3A_239, %gather3A_240] : memref<2x40x512xf32, #tpu.memory_space<vmem>> -> memref<1x40x512xf32, #tpu.memory_space<vmem>>
      %gather3A_242 = tpu.memref_squeeze %gather3A_241 : memref<1x40x512xf32, #tpu.memory_space<vmem>> -> memref<40x512xf32, #tpu.memory_space<vmem>>
      %gather3A_243 = tpu.vector_load_idx %gather3A_242[%sub3A_235, %add3A_238] masked %and3A_233 : memref<40x512xf32, #tpu.memory_space<vmem>>[vector<16xi32>, vector<16xi32>], vector<16xf32>, vector<16xi1>
      %bitcast_convert_type3A_244 = tpu.bitcast %gather3A_243 : vector<16xf32> -> vector<16xi32>
      %and3A_245 = arith.constant 2147483647 : i32
      %and3A_246 = vector.broadcast %and3A_245 : i32 to vector<16xi32>
      %and3A_247 = arith.andi %bitcast_convert_type3A_244, %and3A_246 : vector<16xi32>
      %shift_right_arithmetic3A_248 = arith.constant 16 : i32
      %shift_right_arithmetic3A_249 = vector.broadcast %shift_right_arithmetic3A_248 : i32 to vector<16xi32>
      %shift_right_arithmetic3A_250 = arith.shrsi %and3A_247, %shift_right_arithmetic3A_249 : vector<16xi32>
      %neg3A_251 = arith.constant 0 : i32
      %neg3A_252 = vector.broadcast %neg3A_251 : i32 to vector<16xi32>
      %neg3A_253 = arith.subi %neg3A_252, %broadcast_in_dim3A_7 : vector<16xi32>
      tpu.vector_store_idx %arg8[%shift_right_arithmetic3A_250], %neg3A_253 masked %and3A_233 {add = true} : memref<32768xi32, #tpu.memory_space<vmem>>[vector<16xi32>], vector<16xi32>, vector<16xi1>
      %get3A_254 = arith.constant 0 : index
      %get3A_255 = tpu.vector_load %arg9[%get3A_254] {strides = array<i32>} : memref<16xf32, #tpu.memory_space<vmem>>, vector<16xf32>,
      %sub3A_256 = vector.broadcast %scan3A_41 : f32 to vector<16xf32>
      %sub3A_257 = arith.subf %gather3A_243, %sub3A_256 : vector<16xf32>
      %abs3A_258 = math.absf %sub3A_257 : vector<16xf32>
      %jit3A_259 = arith.constant 0.000000e+00 : f32
      %broadcast_in_dim3A_260 = vector.broadcast %jit3A_259 : f32 to vector<16xf32>
      %select_n3A_261 = arith.select %and3A_233, %abs3A_258, %broadcast_in_dim3A_260 : vector<16xi1>, vector<16xf32>
      %add3A_262 = arith.addf %get3A_255, %select_n3A_261 : vector<16xf32>
      %swap3A_263 = arith.constant 0 : index
      %swap3A_264 = tpu.vector_load %arg9[%swap3A_263] {strides = array<i32>} : memref<16xf32, #tpu.memory_space<vmem>>, vector<16xf32>,
      tpu.vector_store %arg9[%swap3A_263], %add3A_262 {strides = array<i32>} : memref<16xf32, #tpu.memory_space<vmem>>, vector<16xf32>,
      %get3A_265 = arith.constant 80 : index
      %get3A_266 = tpu.vector_load %arg7[%get3A_265] {strides = array<i32>} : memref<512xi32, #tpu.memory_space<vmem>>, vector<16xi32>,
      %ge3A_267 = vector.broadcast %mul3A_70 : i32 to vector<16xi32>
      %ge3A_268 = arith.cmpi sge, %get3A_266, %ge3A_267 : vector<16xi32>
      %add3A_269 = arith.constant 40 : i32
      %add3A_270 = arith.addi %mul3A_70, %add3A_269 : i32
      %lt3A_271 = vector.broadcast %add3A_270 : i32 to vector<16xi32>
      %lt3A_272 = arith.cmpi slt, %get3A_266, %lt3A_271 : vector<16xi32>
      %and3A_273 = arith.andi %ge3A_268, %lt3A_272 : vector<16xi1>
      %sub3A_274 = vector.broadcast %mul3A_70 : i32 to vector<16xi32>
      %sub3A_275 = arith.subi %get3A_266, %sub3A_274 : vector<16xi32>
      %add3A_276 = arith.constant 80 : i32
      %add3A_277 = vector.broadcast %add3A_276 : i32 to vector<16xi32>
      %add3A_278 = arith.addi %iota3A, %add3A_277 : vector<16xi32>
      %gather3A_279 = arith.constant 0 : i32
      %gather3A_280 = arith.constant 0 : i32
      %gather3A_281 = tpu.memref_slice %arg6[%select_n3A_60, %gather3A_279, %gather3A_280] : memref<2x40x512xf32, #tpu.memory_space<vmem>> -> memref<1x40x512xf32, #tpu.memory_space<vmem>>
      %gather3A_282 = tpu.memref_squeeze %gather3A_281 : memref<1x40x512xf32, #tpu.memory_space<vmem>> -> memref<40x512xf32, #tpu.memory_space<vmem>>
      %gather3A_283 = tpu.vector_load_idx %gather3A_282[%sub3A_275, %add3A_278] masked %and3A_273 : memref<40x512xf32, #tpu.memory_space<vmem>>[vector<16xi32>, vector<16xi32>], vector<16xf32>, vector<16xi1>
      %bitcast_convert_type3A_284 = tpu.bitcast %gather3A_283 : vector<16xf32> -> vector<16xi32>
      %and3A_285 = arith.constant 2147483647 : i32
      %and3A_286 = vector.broadcast %and3A_285 : i32 to vector<16xi32>
      %and3A_287 = arith.andi %bitcast_convert_type3A_284, %and3A_286 : vector<16xi32>
      %shift_right_arithmetic3A_288 = arith.constant 16 : i32
      %shift_right_arithmetic3A_289 = vector.broadcast %shift_right_arithmetic3A_288 : i32 to vector<16xi32>
      %shift_right_arithmetic3A_290 = arith.shrsi %and3A_287, %shift_right_arithmetic3A_289 : vector<16xi32>
      %neg3A_291 = arith.constant 0 : i32
      %neg3A_292 = vector.broadcast %neg3A_291 : i32 to vector<16xi32>
      %neg3A_293 = arith.subi %neg3A_292, %broadcast_in_dim3A_7 : vector<16xi32>
      tpu.vector_store_idx %arg8[%shift_right_arithmetic3A_290], %neg3A_293 masked %and3A_273 {add = true} : memref<32768xi32, #tpu.memory_space<vmem>>[vector<16xi32>], vector<16xi32>, vector<16xi1>
      %get3A_294 = arith.constant 0 : index
      %get3A_295 = tpu.vector_load %arg9[%get3A_294] {strides = array<i32>} : memref<16xf32, #tpu.memory_space<vmem>>, vector<16xf32>,
      %sub3A_296 = vector.broadcast %scan3A_41 : f32 to vector<16xf32>
      %sub3A_297 = arith.subf %gather3A_283, %sub3A_296 : vector<16xf32>
      %abs3A_298 = math.absf %sub3A_297 : vector<16xf32>
      %jit3A_299 = arith.constant 0.000000e+00 : f32
      %broadcast_in_dim3A_300 = vector.broadcast %jit3A_299 : f32 to vector<16xf32>
      %select_n3A_301 = arith.select %and3A_273, %abs3A_298, %broadcast_in_dim3A_300 : vector<16xi1>, vector<16xf32>
      %add3A_302 = arith.addf %get3A_295, %select_n3A_301 : vector<16xf32>
      %swap3A_303 = arith.constant 0 : index
      %swap3A_304 = tpu.vector_load %arg9[%swap3A_303] {strides = array<i32>} : memref<16xf32, #tpu.memory_space<vmem>>, vector<16xf32>,
      tpu.vector_store %arg9[%swap3A_303], %add3A_302 {strides = array<i32>} : memref<16xf32, #tpu.memory_space<vmem>>, vector<16xf32>,
      %get3A_305 = arith.constant 96 : index
      %get3A_306 = tpu.vector_load %arg7[%get3A_305] {strides = array<i32>} : memref<512xi32, #tpu.memory_space<vmem>>, vector<16xi32>,
      %ge3A_307 = vector.broadcast %mul3A_70 : i32 to vector<16xi32>
      %ge3A_308 = arith.cmpi sge, %get3A_306, %ge3A_307 : vector<16xi32>
      %add3A_309 = arith.constant 40 : i32
      %add3A_310 = arith.addi %mul3A_70, %add3A_309 : i32
      %lt3A_311 = vector.broadcast %add3A_310 : i32 to vector<16xi32>
      %lt3A_312 = arith.cmpi slt, %get3A_306, %lt3A_311 : vector<16xi32>
      %and3A_313 = arith.andi %ge3A_308, %lt3A_312 : vector<16xi1>
      %sub3A_314 = vector.broadcast %mul3A_70 : i32 to vector<16xi32>
      %sub3A_315 = arith.subi %get3A_306, %sub3A_314 : vector<16xi32>
      %add3A_316 = arith.constant 96 : i32
      %add3A_317 = vector.broadcast %add3A_316 : i32 to vector<16xi32>
      %add3A_318 = arith.addi %iota3A, %add3A_317 : vector<16xi32>
      %gather3A_319 = arith.constant 0 : i32
      %gather3A_320 = arith.constant 0 : i32
      %gather3A_321 = tpu.memref_slice %arg6[%select_n3A_60, %gather3A_319, %gather3A_320] : memref<2x40x512xf32, #tpu.memory_space<vmem>> -> memref<1x40x512xf32, #tpu.memory_space<vmem>>
      %gather3A_322 = tpu.memref_squeeze %gather3A_321 : memref<1x40x512xf32, #tpu.memory_space<vmem>> -> memref<40x512xf32, #tpu.memory_space<vmem>>
      %gather3A_323 = tpu.vector_load_idx %gather3A_322[%sub3A_315, %add3A_318] masked %and3A_313 : memref<40x512xf32, #tpu.memory_space<vmem>>[vector<16xi32>, vector<16xi32>], vector<16xf32>, vector<16xi1>
      %bitcast_convert_type3A_324 = tpu.bitcast %gather3A_323 : vector<16xf32> -> vector<16xi32>
      %and3A_325 = arith.constant 2147483647 : i32
      %and3A_326 = vector.broadcast %and3A_325 : i32 to vector<16xi32>
      %and3A_327 = arith.andi %bitcast_convert_type3A_324, %and3A_326 : vector<16xi32>
      %shift_right_arithmetic3A_328 = arith.constant 16 : i32
      %shift_right_arithmetic3A_329 = vector.broadcast %shift_right_arithmetic3A_328 : i32 to vector<16xi32>
      %shift_right_arithmetic3A_330 = arith.shrsi %and3A_327, %shift_right_arithmetic3A_329 : vector<16xi32>
      %neg3A_331 = arith.constant 0 : i32
      %neg3A_332 = vector.broadcast %neg3A_331 : i32 to vector<16xi32>
      %neg3A_333 = arith.subi %neg3A_332, %broadcast_in_dim3A_7 : vector<16xi32>
      tpu.vector_store_idx %arg8[%shift_right_arithmetic3A_330], %neg3A_333 masked %and3A_313 {add = true} : memref<32768xi32, #tpu.memory_space<vmem>>[vector<16xi32>], vector<16xi32>, vector<16xi1>
      %get3A_334 = arith.constant 0 : index
      %get3A_335 = tpu.vector_load %arg9[%get3A_334] {strides = array<i32>} : memref<16xf32, #tpu.memory_space<vmem>>, vector<16xf32>,
      %sub3A_336 = vector.broadcast %scan3A_41 : f32 to vector<16xf32>
      %sub3A_337 = arith.subf %gather3A_323, %sub3A_336 : vector<16xf32>
      %abs3A_338 = math.absf %sub3A_337 : vector<16xf32>
      %jit3A_339 = arith.constant 0.000000e+00 : f32
      %broadcast_in_dim3A_340 = vector.broadcast %jit3A_339 : f32 to vector<16xf32>
      %select_n3A_341 = arith.select %and3A_313, %abs3A_338, %broadcast_in_dim3A_340 : vector<16xi1>, vector<16xf32>
      %add3A_342 = arith.addf %get3A_335, %select_n3A_341 : vector<16xf32>
      %swap3A_343 = arith.constant 0 : index
      %swap3A_344 = tpu.vector_load %arg9[%swap3A_343] {strides = array<i32>} : memref<16xf32, #tpu.memory_space<vmem>>, vector<16xf32>,
      tpu.vector_store %arg9[%swap3A_343], %add3A_342 {strides = array<i32>} : memref<16xf32, #tpu.memory_space<vmem>>, vector<16xf32>,
      %get3A_345 = arith.constant 112 : index
      %get3A_346 = tpu.vector_load %arg7[%get3A_345] {strides = array<i32>} : memref<512xi32, #tpu.memory_space<vmem>>, vector<16xi32>,
      %ge3A_347 = vector.broadcast %mul3A_70 : i32 to vector<16xi32>
      %ge3A_348 = arith.cmpi sge, %get3A_346, %ge3A_347 : vector<16xi32>
      %add3A_349 = arith.constant 40 : i32
      %add3A_350 = arith.addi %mul3A_70, %add3A_349 : i32
      %lt3A_351 = vector.broadcast %add3A_350 : i32 to vector<16xi32>
      %lt3A_352 = arith.cmpi slt, %get3A_346, %lt3A_351 : vector<16xi32>
      %and3A_353 = arith.andi %ge3A_348, %lt3A_352 : vector<16xi1>
      %sub3A_354 = vector.broadcast %mul3A_70 : i32 to vector<16xi32>
      %sub3A_355 = arith.subi %get3A_346, %sub3A_354 : vector<16xi32>
      %add3A_356 = arith.constant 112 : i32
      %add3A_357 = vector.broadcast %add3A_356 : i32 to vector<16xi32>
      %add3A_358 = arith.addi %iota3A, %add3A_357 : vector<16xi32>
      %gather3A_359 = arith.constant 0 : i32
      %gather3A_360 = arith.constant 0 : i32
      %gather3A_361 = tpu.memref_slice %arg6[%select_n3A_60, %gather3A_359, %gather3A_360] : memref<2x40x512xf32, #tpu.memory_space<vmem>> -> memref<1x40x512xf32, #tpu.memory_space<vmem>>
      %gather3A_362 = tpu.memref_squeeze %gather3A_361 : memref<1x40x512xf32, #tpu.memory_space<vmem>> -> memref<40x512xf32, #tpu.memory_space<vmem>>
      %gather3A_363 = tpu.vector_load_idx %gather3A_362[%sub3A_355, %add3A_358] masked %and3A_353 : memref<40x512xf32, #tpu.memory_space<vmem>>[vector<16xi32>, vector<16xi32>], vector<16xf32>, vector<16xi1>
      %bitcast_convert_type3A_364 = tpu.bitcast %gather3A_363 : vector<16xf32> -> vector<16xi32>
      %and3A_365 = arith.constant 2147483647 : i32
      %and3A_366 = vector.broadcast %and3A_365 : i32 to vector<16xi32>
      %and3A_367 = arith.andi %bitcast_convert_type3A_364, %and3A_366 : vector<16xi32>
      %shift_right_arithmetic3A_368 = arith.constant 16 : i32
      %shift_right_arithmetic3A_369 = vector.broadcast %shift_right_arithmetic3A_368 : i32 to vector<16xi32>
      %shift_right_arithmetic3A_370 = arith.shrsi %and3A_367, %shift_right_arithmetic3A_369 : vector<16xi32>
      %neg3A_371 = arith.constant 0 : i32
      %neg3A_372 = vector.broadcast %neg3A_371 : i32 to vector<16xi32>
      %neg3A_373 = arith.subi %neg3A_372, %broadcast_in_dim3A_7 : vector<16xi32>
      tpu.vector_store_idx %arg8[%shift_right_arithmetic3A_370], %neg3A_373 masked %and3A_353 {add = true} : memref<32768xi32, #tpu.memory_space<vmem>>[vector<16xi32>], vector<16xi32>, vector<16xi1>
      %get3A_374 = arith.constant 0 : index
      %get3A_375 = tpu.vector_load %arg9[%get3A_374] {strides = array<i32>} : memref<16xf32, #tpu.memory_space<vmem>>, vector<16xf32>,
      %sub3A_376 = vector.broadcast %scan3A_41 : f32 to vector<16xf32>
      %sub3A_377 = arith.subf %gather3A_363, %sub3A_376 : vector<16xf32>
      %abs3A_378 = math.absf %sub3A_377 : vector<16xf32>
      %jit3A_379 = arith.constant 0.000000e+00 : f32
      %broadcast_in_dim3A_380 = vector.broadcast %jit3A_379 : f32 to vector<16xf32>
      %select_n3A_381 = arith.select %and3A_353, %abs3A_378, %broadcast_in_dim3A_380 : vector<16xi1>, vector<16xf32>
      %add3A_382 = arith.addf %get3A_375, %select_n3A_381 : vector<16xf32>
      %swap3A_383 = arith.constant 0 : index
      %swap3A_384 = tpu.vector_load %arg9[%swap3A_383] {strides = array<i32>} : memref<16xf32, #tpu.memory_space<vmem>>, vector<16xf32>,
      tpu.vector_store %arg9[%swap3A_383], %add3A_382 {strides = array<i32>} : memref<16xf32, #tpu.memory_space<vmem>>, vector<16xf32>,
      %get3A_385 = arith.constant 128 : index
      %get3A_386 = tpu.vector_load %arg7[%get3A_385] {strides = array<i32>} : memref<512xi32, #tpu.memory_space<vmem>>, vector<16xi32>,
      %ge3A_387 = vector.broadcast %mul3A_70 : i32 to vector<16xi32>
      %ge3A_388 = arith.cmpi sge, %get3A_386, %ge3A_387 : vector<16xi32>
      %add3A_389 = arith.constant 40 : i32
      %add3A_390 = arith.addi %mul3A_70, %add3A_389 : i32
      %lt3A_391 = vector.broadcast %add3A_390 : i32 to vector<16xi32>
      %lt3A_392 = arith.cmpi slt, %get3A_386, %lt3A_391 : vector<16xi32>
      %and3A_393 = arith.andi %ge3A_388, %lt3A_392 : vector<16xi1>
      %sub3A_394 = vector.broadcast %mul3A_70 : i32 to vector<16xi32>
      %sub3A_395 = arith.subi %get3A_386, %sub3A_394 : vector<16xi32>
      %add3A_396 = arith.constant 128 : i32
      %add3A_397 = vector.broadcast %add3A_396 : i32 to vector<16xi32>
      %add3A_398 = arith.addi %iota3A, %add3A_397 : vector<16xi32>
      %gather3A_399 = arith.constant 0 : i32
      %gather3A_400 = arith.constant 0 : i32
      %gather3A_401 = tpu.memref_slice %arg6[%select_n3A_60, %gather3A_399, %gather3A_400] : memref<2x40x512xf32, #tpu.memory_space<vmem>> -> memref<1x40x512xf32, #tpu.memory_space<vmem>>
      %gather3A_402 = tpu.memref_squeeze %gather3A_401 : memref<1x40x512xf32, #tpu.memory_space<vmem>> -> memref<40x512xf32, #tpu.memory_space<vmem>>
      %gather3A_403 = tpu.vector_load_idx %gather3A_402[%sub3A_395, %add3A_398] masked %and3A_393 : memref<40x512xf32, #tpu.memory_space<vmem>>[vector<16xi32>, vector<16xi32>], vector<16xf32>, vector<16xi1>
      %bitcast_convert_type3A_404 = tpu.bitcast %gather3A_403 : vector<16xf32> -> vector<16xi32>
      %and3A_405 = arith.constant 2147483647 : i32
      %and3A_406 = vector.broadcast %and3A_405 : i32 to vector<16xi32>
      %and3A_407 = arith.andi %bitcast_convert_type3A_404, %and3A_406 : vector<16xi32>
      %shift_right_arithmetic3A_408 = arith.constant 16 : i32
      %shift_right_arithmetic3A_409 = vector.broadcast %shift_right_arithmetic3A_408 : i32 to vector<16xi32>
      %shift_right_arithmetic3A_410 = arith.shrsi %and3A_407, %shift_right_arithmetic3A_409 : vector<16xi32>
      %neg3A_411 = arith.constant 0 : i32
      %neg3A_412 = vector.broadcast %neg3A_411 : i32 to vector<16xi32>
      %neg3A_413 = arith.subi %neg3A_412, %broadcast_in_dim3A_7 : vector<16xi32>
      tpu.vector_store_idx %arg8[%shift_right_arithmetic3A_410], %neg3A_413 masked %and3A_393 {add = true} : memref<32768xi32, #tpu.memory_space<vmem>>[vector<16xi32>], vector<16xi32>, vector<16xi1>
      %get3A_414 = arith.constant 0 : index
      %get3A_415 = tpu.vector_load %arg9[%get3A_414] {strides = array<i32>} : memref<16xf32, #tpu.memory_space<vmem>>, vector<16xf32>,
      %sub3A_416 = vector.broadcast %scan3A_41 : f32 to vector<16xf32>
      %sub3A_417 = arith.subf %gather3A_403, %sub3A_416 : vector<16xf32>
      %abs3A_418 = math.absf %sub3A_417 : vector<16xf32>
      %jit3A_419 = arith.constant 0.000000e+00 : f32
      %broadcast_in_dim3A_420 = vector.broadcast %jit3A_419 : f32 to vector<16xf32>
      %select_n3A_421 = arith.select %and3A_393, %abs3A_418, %broadcast_in_dim3A_420 : vector<16xi1>, vector<16xf32>
      %add3A_422 = arith.addf %get3A_415, %select_n3A_421 : vector<16xf32>
      %swap3A_423 = arith.constant 0 : index
      %swap3A_424 = tpu.vector_load %arg9[%swap3A_423] {strides = array<i32>} : memref<16xf32, #tpu.memory_space<vmem>>, vector<16xf32>,
      tpu.vector_store %arg9[%swap3A_423], %add3A_422 {strides = array<i32>} : memref<16xf32, #tpu.memory_space<vmem>>, vector<16xf32>,
      %get3A_425 = arith.constant 144 : index
      %get3A_426 = tpu.vector_load %arg7[%get3A_425] {strides = array<i32>} : memref<512xi32, #tpu.memory_space<vmem>>, vector<16xi32>,
      %ge3A_427 = vector.broadcast %mul3A_70 : i32 to vector<16xi32>
      %ge3A_428 = arith.cmpi sge, %get3A_426, %ge3A_427 : vector<16xi32>
      %add3A_429 = arith.constant 40 : i32
      %add3A_430 = arith.addi %mul3A_70, %add3A_429 : i32
      %lt3A_431 = vector.broadcast %add3A_430 : i32 to vector<16xi32>
      %lt3A_432 = arith.cmpi slt, %get3A_426, %lt3A_431 : vector<16xi32>
      %and3A_433 = arith.andi %ge3A_428, %lt3A_432 : vector<16xi1>
      %sub3A_434 = vector.broadcast %mul3A_70 : i32 to vector<16xi32>
      %sub3A_435 = arith.subi %get3A_426, %sub3A_434 : vector<16xi32>
      %add3A_436 = arith.constant 144 : i32
      %add3A_437 = vector.broadcast %add3A_436 : i32 to vector<16xi32>
      %add3A_438 = arith.addi %iota3A, %add3A_437 : vector<16xi32>
      %gather3A_439 = arith.constant 0 : i32
      %gather3A_440 = arith.constant 0 : i32
      %gather3A_441 = tpu.memref_slice %arg6[%select_n3A_60, %gather3A_439, %gather3A_440] : memref<2x40x512xf32, #tpu.memory_space<vmem>> -> memref<1x40x512xf32, #tpu.memory_space<vmem>>
      %gather3A_442 = tpu.memref_squeeze %gather3A_441 : memref<1x40x512xf32, #tpu.memory_space<vmem>> -> memref<40x512xf32, #tpu.memory_space<vmem>>
      %gather3A_443 = tpu.vector_load_idx %gather3A_442[%sub3A_435, %add3A_438] masked %and3A_433 : memref<40x512xf32, #tpu.memory_space<vmem>>[vector<16xi32>, vector<16xi32>], vector<16xf32>, vector<16xi1>
      %bitcast_convert_type3A_444 = tpu.bitcast %gather3A_443 : vector<16xf32> -> vector<16xi32>
      %and3A_445 = arith.constant 2147483647 : i32
      %and3A_446 = vector.broadcast %and3A_445 : i32 to vector<16xi32>
      %and3A_447 = arith.andi %bitcast_convert_type3A_444, %and3A_446 : vector<16xi32>
      %shift_right_arithmetic3A_448 = arith.constant 16 : i32
      %shift_right_arithmetic3A_449 = vector.broadcast %shift_right_arithmetic3A_448 : i32 to vector<16xi32>
      %shift_right_arithmetic3A_450 = arith.shrsi %and3A_447, %shift_right_arithmetic3A_449 : vector<16xi32>
      %neg3A_451 = arith.constant 0 : i32
      %neg3A_452 = vector.broadcast %neg3A_451 : i32 to vector<16xi32>
      %neg3A_453 = arith.subi %neg3A_452, %broadcast_in_dim3A_7 : vector<16xi32>
      tpu.vector_store_idx %arg8[%shift_right_arithmetic3A_450], %neg3A_453 masked %and3A_433 {add = true} : memref<32768xi32, #tpu.memory_space<vmem>>[vector<16xi32>], vector<16xi32>, vector<16xi1>
      %get3A_454 = arith.constant 0 : index
      %get3A_455 = tpu.vector_load %arg9[%get3A_454] {strides = array<i32>} : memref<16xf32, #tpu.memory_space<vmem>>, vector<16xf32>,
      %sub3A_456 = vector.broadcast %scan3A_41 : f32 to vector<16xf32>
      %sub3A_457 = arith.subf %gather3A_443, %sub3A_456 : vector<16xf32>
      %abs3A_458 = math.absf %sub3A_457 : vector<16xf32>
      %jit3A_459 = arith.constant 0.000000e+00 : f32
      %broadcast_in_dim3A_460 = vector.broadcast %jit3A_459 : f32 to vector<16xf32>
      %select_n3A_461 = arith.select %and3A_433, %abs3A_458, %broadcast_in_dim3A_460 : vector<16xi1>, vector<16xf32>
      %add3A_462 = arith.addf %get3A_455, %select_n3A_461 : vector<16xf32>
      %swap3A_463 = arith.constant 0 : index
      %swap3A_464 = tpu.vector_load %arg9[%swap3A_463] {strides = array<i32>} : memref<16xf32, #tpu.memory_space<vmem>>, vector<16xf32>,
      tpu.vector_store %arg9[%swap3A_463], %add3A_462 {strides = array<i32>} : memref<16xf32, #tpu.memory_space<vmem>>, vector<16xf32>,
      %get3A_465 = arith.constant 160 : index
      %get3A_466 = tpu.vector_load %arg7[%get3A_465] {strides = array<i32>} : memref<512xi32, #tpu.memory_space<vmem>>, vector<16xi32>,
      %ge3A_467 = vector.broadcast %mul3A_70 : i32 to vector<16xi32>
      %ge3A_468 = arith.cmpi sge, %get3A_466, %ge3A_467 : vector<16xi32>
      %add3A_469 = arith.constant 40 : i32
      %add3A_470 = arith.addi %mul3A_70, %add3A_469 : i32
      %lt3A_471 = vector.broadcast %add3A_470 : i32 to vector<16xi32>
      %lt3A_472 = arith.cmpi slt, %get3A_466, %lt3A_471 : vector<16xi32>
      %and3A_473 = arith.andi %ge3A_468, %lt3A_472 : vector<16xi1>
      %sub3A_474 = vector.broadcast %mul3A_70 : i32 to vector<16xi32>
      %sub3A_475 = arith.subi %get3A_466, %sub3A_474 : vector<16xi32>
      %add3A_476 = arith.constant 160 : i32
      %add3A_477 = vector.broadcast %add3A_476 : i32 to vector<16xi32>
      %add3A_478 = arith.addi %iota3A, %add3A_477 : vector<16xi32>
      %gather3A_479 = arith.constant 0 : i32
      %gather3A_480 = arith.constant 0 : i32
      %gather3A_481 = tpu.memref_slice %arg6[%select_n3A_60, %gather3A_479, %gather3A_480] : memref<2x40x512xf32, #tpu.memory_space<vmem>> -> memref<1x40x512xf32, #tpu.memory_space<vmem>>
      %gather3A_482 = tpu.memref_squeeze %gather3A_481 : memref<1x40x512xf32, #tpu.memory_space<vmem>> -> memref<40x512xf32, #tpu.memory_space<vmem>>
      %gather3A_483 = tpu.vector_load_idx %gather3A_482[%sub3A_475, %add3A_478] masked %and3A_473 : memref<40x512xf32, #tpu.memory_space<vmem>>[vector<16xi32>, vector<16xi32>], vector<16xf32>, vector<16xi1>
      %bitcast_convert_type3A_484 = tpu.bitcast %gather3A_483 : vector<16xf32> -> vector<16xi32>
      %and3A_485 = arith.constant 2147483647 : i32
      %and3A_486 = vector.broadcast %and3A_485 : i32 to vector<16xi32>
      %and3A_487 = arith.andi %bitcast_convert_type3A_484, %and3A_486 : vector<16xi32>
      %shift_right_arithmetic3A_488 = arith.constant 16 : i32
      %shift_right_arithmetic3A_489 = vector.broadcast %shift_right_arithmetic3A_488 : i32 to vector<16xi32>
      %shift_right_arithmetic3A_490 = arith.shrsi %and3A_487, %shift_right_arithmetic3A_489 : vector<16xi32>
      %neg3A_491 = arith.constant 0 : i32
      %neg3A_492 = vector.broadcast %neg3A_491 : i32 to vector<16xi32>
      %neg3A_493 = arith.subi %neg3A_492, %broadcast_in_dim3A_7 : vector<16xi32>
      tpu.vector_store_idx %arg8[%shift_right_arithmetic3A_490], %neg3A_493 masked %and3A_473 {add = true} : memref<32768xi32, #tpu.memory_space<vmem>>[vector<16xi32>], vector<16xi32>, vector<16xi1>
      %get3A_494 = arith.constant 0 : index
      %get3A_495 = tpu.vector_load %arg9[%get3A_494] {strides = array<i32>} : memref<16xf32, #tpu.memory_space<vmem>>, vector<16xf32>,
      %sub3A_496 = vector.broadcast %scan3A_41 : f32 to vector<16xf32>
      %sub3A_497 = arith.subf %gather3A_483, %sub3A_496 : vector<16xf32>
      %abs3A_498 = math.absf %sub3A_497 : vector<16xf32>
      %jit3A_499 = arith.constant 0.000000e+00 : f32
      %broadcast_in_dim3A_500 = vector.broadcast %jit3A_499 : f32 to vector<16xf32>
      %select_n3A_501 = arith.select %and3A_473, %abs3A_498, %broadcast_in_dim3A_500 : vector<16xi1>, vector<16xf32>
      %add3A_502 = arith.addf %get3A_495, %select_n3A_501 : vector<16xf32>
      %swap3A_503 = arith.constant 0 : index
      %swap3A_504 = tpu.vector_load %arg9[%swap3A_503] {strides = array<i32>} : memref<16xf32, #tpu.memory_space<vmem>>, vector<16xf32>,
      tpu.vector_store %arg9[%swap3A_503], %add3A_502 {strides = array<i32>} : memref<16xf32, #tpu.memory_space<vmem>>, vector<16xf32>,
      %get3A_505 = arith.constant 176 : index
      %get3A_506 = tpu.vector_load %arg7[%get3A_505] {strides = array<i32>} : memref<512xi32, #tpu.memory_space<vmem>>, vector<16xi32>,
      %ge3A_507 = vector.broadcast %mul3A_70 : i32 to vector<16xi32>
      %ge3A_508 = arith.cmpi sge, %get3A_506, %ge3A_507 : vector<16xi32>
      %add3A_509 = arith.constant 40 : i32
      %add3A_510 = arith.addi %mul3A_70, %add3A_509 : i32
      %lt3A_511 = vector.broadcast %add3A_510 : i32 to vector<16xi32>
      %lt3A_512 = arith.cmpi slt, %get3A_506, %lt3A_511 : vector<16xi32>
      %and3A_513 = arith.andi %ge3A_508, %lt3A_512 : vector<16xi1>
      %sub3A_514 = vector.broadcast %mul3A_70 : i32 to vector<16xi32>
      %sub3A_515 = arith.subi %get3A_506, %sub3A_514 : vector<16xi32>
      %add3A_516 = arith.constant 176 : i32
      %add3A_517 = vector.broadcast %add3A_516 : i32 to vector<16xi32>
      %add3A_518 = arith.addi %iota3A, %add3A_517 : vector<16xi32>
      %gather3A_519 = arith.constant 0 : i32
      %gather3A_520 = arith.constant 0 : i32
      %gather3A_521 = tpu.memref_slice %arg6[%select_n3A_60, %gather3A_519, %gather3A_520] : memref<2x40x512xf32, #tpu.memory_space<vmem>> -> memref<1x40x512xf32, #tpu.memory_space<vmem>>
      %gather3A_522 = tpu.memref_squeeze %gather3A_521 : memref<1x40x512xf32, #tpu.memory_space<vmem>> -> memref<40x512xf32, #tpu.memory_space<vmem>>
      %gather3A_523 = tpu.vector_load_idx %gather3A_522[%sub3A_515, %add3A_518] masked %and3A_513 : memref<40x512xf32, #tpu.memory_space<vmem>>[vector<16xi32>, vector<16xi32>], vector<16xf32>, vector<16xi1>
      %bitcast_convert_type3A_524 = tpu.bitcast %gather3A_523 : vector<16xf32> -> vector<16xi32>
      %and3A_525 = arith.constant 2147483647 : i32
      %and3A_526 = vector.broadcast %and3A_525 : i32 to vector<16xi32>
      %and3A_527 = arith.andi %bitcast_convert_type3A_524, %and3A_526 : vector<16xi32>
      %shift_right_arithmetic3A_528 = arith.constant 16 : i32
      %shift_right_arithmetic3A_529 = vector.broadcast %shift_right_arithmetic3A_528 : i32 to vector<16xi32>
      %shift_right_arithmetic3A_530 = arith.shrsi %and3A_527, %shift_right_arithmetic3A_529 : vector<16xi32>
      %neg3A_531 = arith.constant 0 : i32
      %neg3A_532 = vector.broadcast %neg3A_531 : i32 to vector<16xi32>
      %neg3A_533 = arith.subi %neg3A_532, %broadcast_in_dim3A_7 : vector<16xi32>
      tpu.vector_store_idx %arg8[%shift_right_arithmetic3A_530], %neg3A_533 masked %and3A_513 {add = true} : memref<32768xi32, #tpu.memory_space<vmem>>[vector<16xi32>], vector<16xi32>, vector<16xi1>
      %get3A_534 = arith.constant 0 : index
      %get3A_535 = tpu.vector_load %arg9[%get3A_534] {strides = array<i32>} : memref<16xf32, #tpu.memory_space<vmem>>, vector<16xf32>,
      %sub3A_536 = vector.broadcast %scan3A_41 : f32 to vector<16xf32>
      %sub3A_537 = arith.subf %gather3A_523, %sub3A_536 : vector<16xf32>
      %abs3A_538 = math.absf %sub3A_537 : vector<16xf32>
      %jit3A_539 = arith.constant 0.000000e+00 : f32
      %broadcast_in_dim3A_540 = vector.broadcast %jit3A_539 : f32 to vector<16xf32>
      %select_n3A_541 = arith.select %and3A_513, %abs3A_538, %broadcast_in_dim3A_540 : vector<16xi1>, vector<16xf32>
      %add3A_542 = arith.addf %get3A_535, %select_n3A_541 : vector<16xf32>
      %swap3A_543 = arith.constant 0 : index
      %swap3A_544 = tpu.vector_load %arg9[%swap3A_543] {strides = array<i32>} : memref<16xf32, #tpu.memory_space<vmem>>, vector<16xf32>,
      tpu.vector_store %arg9[%swap3A_543], %add3A_542 {strides = array<i32>} : memref<16xf32, #tpu.memory_space<vmem>>, vector<16xf32>,
      %get3A_545 = arith.constant 192 : index
      %get3A_546 = tpu.vector_load %arg7[%get3A_545] {strides = array<i32>} : memref<512xi32, #tpu.memory_space<vmem>>, vector<16xi32>,
      %ge3A_547 = vector.broadcast %mul3A_70 : i32 to vector<16xi32>
      %ge3A_548 = arith.cmpi sge, %get3A_546, %ge3A_547 : vector<16xi32>
      %add3A_549 = arith.constant 40 : i32
      %add3A_550 = arith.addi %mul3A_70, %add3A_549 : i32
      %lt3A_551 = vector.broadcast %add3A_550 : i32 to vector<16xi32>
      %lt3A_552 = arith.cmpi slt, %get3A_546, %lt3A_551 : vector<16xi32>
      %and3A_553 = arith.andi %ge3A_548, %lt3A_552 : vector<16xi1>
      %sub3A_554 = vector.broadcast %mul3A_70 : i32 to vector<16xi32>
      %sub3A_555 = arith.subi %get3A_546, %sub3A_554 : vector<16xi32>
      %add3A_556 = arith.constant 192 : i32
      %add3A_557 = vector.broadcast %add3A_556 : i32 to vector<16xi32>
      %add3A_558 = arith.addi %iota3A, %add3A_557 : vector<16xi32>
      %gather3A_559 = arith.constant 0 : i32
      %gather3A_560 = arith.constant 0 : i32
      %gather3A_561 = tpu.memref_slice %arg6[%select_n3A_60, %gather3A_559, %gather3A_560] : memref<2x40x512xf32, #tpu.memory_space<vmem>> -> memref<1x40x512xf32, #tpu.memory_space<vmem>>
      %gather3A_562 = tpu.memref_squeeze %gather3A_561 : memref<1x40x512xf32, #tpu.memory_space<vmem>> -> memref<40x512xf32, #tpu.memory_space<vmem>>
      %gather3A_563 = tpu.vector_load_idx %gather3A_562[%sub3A_555, %add3A_558] masked %and3A_553 : memref<40x512xf32, #tpu.memory_space<vmem>>[vector<16xi32>, vector<16xi32>], vector<16xf32>, vector<16xi1>
      %bitcast_convert_type3A_564 = tpu.bitcast %gather3A_563 : vector<16xf32> -> vector<16xi32>
      %and3A_565 = arith.constant 2147483647 : i32
      %and3A_566 = vector.broadcast %and3A_565 : i32 to vector<16xi32>
      %and3A_567 = arith.andi %bitcast_convert_type3A_564, %and3A_566 : vector<16xi32>
      %shift_right_arithmetic3A_568 = arith.constant 16 : i32
      %shift_right_arithmetic3A_569 = vector.broadcast %shift_right_arithmetic3A_568 : i32 to vector<16xi32>
      %shift_right_arithmetic3A_570 = arith.shrsi %and3A_567, %shift_right_arithmetic3A_569 : vector<16xi32>
      %neg3A_571 = arith.constant 0 : i32
      %neg3A_572 = vector.broadcast %neg3A_571 : i32 to vector<16xi32>
      %neg3A_573 = arith.subi %neg3A_572, %broadcast_in_dim3A_7 : vector<16xi32>
      tpu.vector_store_idx %arg8[%shift_right_arithmetic3A_570], %neg3A_573 masked %and3A_553 {add = true} : memref<32768xi32, #tpu.memory_space<vmem>>[vector<16xi32>], vector<16xi32>, vector<16xi1>
      %get3A_574 = arith.constant 0 : index
      %get3A_575 = tpu.vector_load %arg9[%get3A_574] {strides = array<i32>} : memref<16xf32, #tpu.memory_space<vmem>>, vector<16xf32>,
      %sub3A_576 = vector.broadcast %scan3A_41 : f32 to vector<16xf32>
      %sub3A_577 = arith.subf %gather3A_563, %sub3A_576 : vector<16xf32>
      %abs3A_578 = math.absf %sub3A_577 : vector<16xf32>
      %jit3A_579 = arith.constant 0.000000e+00 : f32
      %broadcast_in_dim3A_580 = vector.broadcast %jit3A_579 : f32 to vector<16xf32>
      %select_n3A_581 = arith.select %and3A_553, %abs3A_578, %broadcast_in_dim3A_580 : vector<16xi1>, vector<16xf32>
      %add3A_582 = arith.addf %get3A_575, %select_n3A_581 : vector<16xf32>
      %swap3A_583 = arith.constant 0 : index
      %swap3A_584 = tpu.vector_load %arg9[%swap3A_583] {strides = array<i32>} : memref<16xf32, #tpu.memory_space<vmem>>, vector<16xf32>,
      tpu.vector_store %arg9[%swap3A_583], %add3A_582 {strides = array<i32>} : memref<16xf32, #tpu.memory_space<vmem>>, vector<16xf32>,
      %get3A_585 = arith.constant 208 : index
      %get3A_586 = tpu.vector_load %arg7[%get3A_585] {strides = array<i32>} : memref<512xi32, #tpu.memory_space<vmem>>, vector<16xi32>,
      %ge3A_587 = vector.broadcast %mul3A_70 : i32 to vector<16xi32>
      %ge3A_588 = arith.cmpi sge, %get3A_586, %ge3A_587 : vector<16xi32>
      %add3A_589 = arith.constant 40 : i32
      %add3A_590 = arith.addi %mul3A_70, %add3A_589 : i32
      %lt3A_591 = vector.broadcast %add3A_590 : i32 to vector<16xi32>
      %lt3A_592 = arith.cmpi slt, %get3A_586, %lt3A_591 : vector<16xi32>
      %and3A_593 = arith.andi %ge3A_588, %lt3A_592 : vector<16xi1>
      %sub3A_594 = vector.broadcast %mul3A_70 : i32 to vector<16xi32>
      %sub3A_595 = arith.subi %get3A_586, %sub3A_594 : vector<16xi32>
      %add3A_596 = arith.constant 208 : i32
      %add3A_597 = vector.broadcast %add3A_596 : i32 to vector<16xi32>
      %add3A_598 = arith.addi %iota3A, %add3A_597 : vector<16xi32>
      %gather3A_599 = arith.constant 0 : i32
      %gather3A_600 = arith.constant 0 : i32
      %gather3A_601 = tpu.memref_slice %arg6[%select_n3A_60, %gather3A_599, %gather3A_600] : memref<2x40x512xf32, #tpu.memory_space<vmem>> -> memref<1x40x512xf32, #tpu.memory_space<vmem>>
      %gather3A_602 = tpu.memref_squeeze %gather3A_601 : memref<1x40x512xf32, #tpu.memory_space<vmem>> -> memref<40x512xf32, #tpu.memory_space<vmem>>
      %gather3A_603 = tpu.vector_load_idx %gather3A_602[%sub3A_595, %add3A_598] masked %and3A_593 : memref<40x512xf32, #tpu.memory_space<vmem>>[vector<16xi32>, vector<16xi32>], vector<16xf32>, vector<16xi1>
      %bitcast_convert_type3A_604 = tpu.bitcast %gather3A_603 : vector<16xf32> -> vector<16xi32>
      %and3A_605 = arith.constant 2147483647 : i32
      %and3A_606 = vector.broadcast %and3A_605 : i32 to vector<16xi32>
      %and3A_607 = arith.andi %bitcast_convert_type3A_604, %and3A_606 : vector<16xi32>
      %shift_right_arithmetic3A_608 = arith.constant 16 : i32
      %shift_right_arithmetic3A_609 = vector.broadcast %shift_right_arithmetic3A_608 : i32 to vector<16xi32>
      %shift_right_arithmetic3A_610 = arith.shrsi %and3A_607, %shift_right_arithmetic3A_609 : vector<16xi32>
      %neg3A_611 = arith.constant 0 : i32
      %neg3A_612 = vector.broadcast %neg3A_611 : i32 to vector<16xi32>
      %neg3A_613 = arith.subi %neg3A_612, %broadcast_in_dim3A_7 : vector<16xi32>
      tpu.vector_store_idx %arg8[%shift_right_arithmetic3A_610], %neg3A_613 masked %and3A_593 {add = true} : memref<32768xi32, #tpu.memory_space<vmem>>[vector<16xi32>], vector<16xi32>, vector<16xi1>
      %get3A_614 = arith.constant 0 : index
      %get3A_615 = tpu.vector_load %arg9[%get3A_614] {strides = array<i32>} : memref<16xf32, #tpu.memory_space<vmem>>, vector<16xf32>,
      %sub3A_616 = vector.broadcast %scan3A_41 : f32 to vector<16xf32>
      %sub3A_617 = arith.subf %gather3A_603, %sub3A_616 : vector<16xf32>
      %abs3A_618 = math.absf %sub3A_617 : vector<16xf32>
      %jit3A_619 = arith.constant 0.000000e+00 : f32
      %broadcast_in_dim3A_620 = vector.broadcast %jit3A_619 : f32 to vector<16xf32>
      %select_n3A_621 = arith.select %and3A_593, %abs3A_618, %broadcast_in_dim3A_620 : vector<16xi1>, vector<16xf32>
      %add3A_622 = arith.addf %get3A_615, %select_n3A_621 : vector<16xf32>
      %swap3A_623 = arith.constant 0 : index
      %swap3A_624 = tpu.vector_load %arg9[%swap3A_623] {strides = array<i32>} : memref<16xf32, #tpu.memory_space<vmem>>, vector<16xf32>,
      tpu.vector_store %arg9[%swap3A_623], %add3A_622 {strides = array<i32>} : memref<16xf32, #tpu.memory_space<vmem>>, vector<16xf32>,
      %get3A_625 = arith.constant 224 : index
      %get3A_626 = tpu.vector_load %arg7[%get3A_625] {strides = array<i32>} : memref<512xi32, #tpu.memory_space<vmem>>, vector<16xi32>,
      %ge3A_627 = vector.broadcast %mul3A_70 : i32 to vector<16xi32>
      %ge3A_628 = arith.cmpi sge, %get3A_626, %ge3A_627 : vector<16xi32>
      %add3A_629 = arith.constant 40 : i32
      %add3A_630 = arith.addi %mul3A_70, %add3A_629 : i32
      %lt3A_631 = vector.broadcast %add3A_630 : i32 to vector<16xi32>
      %lt3A_632 = arith.cmpi slt, %get3A_626, %lt3A_631 : vector<16xi32>
      %and3A_633 = arith.andi %ge3A_628, %lt3A_632 : vector<16xi1>
      %sub3A_634 = vector.broadcast %mul3A_70 : i32 to vector<16xi32>
      %sub3A_635 = arith.subi %get3A_626, %sub3A_634 : vector<16xi32>
      %add3A_636 = arith.constant 224 : i32
      %add3A_637 = vector.broadcast %add3A_636 : i32 to vector<16xi32>
      %add3A_638 = arith.addi %iota3A, %add3A_637 : vector<16xi32>
      %gather3A_639 = arith.constant 0 : i32
      %gather3A_640 = arith.constant 0 : i32
      %gather3A_641 = tpu.memref_slice %arg6[%select_n3A_60, %gather3A_639, %gather3A_640] : memref<2x40x512xf32, #tpu.memory_space<vmem>> -> memref<1x40x512xf32, #tpu.memory_space<vmem>>
      %gather3A_642 = tpu.memref_squeeze %gather3A_641 : memref<1x40x512xf32, #tpu.memory_space<vmem>> -> memref<40x512xf32, #tpu.memory_space<vmem>>
      %gather3A_643 = tpu.vector_load_idx %gather3A_642[%sub3A_635, %add3A_638] masked %and3A_633 : memref<40x512xf32, #tpu.memory_space<vmem>>[vector<16xi32>, vector<16xi32>], vector<16xf32>, vector<16xi1>
      %bitcast_convert_type3A_644 = tpu.bitcast %gather3A_643 : vector<16xf32> -> vector<16xi32>
      %and3A_645 = arith.constant 2147483647 : i32
      %and3A_646 = vector.broadcast %and3A_645 : i32 to vector<16xi32>
      %and3A_647 = arith.andi %bitcast_convert_type3A_644, %and3A_646 : vector<16xi32>
      %shift_right_arithmetic3A_648 = arith.constant 16 : i32
      %shift_right_arithmetic3A_649 = vector.broadcast %shift_right_arithmetic3A_648 : i32 to vector<16xi32>
      %shift_right_arithmetic3A_650 = arith.shrsi %and3A_647, %shift_right_arithmetic3A_649 : vector<16xi32>
      %neg3A_651 = arith.constant 0 : i32
      %neg3A_652 = vector.broadcast %neg3A_651 : i32 to vector<16xi32>
      %neg3A_653 = arith.subi %neg3A_652, %broadcast_in_dim3A_7 : vector<16xi32>
      tpu.vector_store_idx %arg8[%shift_right_arithmetic3A_650], %neg3A_653 masked %and3A_633 {add = true} : memref<32768xi32, #tpu.memory_space<vmem>>[vector<16xi32>], vector<16xi32>, vector<16xi1>
      %get3A_654 = arith.constant 0 : index
      %get3A_655 = tpu.vector_load %arg9[%get3A_654] {strides = array<i32>} : memref<16xf32, #tpu.memory_space<vmem>>, vector<16xf32>,
      %sub3A_656 = vector.broadcast %scan3A_41 : f32 to vector<16xf32>
      %sub3A_657 = arith.subf %gather3A_643, %sub3A_656 : vector<16xf32>
      %abs3A_658 = math.absf %sub3A_657 : vector<16xf32>
      %jit3A_659 = arith.constant 0.000000e+00 : f32
      %broadcast_in_dim3A_660 = vector.broadcast %jit3A_659 : f32 to vector<16xf32>
      %select_n3A_661 = arith.select %and3A_633, %abs3A_658, %broadcast_in_dim3A_660 : vector<16xi1>, vector<16xf32>
      %add3A_662 = arith.addf %get3A_655, %select_n3A_661 : vector<16xf32>
      %swap3A_663 = arith.constant 0 : index
      %swap3A_664 = tpu.vector_load %arg9[%swap3A_663] {strides = array<i32>} : memref<16xf32, #tpu.memory_space<vmem>>, vector<16xf32>,
      tpu.vector_store %arg9[%swap3A_663], %add3A_662 {strides = array<i32>} : memref<16xf32, #tpu.memory_space<vmem>>, vector<16xf32>,
      %get3A_665 = arith.constant 240 : index
      %get3A_666 = tpu.vector_load %arg7[%get3A_665] {strides = array<i32>} : memref<512xi32, #tpu.memory_space<vmem>>, vector<16xi32>,
      %ge3A_667 = vector.broadcast %mul3A_70 : i32 to vector<16xi32>
      %ge3A_668 = arith.cmpi sge, %get3A_666, %ge3A_667 : vector<16xi32>
      %add3A_669 = arith.constant 40 : i32
      %add3A_670 = arith.addi %mul3A_70, %add3A_669 : i32
      %lt3A_671 = vector.broadcast %add3A_670 : i32 to vector<16xi32>
      %lt3A_672 = arith.cmpi slt, %get3A_666, %lt3A_671 : vector<16xi32>
      %and3A_673 = arith.andi %ge3A_668, %lt3A_672 : vector<16xi1>
      %sub3A_674 = vector.broadcast %mul3A_70 : i32 to vector<16xi32>
      %sub3A_675 = arith.subi %get3A_666, %sub3A_674 : vector<16xi32>
      %add3A_676 = arith.constant 240 : i32
      %add3A_677 = vector.broadcast %add3A_676 : i32 to vector<16xi32>
      %add3A_678 = arith.addi %iota3A, %add3A_677 : vector<16xi32>
      %gather3A_679 = arith.constant 0 : i32
      %gather3A_680 = arith.constant 0 : i32
      %gather3A_681 = tpu.memref_slice %arg6[%select_n3A_60, %gather3A_679, %gather3A_680] : memref<2x40x512xf32, #tpu.memory_space<vmem>> -> memref<1x40x512xf32, #tpu.memory_space<vmem>>
      %gather3A_682 = tpu.memref_squeeze %gather3A_681 : memref<1x40x512xf32, #tpu.memory_space<vmem>> -> memref<40x512xf32, #tpu.memory_space<vmem>>
      %gather3A_683 = tpu.vector_load_idx %gather3A_682[%sub3A_675, %add3A_678] masked %and3A_673 : memref<40x512xf32, #tpu.memory_space<vmem>>[vector<16xi32>, vector<16xi32>], vector<16xf32>, vector<16xi1>
      %bitcast_convert_type3A_684 = tpu.bitcast %gather3A_683 : vector<16xf32> -> vector<16xi32>
      %and3A_685 = arith.constant 2147483647 : i32
      %and3A_686 = vector.broadcast %and3A_685 : i32 to vector<16xi32>
      %and3A_687 = arith.andi %bitcast_convert_type3A_684, %and3A_686 : vector<16xi32>
      %shift_right_arithmetic3A_688 = arith.constant 16 : i32
      %shift_right_arithmetic3A_689 = vector.broadcast %shift_right_arithmetic3A_688 : i32 to vector<16xi32>
      %shift_right_arithmetic3A_690 = arith.shrsi %and3A_687, %shift_right_arithmetic3A_689 : vector<16xi32>
      %neg3A_691 = arith.constant 0 : i32
      %neg3A_692 = vector.broadcast %neg3A_691 : i32 to vector<16xi32>
      %neg3A_693 = arith.subi %neg3A_692, %broadcast_in_dim3A_7 : vector<16xi32>
      tpu.vector_store_idx %arg8[%shift_right_arithmetic3A_690], %neg3A_693 masked %and3A_673 {add = true} : memref<32768xi32, #tpu.memory_space<vmem>>[vector<16xi32>], vector<16xi32>, vector<16xi1>
      %get3A_694 = arith.constant 0 : index
      %get3A_695 = tpu.vector_load %arg9[%get3A_694] {strides = array<i32>} : memref<16xf32, #tpu.memory_space<vmem>>, vector<16xf32>,
      %sub3A_696 = vector.broadcast %scan3A_41 : f32 to vector<16xf32>
      %sub3A_697 = arith.subf %gather3A_683, %sub3A_696 : vector<16xf32>
      %abs3A_698 = math.absf %sub3A_697 : vector<16xf32>
      %jit3A_699 = arith.constant 0.000000e+00 : f32
      %broadcast_in_dim3A_700 = vector.broadcast %jit3A_699 : f32 to vector<16xf32>
      %select_n3A_701 = arith.select %and3A_673, %abs3A_698, %broadcast_in_dim3A_700 : vector<16xi1>, vector<16xf32>
      %add3A_702 = arith.addf %get3A_695, %select_n3A_701 : vector<16xf32>
      %swap3A_703 = arith.constant 0 : index
      %swap3A_704 = tpu.vector_load %arg9[%swap3A_703] {strides = array<i32>} : memref<16xf32, #tpu.memory_space<vmem>>, vector<16xf32>,
      tpu.vector_store %arg9[%swap3A_703], %add3A_702 {strides = array<i32>} : memref<16xf32, #tpu.memory_space<vmem>>, vector<16xf32>,
      %get3A_705 = arith.constant 256 : index
      %get3A_706 = tpu.vector_load %arg7[%get3A_705] {strides = array<i32>} : memref<512xi32, #tpu.memory_space<vmem>>, vector<16xi32>,
      %ge3A_707 = vector.broadcast %mul3A_70 : i32 to vector<16xi32>
      %ge3A_708 = arith.cmpi sge, %get3A_706, %ge3A_707 : vector<16xi32>
      %add3A_709 = arith.constant 40 : i32
      %add3A_710 = arith.addi %mul3A_70, %add3A_709 : i32
      %lt3A_711 = vector.broadcast %add3A_710 : i32 to vector<16xi32>
      %lt3A_712 = arith.cmpi slt, %get3A_706, %lt3A_711 : vector<16xi32>
      %and3A_713 = arith.andi %ge3A_708, %lt3A_712 : vector<16xi1>
      %sub3A_714 = vector.broadcast %mul3A_70 : i32 to vector<16xi32>
      %sub3A_715 = arith.subi %get3A_706, %sub3A_714 : vector<16xi32>
      %add3A_716 = arith.constant 256 : i32
      %add3A_717 = vector.broadcast %add3A_716 : i32 to vector<16xi32>
      %add3A_718 = arith.addi %iota3A, %add3A_717 : vector<16xi32>
      %gather3A_719 = arith.constant 0 : i32
      %gather3A_720 = arith.constant 0 : i32
      %gather3A_721 = tpu.memref_slice %arg6[%select_n3A_60, %gather3A_719, %gather3A_720] : memref<2x40x512xf32, #tpu.memory_space<vmem>> -> memref<1x40x512xf32, #tpu.memory_space<vmem>>
      %gather3A_722 = tpu.memref_squeeze %gather3A_721 : memref<1x40x512xf32, #tpu.memory_space<vmem>> -> memref<40x512xf32, #tpu.memory_space<vmem>>
      %gather3A_723 = tpu.vector_load_idx %gather3A_722[%sub3A_715, %add3A_718] masked %and3A_713 : memref<40x512xf32, #tpu.memory_space<vmem>>[vector<16xi32>, vector<16xi32>], vector<16xf32>, vector<16xi1>
      %bitcast_convert_type3A_724 = tpu.bitcast %gather3A_723 : vector<16xf32> -> vector<16xi32>
      %and3A_725 = arith.constant 2147483647 : i32
      %and3A_726 = vector.broadcast %and3A_725 : i32 to vector<16xi32>
      %and3A_727 = arith.andi %bitcast_convert_type3A_724, %and3A_726 : vector<16xi32>
      %shift_right_arithmetic3A_728 = arith.constant 16 : i32
      %shift_right_arithmetic3A_729 = vector.broadcast %shift_right_arithmetic3A_728 : i32 to vector<16xi32>
      %shift_right_arithmetic3A_730 = arith.shrsi %and3A_727, %shift_right_arithmetic3A_729 : vector<16xi32>
      %neg3A_731 = arith.constant 0 : i32
      %neg3A_732 = vector.broadcast %neg3A_731 : i32 to vector<16xi32>
      %neg3A_733 = arith.subi %neg3A_732, %broadcast_in_dim3A_7 : vector<16xi32>
      tpu.vector_store_idx %arg8[%shift_right_arithmetic3A_730], %neg3A_733 masked %and3A_713 {add = true} : memref<32768xi32, #tpu.memory_space<vmem>>[vector<16xi32>], vector<16xi32>, vector<16xi1>
      %get3A_734 = arith.constant 0 : index
      %get3A_735 = tpu.vector_load %arg9[%get3A_734] {strides = array<i32>} : memref<16xf32, #tpu.memory_space<vmem>>, vector<16xf32>,
      %sub3A_736 = vector.broadcast %scan3A_41 : f32 to vector<16xf32>
      %sub3A_737 = arith.subf %gather3A_723, %sub3A_736 : vector<16xf32>
      %abs3A_738 = math.absf %sub3A_737 : vector<16xf32>
      %jit3A_739 = arith.constant 0.000000e+00 : f32
      %broadcast_in_dim3A_740 = vector.broadcast %jit3A_739 : f32 to vector<16xf32>
      %select_n3A_741 = arith.select %and3A_713, %abs3A_738, %broadcast_in_dim3A_740 : vector<16xi1>, vector<16xf32>
      %add3A_742 = arith.addf %get3A_735, %select_n3A_741 : vector<16xf32>
      %swap3A_743 = arith.constant 0 : index
      %swap3A_744 = tpu.vector_load %arg9[%swap3A_743] {strides = array<i32>} : memref<16xf32, #tpu.memory_space<vmem>>, vector<16xf32>,
      tpu.vector_store %arg9[%swap3A_743], %add3A_742 {strides = array<i32>} : memref<16xf32, #tpu.memory_space<vmem>>, vector<16xf32>,
      %get3A_745 = arith.constant 272 : index
      %get3A_746 = tpu.vector_load %arg7[%get3A_745] {strides = array<i32>} : memref<512xi32, #tpu.memory_space<vmem>>, vector<16xi32>,
      %ge3A_747 = vector.broadcast %mul3A_70 : i32 to vector<16xi32>
      %ge3A_748 = arith.cmpi sge, %get3A_746, %ge3A_747 : vector<16xi32>
      %add3A_749 = arith.constant 40 : i32
      %add3A_750 = arith.addi %mul3A_70, %add3A_749 : i32
      %lt3A_751 = vector.broadcast %add3A_750 : i32 to vector<16xi32>
      %lt3A_752 = arith.cmpi slt, %get3A_746, %lt3A_751 : vector<16xi32>
      %and3A_753 = arith.andi %ge3A_748, %lt3A_752 : vector<16xi1>
      %sub3A_754 = vector.broadcast %mul3A_70 : i32 to vector<16xi32>
      %sub3A_755 = arith.subi %get3A_746, %sub3A_754 : vector<16xi32>
      %add3A_756 = arith.constant 272 : i32
      %add3A_757 = vector.broadcast %add3A_756 : i32 to vector<16xi32>
      %add3A_758 = arith.addi %iota3A, %add3A_757 : vector<16xi32>
      %gather3A_759 = arith.constant 0 : i32
      %gather3A_760 = arith.constant 0 : i32
      %gather3A_761 = tpu.memref_slice %arg6[%select_n3A_60, %gather3A_759, %gather3A_760] : memref<2x40x512xf32, #tpu.memory_space<vmem>> -> memref<1x40x512xf32, #tpu.memory_space<vmem>>
      %gather3A_762 = tpu.memref_squeeze %gather3A_761 : memref<1x40x512xf32, #tpu.memory_space<vmem>> -> memref<40x512xf32, #tpu.memory_space<vmem>>
      %gather3A_763 = tpu.vector_load_idx %gather3A_762[%sub3A_755, %add3A_758] masked %and3A_753 : memref<40x512xf32, #tpu.memory_space<vmem>>[vector<16xi32>, vector<16xi32>], vector<16xf32>, vector<16xi1>
      %bitcast_convert_type3A_764 = tpu.bitcast %gather3A_763 : vector<16xf32> -> vector<16xi32>
      %and3A_765 = arith.constant 2147483647 : i32
      %and3A_766 = vector.broadcast %and3A_765 : i32 to vector<16xi32>
      %and3A_767 = arith.andi %bitcast_convert_type3A_764, %and3A_766 : vector<16xi32>
      %shift_right_arithmetic3A_768 = arith.constant 16 : i32
      %shift_right_arithmetic3A_769 = vector.broadcast %shift_right_arithmetic3A_768 : i32 to vector<16xi32>
      %shift_right_arithmetic3A_770 = arith.shrsi %and3A_767, %shift_right_arithmetic3A_769 : vector<16xi32>
      %neg3A_771 = arith.constant 0 : i32
      %neg3A_772 = vector.broadcast %neg3A_771 : i32 to vector<16xi32>
      %neg3A_773 = arith.subi %neg3A_772, %broadcast_in_dim3A_7 : vector<16xi32>
      tpu.vector_store_idx %arg8[%shift_right_arithmetic3A_770], %neg3A_773 masked %and3A_753 {add = true} : memref<32768xi32, #tpu.memory_space<vmem>>[vector<16xi32>], vector<16xi32>, vector<16xi1>
      %get3A_774 = arith.constant 0 : index
      %get3A_775 = tpu.vector_load %arg9[%get3A_774] {strides = array<i32>} : memref<16xf32, #tpu.memory_space<vmem>>, vector<16xf32>,
      %sub3A_776 = vector.broadcast %scan3A_41 : f32 to vector<16xf32>
      %sub3A_777 = arith.subf %gather3A_763, %sub3A_776 : vector<16xf32>
      %abs3A_778 = math.absf %sub3A_777 : vector<16xf32>
      %jit3A_779 = arith.constant 0.000000e+00 : f32
      %broadcast_in_dim3A_780 = vector.broadcast %jit3A_779 : f32 to vector<16xf32>
      %select_n3A_781 = arith.select %and3A_753, %abs3A_778, %broadcast_in_dim3A_780 : vector<16xi1>, vector<16xf32>
      %add3A_782 = arith.addf %get3A_775, %select_n3A_781 : vector<16xf32>
      %swap3A_783 = arith.constant 0 : index
      %swap3A_784 = tpu.vector_load %arg9[%swap3A_783] {strides = array<i32>} : memref<16xf32, #tpu.memory_space<vmem>>, vector<16xf32>,
      tpu.vector_store %arg9[%swap3A_783], %add3A_782 {strides = array<i32>} : memref<16xf32, #tpu.memory_space<vmem>>, vector<16xf32>,
      %get3A_785 = arith.constant 288 : index
      %get3A_786 = tpu.vector_load %arg7[%get3A_785] {strides = array<i32>} : memref<512xi32, #tpu.memory_space<vmem>>, vector<16xi32>,
      %ge3A_787 = vector.broadcast %mul3A_70 : i32 to vector<16xi32>
      %ge3A_788 = arith.cmpi sge, %get3A_786, %ge3A_787 : vector<16xi32>
      %add3A_789 = arith.constant 40 : i32
      %add3A_790 = arith.addi %mul3A_70, %add3A_789 : i32
      %lt3A_791 = vector.broadcast %add3A_790 : i32 to vector<16xi32>
      %lt3A_792 = arith.cmpi slt, %get3A_786, %lt3A_791 : vector<16xi32>
      %and3A_793 = arith.andi %ge3A_788, %lt3A_792 : vector<16xi1>
      %sub3A_794 = vector.broadcast %mul3A_70 : i32 to vector<16xi32>
      %sub3A_795 = arith.subi %get3A_786, %sub3A_794 : vector<16xi32>
      %add3A_796 = arith.constant 288 : i32
      %add3A_797 = vector.broadcast %add3A_796 : i32 to vector<16xi32>
      %add3A_798 = arith.addi %iota3A, %add3A_797 : vector<16xi32>
      %gather3A_799 = arith.constant 0 : i32
      %gather3A_800 = arith.constant 0 : i32
      %gather3A_801 = tpu.memref_slice %arg6[%select_n3A_60, %gather3A_799, %gather3A_800] : memref<2x40x512xf32, #tpu.memory_space<vmem>> -> memref<1x40x512xf32, #tpu.memory_space<vmem>>
      %gather3A_802 = tpu.memref_squeeze %gather3A_801 : memref<1x40x512xf32, #tpu.memory_space<vmem>> -> memref<40x512xf32, #tpu.memory_space<vmem>>
      %gather3A_803 = tpu.vector_load_idx %gather3A_802[%sub3A_795, %add3A_798] masked %and3A_793 : memref<40x512xf32, #tpu.memory_space<vmem>>[vector<16xi32>, vector<16xi32>], vector<16xf32>, vector<16xi1>
      %bitcast_convert_type3A_804 = tpu.bitcast %gather3A_803 : vector<16xf32> -> vector<16xi32>
      %and3A_805 = arith.constant 2147483647 : i32
      %and3A_806 = vector.broadcast %and3A_805 : i32 to vector<16xi32>
      %and3A_807 = arith.andi %bitcast_convert_type3A_804, %and3A_806 : vector<16xi32>
      %shift_right_arithmetic3A_808 = arith.constant 16 : i32
      %shift_right_arithmetic3A_809 = vector.broadcast %shift_right_arithmetic3A_808 : i32 to vector<16xi32>
      %shift_right_arithmetic3A_810 = arith.shrsi %and3A_807, %shift_right_arithmetic3A_809 : vector<16xi32>
      %neg3A_811 = arith.constant 0 : i32
      %neg3A_812 = vector.broadcast %neg3A_811 : i32 to vector<16xi32>
      %neg3A_813 = arith.subi %neg3A_812, %broadcast_in_dim3A_7 : vector<16xi32>
      tpu.vector_store_idx %arg8[%shift_right_arithmetic3A_810], %neg3A_813 masked %and3A_793 {add = true} : memref<32768xi32, #tpu.memory_space<vmem>>[vector<16xi32>], vector<16xi32>, vector<16xi1>
      %get3A_814 = arith.constant 0 : index
      %get3A_815 = tpu.vector_load %arg9[%get3A_814] {strides = array<i32>} : memref<16xf32, #tpu.memory_space<vmem>>, vector<16xf32>,
      %sub3A_816 = vector.broadcast %scan3A_41 : f32 to vector<16xf32>
      %sub3A_817 = arith.subf %gather3A_803, %sub3A_816 : vector<16xf32>
      %abs3A_818 = math.absf %sub3A_817 : vector<16xf32>
      %jit3A_819 = arith.constant 0.000000e+00 : f32
      %broadcast_in_dim3A_820 = vector.broadcast %jit3A_819 : f32 to vector<16xf32>
      %select_n3A_821 = arith.select %and3A_793, %abs3A_818, %broadcast_in_dim3A_820 : vector<16xi1>, vector<16xf32>
      %add3A_822 = arith.addf %get3A_815, %select_n3A_821 : vector<16xf32>
      %swap3A_823 = arith.constant 0 : index
      %swap3A_824 = tpu.vector_load %arg9[%swap3A_823] {strides = array<i32>} : memref<16xf32, #tpu.memory_space<vmem>>, vector<16xf32>,
      tpu.vector_store %arg9[%swap3A_823], %add3A_822 {strides = array<i32>} : memref<16xf32, #tpu.memory_space<vmem>>, vector<16xf32>,
      %get3A_825 = arith.constant 304 : index
      %get3A_826 = tpu.vector_load %arg7[%get3A_825] {strides = array<i32>} : memref<512xi32, #tpu.memory_space<vmem>>, vector<16xi32>,
      %ge3A_827 = vector.broadcast %mul3A_70 : i32 to vector<16xi32>
      %ge3A_828 = arith.cmpi sge, %get3A_826, %ge3A_827 : vector<16xi32>
      %add3A_829 = arith.constant 40 : i32
      %add3A_830 = arith.addi %mul3A_70, %add3A_829 : i32
      %lt3A_831 = vector.broadcast %add3A_830 : i32 to vector<16xi32>
      %lt3A_832 = arith.cmpi slt, %get3A_826, %lt3A_831 : vector<16xi32>
      %and3A_833 = arith.andi %ge3A_828, %lt3A_832 : vector<16xi1>
      %sub3A_834 = vector.broadcast %mul3A_70 : i32 to vector<16xi32>
      %sub3A_835 = arith.subi %get3A_826, %sub3A_834 : vector<16xi32>
      %add3A_836 = arith.constant 304 : i32
      %add3A_837 = vector.broadcast %add3A_836 : i32 to vector<16xi32>
      %add3A_838 = arith.addi %iota3A, %add3A_837 : vector<16xi32>
      %gather3A_839 = arith.constant 0 : i32
      %gather3A_840 = arith.constant 0 : i32
      %gather3A_841 = tpu.memref_slice %arg6[%select_n3A_60, %gather3A_839, %gather3A_840] : memref<2x40x512xf32, #tpu.memory_space<vmem>> -> memref<1x40x512xf32, #tpu.memory_space<vmem>>
      %gather3A_842 = tpu.memref_squeeze %gather3A_841 : memref<1x40x512xf32, #tpu.memory_space<vmem>> -> memref<40x512xf32, #tpu.memory_space<vmem>>
      %gather3A_843 = tpu.vector_load_idx %gather3A_842[%sub3A_835, %add3A_838] masked %and3A_833 : memref<40x512xf32, #tpu.memory_space<vmem>>[vector<16xi32>, vector<16xi32>], vector<16xf32>, vector<16xi1>
      %bitcast_convert_type3A_844 = tpu.bitcast %gather3A_843 : vector<16xf32> -> vector<16xi32>
      %and3A_845 = arith.constant 2147483647 : i32
      %and3A_846 = vector.broadcast %and3A_845 : i32 to vector<16xi32>
      %and3A_847 = arith.andi %bitcast_convert_type3A_844, %and3A_846 : vector<16xi32>
      %shift_right_arithmetic3A_848 = arith.constant 16 : i32
      %shift_right_arithmetic3A_849 = vector.broadcast %shift_right_arithmetic3A_848 : i32 to vector<16xi32>
      %shift_right_arithmetic3A_850 = arith.shrsi %and3A_847, %shift_right_arithmetic3A_849 : vector<16xi32>
      %neg3A_851 = arith.constant 0 : i32
      %neg3A_852 = vector.broadcast %neg3A_851 : i32 to vector<16xi32>
      %neg3A_853 = arith.subi %neg3A_852, %broadcast_in_dim3A_7 : vector<16xi32>
      tpu.vector_store_idx %arg8[%shift_right_arithmetic3A_850], %neg3A_853 masked %and3A_833 {add = true} : memref<32768xi32, #tpu.memory_space<vmem>>[vector<16xi32>], vector<16xi32>, vector<16xi1>
      %get3A_854 = arith.constant 0 : index
      %get3A_855 = tpu.vector_load %arg9[%get3A_854] {strides = array<i32>} : memref<16xf32, #tpu.memory_space<vmem>>, vector<16xf32>,
      %sub3A_856 = vector.broadcast %scan3A_41 : f32 to vector<16xf32>
      %sub3A_857 = arith.subf %gather3A_843, %sub3A_856 : vector<16xf32>
      %abs3A_858 = math.absf %sub3A_857 : vector<16xf32>
      %jit3A_859 = arith.constant 0.000000e+00 : f32
      %broadcast_in_dim3A_860 = vector.broadcast %jit3A_859 : f32 to vector<16xf32>
      %select_n3A_861 = arith.select %and3A_833, %abs3A_858, %broadcast_in_dim3A_860 : vector<16xi1>, vector<16xf32>
      %add3A_862 = arith.addf %get3A_855, %select_n3A_861 : vector<16xf32>
      %swap3A_863 = arith.constant 0 : index
      %swap3A_864 = tpu.vector_load %arg9[%swap3A_863] {strides = array<i32>} : memref<16xf32, #tpu.memory_space<vmem>>, vector<16xf32>,
      tpu.vector_store %arg9[%swap3A_863], %add3A_862 {strides = array<i32>} : memref<16xf32, #tpu.memory_space<vmem>>, vector<16xf32>,
      %get3A_865 = arith.constant 320 : index
      %get3A_866 = tpu.vector_load %arg7[%get3A_865] {strides = array<i32>} : memref<512xi32, #tpu.memory_space<vmem>>, vector<16xi32>,
      %ge3A_867 = vector.broadcast %mul3A_70 : i32 to vector<16xi32>
      %ge3A_868 = arith.cmpi sge, %get3A_866, %ge3A_867 : vector<16xi32>
      %add3A_869 = arith.constant 40 : i32
      %add3A_870 = arith.addi %mul3A_70, %add3A_869 : i32
      %lt3A_871 = vector.broadcast %add3A_870 : i32 to vector<16xi32>
      %lt3A_872 = arith.cmpi slt, %get3A_866, %lt3A_871 : vector<16xi32>
      %and3A_873 = arith.andi %ge3A_868, %lt3A_872 : vector<16xi1>
      %sub3A_874 = vector.broadcast %mul3A_70 : i32 to vector<16xi32>
      %sub3A_875 = arith.subi %get3A_866, %sub3A_874 : vector<16xi32>
      %add3A_876 = arith.constant 320 : i32
      %add3A_877 = vector.broadcast %add3A_876 : i32 to vector<16xi32>
      %add3A_878 = arith.addi %iota3A, %add3A_877 : vector<16xi32>
      %gather3A_879 = arith.constant 0 : i32
      %gather3A_880 = arith.constant 0 : i32
      %gather3A_881 = tpu.memref_slice %arg6[%select_n3A_60, %gather3A_879, %gather3A_880] : memref<2x40x512xf32, #tpu.memory_space<vmem>> -> memref<1x40x512xf32, #tpu.memory_space<vmem>>
      %gather3A_882 = tpu.memref_squeeze %gather3A_881 : memref<1x40x512xf32, #tpu.memory_space<vmem>> -> memref<40x512xf32, #tpu.memory_space<vmem>>
      %gather3A_883 = tpu.vector_load_idx %gather3A_882[%sub3A_875, %add3A_878] masked %and3A_873 : memref<40x512xf32, #tpu.memory_space<vmem>>[vector<16xi32>, vector<16xi32>], vector<16xf32>, vector<16xi1>
      %bitcast_convert_type3A_884 = tpu.bitcast %gather3A_883 : vector<16xf32> -> vector<16xi32>
      %and3A_885 = arith.constant 2147483647 : i32
      %and3A_886 = vector.broadcast %and3A_885 : i32 to vector<16xi32>
      %and3A_887 = arith.andi %bitcast_convert_type3A_884, %and3A_886 : vector<16xi32>
      %shift_right_arithmetic3A_888 = arith.constant 16 : i32
      %shift_right_arithmetic3A_889 = vector.broadcast %shift_right_arithmetic3A_888 : i32 to vector<16xi32>
      %shift_right_arithmetic3A_890 = arith.shrsi %and3A_887, %shift_right_arithmetic3A_889 : vector<16xi32>
      %neg3A_891 = arith.constant 0 : i32
      %neg3A_892 = vector.broadcast %neg3A_891 : i32 to vector<16xi32>
      %neg3A_893 = arith.subi %neg3A_892, %broadcast_in_dim3A_7 : vector<16xi32>
      tpu.vector_store_idx %arg8[%shift_right_arithmetic3A_890], %neg3A_893 masked %and3A_873 {add = true} : memref<32768xi32, #tpu.memory_space<vmem>>[vector<16xi32>], vector<16xi32>, vector<16xi1>
      %get3A_894 = arith.constant 0 : index
      %get3A_895 = tpu.vector_load %arg9[%get3A_894] {strides = array<i32>} : memref<16xf32, #tpu.memory_space<vmem>>, vector<16xf32>,
      %sub3A_896 = vector.broadcast %scan3A_41 : f32 to vector<16xf32>
      %sub3A_897 = arith.subf %gather3A_883, %sub3A_896 : vector<16xf32>
      %abs3A_898 = math.absf %sub3A_897 : vector<16xf32>
      %jit3A_899 = arith.constant 0.000000e+00 : f32
      %broadcast_in_dim3A_900 = vector.broadcast %jit3A_899 : f32 to vector<16xf32>
      %select_n3A_901 = arith.select %and3A_873, %abs3A_898, %broadcast_in_dim3A_900 : vector<16xi1>, vector<16xf32>
      %add3A_902 = arith.addf %get3A_895, %select_n3A_901 : vector<16xf32>
      %swap3A_903 = arith.constant 0 : index
      %swap3A_904 = tpu.vector_load %arg9[%swap3A_903] {strides = array<i32>} : memref<16xf32, #tpu.memory_space<vmem>>, vector<16xf32>,
      tpu.vector_store %arg9[%swap3A_903], %add3A_902 {strides = array<i32>} : memref<16xf32, #tpu.memory_space<vmem>>, vector<16xf32>,
      %get3A_905 = arith.constant 336 : index
      %get3A_906 = tpu.vector_load %arg7[%get3A_905] {strides = array<i32>} : memref<512xi32, #tpu.memory_space<vmem>>, vector<16xi32>,
      %ge3A_907 = vector.broadcast %mul3A_70 : i32 to vector<16xi32>
      %ge3A_908 = arith.cmpi sge, %get3A_906, %ge3A_907 : vector<16xi32>
      %add3A_909 = arith.constant 40 : i32
      %add3A_910 = arith.addi %mul3A_70, %add3A_909 : i32
      %lt3A_911 = vector.broadcast %add3A_910 : i32 to vector<16xi32>
      %lt3A_912 = arith.cmpi slt, %get3A_906, %lt3A_911 : vector<16xi32>
      %and3A_913 = arith.andi %ge3A_908, %lt3A_912 : vector<16xi1>
      %sub3A_914 = vector.broadcast %mul3A_70 : i32 to vector<16xi32>
      %sub3A_915 = arith.subi %get3A_906, %sub3A_914 : vector<16xi32>
      %add3A_916 = arith.constant 336 : i32
      %add3A_917 = vector.broadcast %add3A_916 : i32 to vector<16xi32>
      %add3A_918 = arith.addi %iota3A, %add3A_917 : vector<16xi32>
      %gather3A_919 = arith.constant 0 : i32
      %gather3A_920 = arith.constant 0 : i32
      %gather3A_921 = tpu.memref_slice %arg6[%select_n3A_60, %gather3A_919, %gather3A_920] : memref<2x40x512xf32, #tpu.memory_space<vmem>> -> memref<1x40x512xf32, #tpu.memory_space<vmem>>
      %gather3A_922 = tpu.memref_squeeze %gather3A_921 : memref<1x40x512xf32, #tpu.memory_space<vmem>> -> memref<40x512xf32, #tpu.memory_space<vmem>>
      %gather3A_923 = tpu.vector_load_idx %gather3A_922[%sub3A_915, %add3A_918] masked %and3A_913 : memref<40x512xf32, #tpu.memory_space<vmem>>[vector<16xi32>, vector<16xi32>], vector<16xf32>, vector<16xi1>
      %bitcast_convert_type3A_924 = tpu.bitcast %gather3A_923 : vector<16xf32> -> vector<16xi32>
      %and3A_925 = arith.constant 2147483647 : i32
      %and3A_926 = vector.broadcast %and3A_925 : i32 to vector<16xi32>
      %and3A_927 = arith.andi %bitcast_convert_type3A_924, %and3A_926 : vector<16xi32>
      %shift_right_arithmetic3A_928 = arith.constant 16 : i32
      %shift_right_arithmetic3A_929 = vector.broadcast %shift_right_arithmetic3A_928 : i32 to vector<16xi32>
      %shift_right_arithmetic3A_930 = arith.shrsi %and3A_927, %shift_right_arithmetic3A_929 : vector<16xi32>
      %neg3A_931 = arith.constant 0 : i32
      %neg3A_932 = vector.broadcast %neg3A_931 : i32 to vector<16xi32>
      %neg3A_933 = arith.subi %neg3A_932, %broadcast_in_dim3A_7 : vector<16xi32>
      tpu.vector_store_idx %arg8[%shift_right_arithmetic3A_930], %neg3A_933 masked %and3A_913 {add = true} : memref<32768xi32, #tpu.memory_space<vmem>>[vector<16xi32>], vector<16xi32>, vector<16xi1>
      %get3A_934 = arith.constant 0 : index
      %get3A_935 = tpu.vector_load %arg9[%get3A_934] {strides = array<i32>} : memref<16xf32, #tpu.memory_space<vmem>>, vector<16xf32>,
      %sub3A_936 = vector.broadcast %scan3A_41 : f32 to vector<16xf32>
      %sub3A_937 = arith.subf %gather3A_923, %sub3A_936 : vector<16xf32>
      %abs3A_938 = math.absf %sub3A_937 : vector<16xf32>
      %jit3A_939 = arith.constant 0.000000e+00 : f32
      %broadcast_in_dim3A_940 = vector.broadcast %jit3A_939 : f32 to vector<16xf32>
      %select_n3A_941 = arith.select %and3A_913, %abs3A_938, %broadcast_in_dim3A_940 : vector<16xi1>, vector<16xf32>
      %add3A_942 = arith.addf %get3A_935, %select_n3A_941 : vector<16xf32>
      %swap3A_943 = arith.constant 0 : index
      %swap3A_944 = tpu.vector_load %arg9[%swap3A_943] {strides = array<i32>} : memref<16xf32, #tpu.memory_space<vmem>>, vector<16xf32>,
      tpu.vector_store %arg9[%swap3A_943], %add3A_942 {strides = array<i32>} : memref<16xf32, #tpu.memory_space<vmem>>, vector<16xf32>,
      %get3A_945 = arith.constant 352 : index
      %get3A_946 = tpu.vector_load %arg7[%get3A_945] {strides = array<i32>} : memref<512xi32, #tpu.memory_space<vmem>>, vector<16xi32>,
      %ge3A_947 = vector.broadcast %mul3A_70 : i32 to vector<16xi32>
      %ge3A_948 = arith.cmpi sge, %get3A_946, %ge3A_947 : vector<16xi32>
      %add3A_949 = arith.constant 40 : i32
      %add3A_950 = arith.addi %mul3A_70, %add3A_949 : i32
      %lt3A_951 = vector.broadcast %add3A_950 : i32 to vector<16xi32>
      %lt3A_952 = arith.cmpi slt, %get3A_946, %lt3A_951 : vector<16xi32>
      %and3A_953 = arith.andi %ge3A_948, %lt3A_952 : vector<16xi1>
      %sub3A_954 = vector.broadcast %mul3A_70 : i32 to vector<16xi32>
      %sub3A_955 = arith.subi %get3A_946, %sub3A_954 : vector<16xi32>
      %add3A_956 = arith.constant 352 : i32
      %add3A_957 = vector.broadcast %add3A_956 : i32 to vector<16xi32>
      %add3A_958 = arith.addi %iota3A, %add3A_957 : vector<16xi32>
      %gather3A_959 = arith.constant 0 : i32
      %gather3A_960 = arith.constant 0 : i32
      %gather3A_961 = tpu.memref_slice %arg6[%select_n3A_60, %gather3A_959, %gather3A_960] : memref<2x40x512xf32, #tpu.memory_space<vmem>> -> memref<1x40x512xf32, #tpu.memory_space<vmem>>
      %gather3A_962 = tpu.memref_squeeze %gather3A_961 : memref<1x40x512xf32, #tpu.memory_space<vmem>> -> memref<40x512xf32, #tpu.memory_space<vmem>>
      %gather3A_963 = tpu.vector_load_idx %gather3A_962[%sub3A_955, %add3A_958] masked %and3A_953 : memref<40x512xf32, #tpu.memory_space<vmem>>[vector<16xi32>, vector<16xi32>], vector<16xf32>, vector<16xi1>
      %bitcast_convert_type3A_964 = tpu.bitcast %gather3A_963 : vector<16xf32> -> vector<16xi32>
      %and3A_965 = arith.constant 2147483647 : i32
      %and3A_966 = vector.broadcast %and3A_965 : i32 to vector<16xi32>
      %and3A_967 = arith.andi %bitcast_convert_type3A_964, %and3A_966 : vector<16xi32>
      %shift_right_arithmetic3A_968 = arith.constant 16 : i32
      %shift_right_arithmetic3A_969 = vector.broadcast %shift_right_arithmetic3A_968 : i32 to vector<16xi32>
      %shift_right_arithmetic3A_970 = arith.shrsi %and3A_967, %shift_right_arithmetic3A_969 : vector<16xi32>
      %neg3A_971 = arith.constant 0 : i32
      %neg3A_972 = vector.broadcast %neg3A_971 : i32 to vector<16xi32>
      %neg3A_973 = arith.subi %neg3A_972, %broadcast_in_dim3A_7 : vector<16xi32>
      tpu.vector_store_idx %arg8[%shift_right_arithmetic3A_970], %neg3A_973 masked %and3A_953 {add = true} : memref<32768xi32, #tpu.memory_space<vmem>>[vector<16xi32>], vector<16xi32>, vector<16xi1>
      %get3A_974 = arith.constant 0 : index
      %get3A_975 = tpu.vector_load %arg9[%get3A_974] {strides = array<i32>} : memref<16xf32, #tpu.memory_space<vmem>>, vector<16xf32>,
      %sub3A_976 = vector.broadcast %scan3A_41 : f32 to vector<16xf32>
      %sub3A_977 = arith.subf %gather3A_963, %sub3A_976 : vector<16xf32>
      %abs3A_978 = math.absf %sub3A_977 : vector<16xf32>
      %jit3A_979 = arith.constant 0.000000e+00 : f32
      %broadcast_in_dim3A_980 = vector.broadcast %jit3A_979 : f32 to vector<16xf32>
      %select_n3A_981 = arith.select %and3A_953, %abs3A_978, %broadcast_in_dim3A_980 : vector<16xi1>, vector<16xf32>
      %add3A_982 = arith.addf %get3A_975, %select_n3A_981 : vector<16xf32>
      %swap3A_983 = arith.constant 0 : index
      %swap3A_984 = tpu.vector_load %arg9[%swap3A_983] {strides = array<i32>} : memref<16xf32, #tpu.memory_space<vmem>>, vector<16xf32>,
      tpu.vector_store %arg9[%swap3A_983], %add3A_982 {strides = array<i32>} : memref<16xf32, #tpu.memory_space<vmem>>, vector<16xf32>,
      %get3A_985 = arith.constant 368 : index
      %get3A_986 = tpu.vector_load %arg7[%get3A_985] {strides = array<i32>} : memref<512xi32, #tpu.memory_space<vmem>>, vector<16xi32>,
      %ge3A_987 = vector.broadcast %mul3A_70 : i32 to vector<16xi32>
      %ge3A_988 = arith.cmpi sge, %get3A_986, %ge3A_987 : vector<16xi32>
      %add3A_989 = arith.constant 40 : i32
      %add3A_990 = arith.addi %mul3A_70, %add3A_989 : i32
      %lt3A_991 = vector.broadcast %add3A_990 : i32 to vector<16xi32>
      %lt3A_992 = arith.cmpi slt, %get3A_986, %lt3A_991 : vector<16xi32>
      %and3A_993 = arith.andi %ge3A_988, %lt3A_992 : vector<16xi1>
      %sub3A_994 = vector.broadcast %mul3A_70 : i32 to vector<16xi32>
      %sub3A_995 = arith.subi %get3A_986, %sub3A_994 : vector<16xi32>
      %add3A_996 = arith.constant 368 : i32
      %add3A_997 = vector.broadcast %add3A_996 : i32 to vector<16xi32>
      %add3A_998 = arith.addi %iota3A, %add3A_997 : vector<16xi32>
      %gather3A_999 = arith.constant 0 : i32
      %gather3A_1000 = arith.constant 0 : i32
      %gather3A_1001 = tpu.memref_slice %arg6[%select_n3A_60, %gather3A_999, %gather3A_1000] : memref<2x40x512xf32, #tpu.memory_space<vmem>> -> memref<1x40x512xf32, #tpu.memory_space<vmem>>
      %gather3A_1002 = tpu.memref_squeeze %gather3A_1001 : memref<1x40x512xf32, #tpu.memory_space<vmem>> -> memref<40x512xf32, #tpu.memory_space<vmem>>
      %gather3A_1003 = tpu.vector_load_idx %gather3A_1002[%sub3A_995, %add3A_998] masked %and3A_993 : memref<40x512xf32, #tpu.memory_space<vmem>>[vector<16xi32>, vector<16xi32>], vector<16xf32>, vector<16xi1>
      %bitcast_convert_type3A_1004 = tpu.bitcast %gather3A_1003 : vector<16xf32> -> vector<16xi32>
      %and3A_1005 = arith.constant 2147483647 : i32
      %and3A_1006 = vector.broadcast %and3A_1005 : i32 to vector<16xi32>
      %and3A_1007 = arith.andi %bitcast_convert_type3A_1004, %and3A_1006 : vector<16xi32>
      %shift_right_arithmetic3A_1008 = arith.constant 16 : i32
      %shift_right_arithmetic3A_1009 = vector.broadcast %shift_right_arithmetic3A_1008 : i32 to vector<16xi32>
      %shift_right_arithmetic3A_1010 = arith.shrsi %and3A_1007, %shift_right_arithmetic3A_1009 : vector<16xi32>
      %neg3A_1011 = arith.constant 0 : i32
      %neg3A_1012 = vector.broadcast %neg3A_1011 : i32 to vector<16xi32>
      %neg3A_1013 = arith.subi %neg3A_1012, %broadcast_in_dim3A_7 : vector<16xi32>
      tpu.vector_store_idx %arg8[%shift_right_arithmetic3A_1010], %neg3A_1013 masked %and3A_993 {add = true} : memref<32768xi32, #tpu.memory_space<vmem>>[vector<16xi32>], vector<16xi32>, vector<16xi1>
      %get3A_1014 = arith.constant 0 : index
      %get3A_1015 = tpu.vector_load %arg9[%get3A_1014] {strides = array<i32>} : memref<16xf32, #tpu.memory_space<vmem>>, vector<16xf32>,
      %sub3A_1016 = vector.broadcast %scan3A_41 : f32 to vector<16xf32>
      %sub3A_1017 = arith.subf %gather3A_1003, %sub3A_1016 : vector<16xf32>
      %abs3A_1018 = math.absf %sub3A_1017 : vector<16xf32>
      %jit3A_1019 = arith.constant 0.000000e+00 : f32
      %broadcast_in_dim3A_1020 = vector.broadcast %jit3A_1019 : f32 to vector<16xf32>
      %select_n3A_1021 = arith.select %and3A_993, %abs3A_1018, %broadcast_in_dim3A_1020 : vector<16xi1>, vector<16xf32>
      %add3A_1022 = arith.addf %get3A_1015, %select_n3A_1021 : vector<16xf32>
      %swap3A_1023 = arith.constant 0 : index
      %swap3A_1024 = tpu.vector_load %arg9[%swap3A_1023] {strides = array<i32>} : memref<16xf32, #tpu.memory_space<vmem>>, vector<16xf32>,
      tpu.vector_store %arg9[%swap3A_1023], %add3A_1022 {strides = array<i32>} : memref<16xf32, #tpu.memory_space<vmem>>, vector<16xf32>,
      %get3A_1025 = arith.constant 384 : index
      %get3A_1026 = tpu.vector_load %arg7[%get3A_1025] {strides = array<i32>} : memref<512xi32, #tpu.memory_space<vmem>>, vector<16xi32>,
      %ge3A_1027 = vector.broadcast %mul3A_70 : i32 to vector<16xi32>
      %ge3A_1028 = arith.cmpi sge, %get3A_1026, %ge3A_1027 : vector<16xi32>
      %add3A_1029 = arith.constant 40 : i32
      %add3A_1030 = arith.addi %mul3A_70, %add3A_1029 : i32
      %lt3A_1031 = vector.broadcast %add3A_1030 : i32 to vector<16xi32>
      %lt3A_1032 = arith.cmpi slt, %get3A_1026, %lt3A_1031 : vector<16xi32>
      %and3A_1033 = arith.andi %ge3A_1028, %lt3A_1032 : vector<16xi1>
      %sub3A_1034 = vector.broadcast %mul3A_70 : i32 to vector<16xi32>
      %sub3A_1035 = arith.subi %get3A_1026, %sub3A_1034 : vector<16xi32>
      %add3A_1036 = arith.constant 384 : i32
      %add3A_1037 = vector.broadcast %add3A_1036 : i32 to vector<16xi32>
      %add3A_1038 = arith.addi %iota3A, %add3A_1037 : vector<16xi32>
      %gather3A_1039 = arith.constant 0 : i32
      %gather3A_1040 = arith.constant 0 : i32
      %gather3A_1041 = tpu.memref_slice %arg6[%select_n3A_60, %gather3A_1039, %gather3A_1040] : memref<2x40x512xf32, #tpu.memory_space<vmem>> -> memref<1x40x512xf32, #tpu.memory_space<vmem>>
      %gather3A_1042 = tpu.memref_squeeze %gather3A_1041 : memref<1x40x512xf32, #tpu.memory_space<vmem>> -> memref<40x512xf32, #tpu.memory_space<vmem>>
      %gather3A_1043 = tpu.vector_load_idx %gather3A_1042[%sub3A_1035, %add3A_1038] masked %and3A_1033 : memref<40x512xf32, #tpu.memory_space<vmem>>[vector<16xi32>, vector<16xi32>], vector<16xf32>, vector<16xi1>
      %bitcast_convert_type3A_1044 = tpu.bitcast %gather3A_1043 : vector<16xf32> -> vector<16xi32>
      %and3A_1045 = arith.constant 2147483647 : i32
      %and3A_1046 = vector.broadcast %and3A_1045 : i32 to vector<16xi32>
      %and3A_1047 = arith.andi %bitcast_convert_type3A_1044, %and3A_1046 : vector<16xi32>
      %shift_right_arithmetic3A_1048 = arith.constant 16 : i32
      %shift_right_arithmetic3A_1049 = vector.broadcast %shift_right_arithmetic3A_1048 : i32 to vector<16xi32>
      %shift_right_arithmetic3A_1050 = arith.shrsi %and3A_1047, %shift_right_arithmetic3A_1049 : vector<16xi32>
      %neg3A_1051 = arith.constant 0 : i32
      %neg3A_1052 = vector.broadcast %neg3A_1051 : i32 to vector<16xi32>
      %neg3A_1053 = arith.subi %neg3A_1052, %broadcast_in_dim3A_7 : vector<16xi32>
      tpu.vector_store_idx %arg8[%shift_right_arithmetic3A_1050], %neg3A_1053 masked %and3A_1033 {add = true} : memref<32768xi32, #tpu.memory_space<vmem>>[vector<16xi32>], vector<16xi32>, vector<16xi1>
      %get3A_1054 = arith.constant 0 : index
      %get3A_1055 = tpu.vector_load %arg9[%get3A_1054] {strides = array<i32>} : memref<16xf32, #tpu.memory_space<vmem>>, vector<16xf32>,
      %sub3A_1056 = vector.broadcast %scan3A_41 : f32 to vector<16xf32>
      %sub3A_1057 = arith.subf %gather3A_1043, %sub3A_1056 : vector<16xf32>
      %abs3A_1058 = math.absf %sub3A_1057 : vector<16xf32>
      %jit3A_1059 = arith.constant 0.000000e+00 : f32
      %broadcast_in_dim3A_1060 = vector.broadcast %jit3A_1059 : f32 to vector<16xf32>
      %select_n3A_1061 = arith.select %and3A_1033, %abs3A_1058, %broadcast_in_dim3A_1060 : vector<16xi1>, vector<16xf32>
      %add3A_1062 = arith.addf %get3A_1055, %select_n3A_1061 : vector<16xf32>
      %swap3A_1063 = arith.constant 0 : index
      %swap3A_1064 = tpu.vector_load %arg9[%swap3A_1063] {strides = array<i32>} : memref<16xf32, #tpu.memory_space<vmem>>, vector<16xf32>,
      tpu.vector_store %arg9[%swap3A_1063], %add3A_1062 {strides = array<i32>} : memref<16xf32, #tpu.memory_space<vmem>>, vector<16xf32>,
      %get3A_1065 = arith.constant 400 : index
      %get3A_1066 = tpu.vector_load %arg7[%get3A_1065] {strides = array<i32>} : memref<512xi32, #tpu.memory_space<vmem>>, vector<16xi32>,
      %ge3A_1067 = vector.broadcast %mul3A_70 : i32 to vector<16xi32>
      %ge3A_1068 = arith.cmpi sge, %get3A_1066, %ge3A_1067 : vector<16xi32>
      %add3A_1069 = arith.constant 40 : i32
      %add3A_1070 = arith.addi %mul3A_70, %add3A_1069 : i32
      %lt3A_1071 = vector.broadcast %add3A_1070 : i32 to vector<16xi32>
      %lt3A_1072 = arith.cmpi slt, %get3A_1066, %lt3A_1071 : vector<16xi32>
      %and3A_1073 = arith.andi %ge3A_1068, %lt3A_1072 : vector<16xi1>
      %sub3A_1074 = vector.broadcast %mul3A_70 : i32 to vector<16xi32>
      %sub3A_1075 = arith.subi %get3A_1066, %sub3A_1074 : vector<16xi32>
      %add3A_1076 = arith.constant 400 : i32
      %add3A_1077 = vector.broadcast %add3A_1076 : i32 to vector<16xi32>
      %add3A_1078 = arith.addi %iota3A, %add3A_1077 : vector<16xi32>
      %gather3A_1079 = arith.constant 0 : i32
      %gather3A_1080 = arith.constant 0 : i32
      %gather3A_1081 = tpu.memref_slice %arg6[%select_n3A_60, %gather3A_1079, %gather3A_1080] : memref<2x40x512xf32, #tpu.memory_space<vmem>> -> memref<1x40x512xf32, #tpu.memory_space<vmem>>
      %gather3A_1082 = tpu.memref_squeeze %gather3A_1081 : memref<1x40x512xf32, #tpu.memory_space<vmem>> -> memref<40x512xf32, #tpu.memory_space<vmem>>
      %gather3A_1083 = tpu.vector_load_idx %gather3A_1082[%sub3A_1075, %add3A_1078] masked %and3A_1073 : memref<40x512xf32, #tpu.memory_space<vmem>>[vector<16xi32>, vector<16xi32>], vector<16xf32>, vector<16xi1>
      %bitcast_convert_type3A_1084 = tpu.bitcast %gather3A_1083 : vector<16xf32> -> vector<16xi32>
      %and3A_1085 = arith.constant 2147483647 : i32
      %and3A_1086 = vector.broadcast %and3A_1085 : i32 to vector<16xi32>
      %and3A_1087 = arith.andi %bitcast_convert_type3A_1084, %and3A_1086 : vector<16xi32>
      %shift_right_arithmetic3A_1088 = arith.constant 16 : i32
      %shift_right_arithmetic3A_1089 = vector.broadcast %shift_right_arithmetic3A_1088 : i32 to vector<16xi32>
      %shift_right_arithmetic3A_1090 = arith.shrsi %and3A_1087, %shift_right_arithmetic3A_1089 : vector<16xi32>
      %neg3A_1091 = arith.constant 0 : i32
      %neg3A_1092 = vector.broadcast %neg3A_1091 : i32 to vector<16xi32>
      %neg3A_1093 = arith.subi %neg3A_1092, %broadcast_in_dim3A_7 : vector<16xi32>
      tpu.vector_store_idx %arg8[%shift_right_arithmetic3A_1090], %neg3A_1093 masked %and3A_1073 {add = true} : memref<32768xi32, #tpu.memory_space<vmem>>[vector<16xi32>], vector<16xi32>, vector<16xi1>
      %get3A_1094 = arith.constant 0 : index
      %get3A_1095 = tpu.vector_load %arg9[%get3A_1094] {strides = array<i32>} : memref<16xf32, #tpu.memory_space<vmem>>, vector<16xf32>,
      %sub3A_1096 = vector.broadcast %scan3A_41 : f32 to vector<16xf32>
      %sub3A_1097 = arith.subf %gather3A_1083, %sub3A_1096 : vector<16xf32>
      %abs3A_1098 = math.absf %sub3A_1097 : vector<16xf32>
      %jit3A_1099 = arith.constant 0.000000e+00 : f32
      %broadcast_in_dim3A_1100 = vector.broadcast %jit3A_1099 : f32 to vector<16xf32>
      %select_n3A_1101 = arith.select %and3A_1073, %abs3A_1098, %broadcast_in_dim3A_1100 : vector<16xi1>, vector<16xf32>
      %add3A_1102 = arith.addf %get3A_1095, %select_n3A_1101 : vector<16xf32>
      %swap3A_1103 = arith.constant 0 : index
      %swap3A_1104 = tpu.vector_load %arg9[%swap3A_1103] {strides = array<i32>} : memref<16xf32, #tpu.memory_space<vmem>>, vector<16xf32>,
      tpu.vector_store %arg9[%swap3A_1103], %add3A_1102 {strides = array<i32>} : memref<16xf32, #tpu.memory_space<vmem>>, vector<16xf32>,
      %get3A_1105 = arith.constant 416 : index
      %get3A_1106 = tpu.vector_load %arg7[%get3A_1105] {strides = array<i32>} : memref<512xi32, #tpu.memory_space<vmem>>, vector<16xi32>,
      %ge3A_1107 = vector.broadcast %mul3A_70 : i32 to vector<16xi32>
      %ge3A_1108 = arith.cmpi sge, %get3A_1106, %ge3A_1107 : vector<16xi32>
      %add3A_1109 = arith.constant 40 : i32
      %add3A_1110 = arith.addi %mul3A_70, %add3A_1109 : i32
      %lt3A_1111 = vector.broadcast %add3A_1110 : i32 to vector<16xi32>
      %lt3A_1112 = arith.cmpi slt, %get3A_1106, %lt3A_1111 : vector<16xi32>
      %and3A_1113 = arith.andi %ge3A_1108, %lt3A_1112 : vector<16xi1>
      %sub3A_1114 = vector.broadcast %mul3A_70 : i32 to vector<16xi32>
      %sub3A_1115 = arith.subi %get3A_1106, %sub3A_1114 : vector<16xi32>
      %add3A_1116 = arith.constant 416 : i32
      %add3A_1117 = vector.broadcast %add3A_1116 : i32 to vector<16xi32>
      %add3A_1118 = arith.addi %iota3A, %add3A_1117 : vector<16xi32>
      %gather3A_1119 = arith.constant 0 : i32
      %gather3A_1120 = arith.constant 0 : i32
      %gather3A_1121 = tpu.memref_slice %arg6[%select_n3A_60, %gather3A_1119, %gather3A_1120] : memref<2x40x512xf32, #tpu.memory_space<vmem>> -> memref<1x40x512xf32, #tpu.memory_space<vmem>>
      %gather3A_1122 = tpu.memref_squeeze %gather3A_1121 : memref<1x40x512xf32, #tpu.memory_space<vmem>> -> memref<40x512xf32, #tpu.memory_space<vmem>>
      %gather3A_1123 = tpu.vector_load_idx %gather3A_1122[%sub3A_1115, %add3A_1118] masked %and3A_1113 : memref<40x512xf32, #tpu.memory_space<vmem>>[vector<16xi32>, vector<16xi32>], vector<16xf32>, vector<16xi1>
      %bitcast_convert_type3A_1124 = tpu.bitcast %gather3A_1123 : vector<16xf32> -> vector<16xi32>
      %and3A_1125 = arith.constant 2147483647 : i32
      %and3A_1126 = vector.broadcast %and3A_1125 : i32 to vector<16xi32>
      %and3A_1127 = arith.andi %bitcast_convert_type3A_1124, %and3A_1126 : vector<16xi32>
      %shift_right_arithmetic3A_1128 = arith.constant 16 : i32
      %shift_right_arithmetic3A_1129 = vector.broadcast %shift_right_arithmetic3A_1128 : i32 to vector<16xi32>
      %shift_right_arithmetic3A_1130 = arith.shrsi %and3A_1127, %shift_right_arithmetic3A_1129 : vector<16xi32>
      %neg3A_1131 = arith.constant 0 : i32
      %neg3A_1132 = vector.broadcast %neg3A_1131 : i32 to vector<16xi32>
      %neg3A_1133 = arith.subi %neg3A_1132, %broadcast_in_dim3A_7 : vector<16xi32>
      tpu.vector_store_idx %arg8[%shift_right_arithmetic3A_1130], %neg3A_1133 masked %and3A_1113 {add = true} : memref<32768xi32, #tpu.memory_space<vmem>>[vector<16xi32>], vector<16xi32>, vector<16xi1>
      %get3A_1134 = arith.constant 0 : index
      %get3A_1135 = tpu.vector_load %arg9[%get3A_1134] {strides = array<i32>} : memref<16xf32, #tpu.memory_space<vmem>>, vector<16xf32>,
      %sub3A_1136 = vector.broadcast %scan3A_41 : f32 to vector<16xf32>
      %sub3A_1137 = arith.subf %gather3A_1123, %sub3A_1136 : vector<16xf32>
      %abs3A_1138 = math.absf %sub3A_1137 : vector<16xf32>
      %jit3A_1139 = arith.constant 0.000000e+00 : f32
      %broadcast_in_dim3A_1140 = vector.broadcast %jit3A_1139 : f32 to vector<16xf32>
      %select_n3A_1141 = arith.select %and3A_1113, %abs3A_1138, %broadcast_in_dim3A_1140 : vector<16xi1>, vector<16xf32>
      %add3A_1142 = arith.addf %get3A_1135, %select_n3A_1141 : vector<16xf32>
      %swap3A_1143 = arith.constant 0 : index
      %swap3A_1144 = tpu.vector_load %arg9[%swap3A_1143] {strides = array<i32>} : memref<16xf32, #tpu.memory_space<vmem>>, vector<16xf32>,
      tpu.vector_store %arg9[%swap3A_1143], %add3A_1142 {strides = array<i32>} : memref<16xf32, #tpu.memory_space<vmem>>, vector<16xf32>,
      %get3A_1145 = arith.constant 432 : index
      %get3A_1146 = tpu.vector_load %arg7[%get3A_1145] {strides = array<i32>} : memref<512xi32, #tpu.memory_space<vmem>>, vector<16xi32>,
      %ge3A_1147 = vector.broadcast %mul3A_70 : i32 to vector<16xi32>
      %ge3A_1148 = arith.cmpi sge, %get3A_1146, %ge3A_1147 : vector<16xi32>
      %add3A_1149 = arith.constant 40 : i32
      %add3A_1150 = arith.addi %mul3A_70, %add3A_1149 : i32
      %lt3A_1151 = vector.broadcast %add3A_1150 : i32 to vector<16xi32>
      %lt3A_1152 = arith.cmpi slt, %get3A_1146, %lt3A_1151 : vector<16xi32>
      %and3A_1153 = arith.andi %ge3A_1148, %lt3A_1152 : vector<16xi1>
      %sub3A_1154 = vector.broadcast %mul3A_70 : i32 to vector<16xi32>
      %sub3A_1155 = arith.subi %get3A_1146, %sub3A_1154 : vector<16xi32>
      %add3A_1156 = arith.constant 432 : i32
      %add3A_1157 = vector.broadcast %add3A_1156 : i32 to vector<16xi32>
      %add3A_1158 = arith.addi %iota3A, %add3A_1157 : vector<16xi32>
      %gather3A_1159 = arith.constant 0 : i32
      %gather3A_1160 = arith.constant 0 : i32
      %gather3A_1161 = tpu.memref_slice %arg6[%select_n3A_60, %gather3A_1159, %gather3A_1160] : memref<2x40x512xf32, #tpu.memory_space<vmem>> -> memref<1x40x512xf32, #tpu.memory_space<vmem>>
      %gather3A_1162 = tpu.memref_squeeze %gather3A_1161 : memref<1x40x512xf32, #tpu.memory_space<vmem>> -> memref<40x512xf32, #tpu.memory_space<vmem>>
      %gather3A_1163 = tpu.vector_load_idx %gather3A_1162[%sub3A_1155, %add3A_1158] masked %and3A_1153 : memref<40x512xf32, #tpu.memory_space<vmem>>[vector<16xi32>, vector<16xi32>], vector<16xf32>, vector<16xi1>
      %bitcast_convert_type3A_1164 = tpu.bitcast %gather3A_1163 : vector<16xf32> -> vector<16xi32>
      %and3A_1165 = arith.constant 2147483647 : i32
      %and3A_1166 = vector.broadcast %and3A_1165 : i32 to vector<16xi32>
      %and3A_1167 = arith.andi %bitcast_convert_type3A_1164, %and3A_1166 : vector<16xi32>
      %shift_right_arithmetic3A_1168 = arith.constant 16 : i32
      %shift_right_arithmetic3A_1169 = vector.broadcast %shift_right_arithmetic3A_1168 : i32 to vector<16xi32>
      %shift_right_arithmetic3A_1170 = arith.shrsi %and3A_1167, %shift_right_arithmetic3A_1169 : vector<16xi32>
      %neg3A_1171 = arith.constant 0 : i32
      %neg3A_1172 = vector.broadcast %neg3A_1171 : i32 to vector<16xi32>
      %neg3A_1173 = arith.subi %neg3A_1172, %broadcast_in_dim3A_7 : vector<16xi32>
      tpu.vector_store_idx %arg8[%shift_right_arithmetic3A_1170], %neg3A_1173 masked %and3A_1153 {add = true} : memref<32768xi32, #tpu.memory_space<vmem>>[vector<16xi32>], vector<16xi32>, vector<16xi1>
      %get3A_1174 = arith.constant 0 : index
      %get3A_1175 = tpu.vector_load %arg9[%get3A_1174] {strides = array<i32>} : memref<16xf32, #tpu.memory_space<vmem>>, vector<16xf32>,
      %sub3A_1176 = vector.broadcast %scan3A_41 : f32 to vector<16xf32>
      %sub3A_1177 = arith.subf %gather3A_1163, %sub3A_1176 : vector<16xf32>
      %abs3A_1178 = math.absf %sub3A_1177 : vector<16xf32>
      %jit3A_1179 = arith.constant 0.000000e+00 : f32
      %broadcast_in_dim3A_1180 = vector.broadcast %jit3A_1179 : f32 to vector<16xf32>
      %select_n3A_1181 = arith.select %and3A_1153, %abs3A_1178, %broadcast_in_dim3A_1180 : vector<16xi1>, vector<16xf32>
      %add3A_1182 = arith.addf %get3A_1175, %select_n3A_1181 : vector<16xf32>
      %swap3A_1183 = arith.constant 0 : index
      %swap3A_1184 = tpu.vector_load %arg9[%swap3A_1183] {strides = array<i32>} : memref<16xf32, #tpu.memory_space<vmem>>, vector<16xf32>,
      tpu.vector_store %arg9[%swap3A_1183], %add3A_1182 {strides = array<i32>} : memref<16xf32, #tpu.memory_space<vmem>>, vector<16xf32>,
      %get3A_1185 = arith.constant 448 : index
      %get3A_1186 = tpu.vector_load %arg7[%get3A_1185] {strides = array<i32>} : memref<512xi32, #tpu.memory_space<vmem>>, vector<16xi32>,
      %ge3A_1187 = vector.broadcast %mul3A_70 : i32 to vector<16xi32>
      %ge3A_1188 = arith.cmpi sge, %get3A_1186, %ge3A_1187 : vector<16xi32>
      %add3A_1189 = arith.constant 40 : i32
      %add3A_1190 = arith.addi %mul3A_70, %add3A_1189 : i32
      %lt3A_1191 = vector.broadcast %add3A_1190 : i32 to vector<16xi32>
      %lt3A_1192 = arith.cmpi slt, %get3A_1186, %lt3A_1191 : vector<16xi32>
      %and3A_1193 = arith.andi %ge3A_1188, %lt3A_1192 : vector<16xi1>
      %sub3A_1194 = vector.broadcast %mul3A_70 : i32 to vector<16xi32>
      %sub3A_1195 = arith.subi %get3A_1186, %sub3A_1194 : vector<16xi32>
      %add3A_1196 = arith.constant 448 : i32
      %add3A_1197 = vector.broadcast %add3A_1196 : i32 to vector<16xi32>
      %add3A_1198 = arith.addi %iota3A, %add3A_1197 : vector<16xi32>
      %gather3A_1199 = arith.constant 0 : i32
      %gather3A_1200 = arith.constant 0 : i32
      %gather3A_1201 = tpu.memref_slice %arg6[%select_n3A_60, %gather3A_1199, %gather3A_1200] : memref<2x40x512xf32, #tpu.memory_space<vmem>> -> memref<1x40x512xf32, #tpu.memory_space<vmem>>
      %gather3A_1202 = tpu.memref_squeeze %gather3A_1201 : memref<1x40x512xf32, #tpu.memory_space<vmem>> -> memref<40x512xf32, #tpu.memory_space<vmem>>
      %gather3A_1203 = tpu.vector_load_idx %gather3A_1202[%sub3A_1195, %add3A_1198] masked %and3A_1193 : memref<40x512xf32, #tpu.memory_space<vmem>>[vector<16xi32>, vector<16xi32>], vector<16xf32>, vector<16xi1>
      %bitcast_convert_type3A_1204 = tpu.bitcast %gather3A_1203 : vector<16xf32> -> vector<16xi32>
      %and3A_1205 = arith.constant 2147483647 : i32
      %and3A_1206 = vector.broadcast %and3A_1205 : i32 to vector<16xi32>
      %and3A_1207 = arith.andi %bitcast_convert_type3A_1204, %and3A_1206 : vector<16xi32>
      %shift_right_arithmetic3A_1208 = arith.constant 16 : i32
      %shift_right_arithmetic3A_1209 = vector.broadcast %shift_right_arithmetic3A_1208 : i32 to vector<16xi32>
      %shift_right_arithmetic3A_1210 = arith.shrsi %and3A_1207, %shift_right_arithmetic3A_1209 : vector<16xi32>
      %neg3A_1211 = arith.constant 0 : i32
      %neg3A_1212 = vector.broadcast %neg3A_1211 : i32 to vector<16xi32>
      %neg3A_1213 = arith.subi %neg3A_1212, %broadcast_in_dim3A_7 : vector<16xi32>
      tpu.vector_store_idx %arg8[%shift_right_arithmetic3A_1210], %neg3A_1213 masked %and3A_1193 {add = true} : memref<32768xi32, #tpu.memory_space<vmem>>[vector<16xi32>], vector<16xi32>, vector<16xi1>
      %get3A_1214 = arith.constant 0 : index
      %get3A_1215 = tpu.vector_load %arg9[%get3A_1214] {strides = array<i32>} : memref<16xf32, #tpu.memory_space<vmem>>, vector<16xf32>,
      %sub3A_1216 = vector.broadcast %scan3A_41 : f32 to vector<16xf32>
      %sub3A_1217 = arith.subf %gather3A_1203, %sub3A_1216 : vector<16xf32>
      %abs3A_1218 = math.absf %sub3A_1217 : vector<16xf32>
      %jit3A_1219 = arith.constant 0.000000e+00 : f32
      %broadcast_in_dim3A_1220 = vector.broadcast %jit3A_1219 : f32 to vector<16xf32>
      %select_n3A_1221 = arith.select %and3A_1193, %abs3A_1218, %broadcast_in_dim3A_1220 : vector<16xi1>, vector<16xf32>
      %add3A_1222 = arith.addf %get3A_1215, %select_n3A_1221 : vector<16xf32>
      %swap3A_1223 = arith.constant 0 : index
      %swap3A_1224 = tpu.vector_load %arg9[%swap3A_1223] {strides = array<i32>} : memref<16xf32, #tpu.memory_space<vmem>>, vector<16xf32>,
      tpu.vector_store %arg9[%swap3A_1223], %add3A_1222 {strides = array<i32>} : memref<16xf32, #tpu.memory_space<vmem>>, vector<16xf32>,
      %get3A_1225 = arith.constant 464 : index
      %get3A_1226 = tpu.vector_load %arg7[%get3A_1225] {strides = array<i32>} : memref<512xi32, #tpu.memory_space<vmem>>, vector<16xi32>,
      %ge3A_1227 = vector.broadcast %mul3A_70 : i32 to vector<16xi32>
      %ge3A_1228 = arith.cmpi sge, %get3A_1226, %ge3A_1227 : vector<16xi32>
      %add3A_1229 = arith.constant 40 : i32
      %add3A_1230 = arith.addi %mul3A_70, %add3A_1229 : i32
      %lt3A_1231 = vector.broadcast %add3A_1230 : i32 to vector<16xi32>
      %lt3A_1232 = arith.cmpi slt, %get3A_1226, %lt3A_1231 : vector<16xi32>
      %and3A_1233 = arith.andi %ge3A_1228, %lt3A_1232 : vector<16xi1>
      %sub3A_1234 = vector.broadcast %mul3A_70 : i32 to vector<16xi32>
      %sub3A_1235 = arith.subi %get3A_1226, %sub3A_1234 : vector<16xi32>
      %add3A_1236 = arith.constant 464 : i32
      %add3A_1237 = vector.broadcast %add3A_1236 : i32 to vector<16xi32>
      %add3A_1238 = arith.addi %iota3A, %add3A_1237 : vector<16xi32>
      %gather3A_1239 = arith.constant 0 : i32
      %gather3A_1240 = arith.constant 0 : i32
      %gather3A_1241 = tpu.memref_slice %arg6[%select_n3A_60, %gather3A_1239, %gather3A_1240] : memref<2x40x512xf32, #tpu.memory_space<vmem>> -> memref<1x40x512xf32, #tpu.memory_space<vmem>>
      %gather3A_1242 = tpu.memref_squeeze %gather3A_1241 : memref<1x40x512xf32, #tpu.memory_space<vmem>> -> memref<40x512xf32, #tpu.memory_space<vmem>>
      %gather3A_1243 = tpu.vector_load_idx %gather3A_1242[%sub3A_1235, %add3A_1238] masked %and3A_1233 : memref<40x512xf32, #tpu.memory_space<vmem>>[vector<16xi32>, vector<16xi32>], vector<16xf32>, vector<16xi1>
      %bitcast_convert_type3A_1244 = tpu.bitcast %gather3A_1243 : vector<16xf32> -> vector<16xi32>
      %and3A_1245 = arith.constant 2147483647 : i32
      %and3A_1246 = vector.broadcast %and3A_1245 : i32 to vector<16xi32>
      %and3A_1247 = arith.andi %bitcast_convert_type3A_1244, %and3A_1246 : vector<16xi32>
      %shift_right_arithmetic3A_1248 = arith.constant 16 : i32
      %shift_right_arithmetic3A_1249 = vector.broadcast %shift_right_arithmetic3A_1248 : i32 to vector<16xi32>
      %shift_right_arithmetic3A_1250 = arith.shrsi %and3A_1247, %shift_right_arithmetic3A_1249 : vector<16xi32>
      %neg3A_1251 = arith.constant 0 : i32
      %neg3A_1252 = vector.broadcast %neg3A_1251 : i32 to vector<16xi32>
      %neg3A_1253 = arith.subi %neg3A_1252, %broadcast_in_dim3A_7 : vector<16xi32>
      tpu.vector_store_idx %arg8[%shift_right_arithmetic3A_1250], %neg3A_1253 masked %and3A_1233 {add = true} : memref<32768xi32, #tpu.memory_space<vmem>>[vector<16xi32>], vector<16xi32>, vector<16xi1>
      %get3A_1254 = arith.constant 0 : index
      %get3A_1255 = tpu.vector_load %arg9[%get3A_1254] {strides = array<i32>} : memref<16xf32, #tpu.memory_space<vmem>>, vector<16xf32>,
      %sub3A_1256 = vector.broadcast %scan3A_41 : f32 to vector<16xf32>
      %sub3A_1257 = arith.subf %gather3A_1243, %sub3A_1256 : vector<16xf32>
      %abs3A_1258 = math.absf %sub3A_1257 : vector<16xf32>
      %jit3A_1259 = arith.constant 0.000000e+00 : f32
      %broadcast_in_dim3A_1260 = vector.broadcast %jit3A_1259 : f32 to vector<16xf32>
      %select_n3A_1261 = arith.select %and3A_1233, %abs3A_1258, %broadcast_in_dim3A_1260 : vector<16xi1>, vector<16xf32>
      %add3A_1262 = arith.addf %get3A_1255, %select_n3A_1261 : vector<16xf32>
      %swap3A_1263 = arith.constant 0 : index
      %swap3A_1264 = tpu.vector_load %arg9[%swap3A_1263] {strides = array<i32>} : memref<16xf32, #tpu.memory_space<vmem>>, vector<16xf32>,
      tpu.vector_store %arg9[%swap3A_1263], %add3A_1262 {strides = array<i32>} : memref<16xf32, #tpu.memory_space<vmem>>, vector<16xf32>,
      %get3A_1265 = arith.constant 480 : index
      %get3A_1266 = tpu.vector_load %arg7[%get3A_1265] {strides = array<i32>} : memref<512xi32, #tpu.memory_space<vmem>>, vector<16xi32>,
      %ge3A_1267 = vector.broadcast %mul3A_70 : i32 to vector<16xi32>
      %ge3A_1268 = arith.cmpi sge, %get3A_1266, %ge3A_1267 : vector<16xi32>
      %add3A_1269 = arith.constant 40 : i32
      %add3A_1270 = arith.addi %mul3A_70, %add3A_1269 : i32
      %lt3A_1271 = vector.broadcast %add3A_1270 : i32 to vector<16xi32>
      %lt3A_1272 = arith.cmpi slt, %get3A_1266, %lt3A_1271 : vector<16xi32>
      %and3A_1273 = arith.andi %ge3A_1268, %lt3A_1272 : vector<16xi1>
      %sub3A_1274 = vector.broadcast %mul3A_70 : i32 to vector<16xi32>
      %sub3A_1275 = arith.subi %get3A_1266, %sub3A_1274 : vector<16xi32>
      %add3A_1276 = arith.constant 480 : i32
      %add3A_1277 = vector.broadcast %add3A_1276 : i32 to vector<16xi32>
      %add3A_1278 = arith.addi %iota3A, %add3A_1277 : vector<16xi32>
      %gather3A_1279 = arith.constant 0 : i32
      %gather3A_1280 = arith.constant 0 : i32
      %gather3A_1281 = tpu.memref_slice %arg6[%select_n3A_60, %gather3A_1279, %gather3A_1280] : memref<2x40x512xf32, #tpu.memory_space<vmem>> -> memref<1x40x512xf32, #tpu.memory_space<vmem>>
      %gather3A_1282 = tpu.memref_squeeze %gather3A_1281 : memref<1x40x512xf32, #tpu.memory_space<vmem>> -> memref<40x512xf32, #tpu.memory_space<vmem>>
      %gather3A_1283 = tpu.vector_load_idx %gather3A_1282[%sub3A_1275, %add3A_1278] masked %and3A_1273 : memref<40x512xf32, #tpu.memory_space<vmem>>[vector<16xi32>, vector<16xi32>], vector<16xf32>, vector<16xi1>
      %bitcast_convert_type3A_1284 = tpu.bitcast %gather3A_1283 : vector<16xf32> -> vector<16xi32>
      %and3A_1285 = arith.constant 2147483647 : i32
      %and3A_1286 = vector.broadcast %and3A_1285 : i32 to vector<16xi32>
      %and3A_1287 = arith.andi %bitcast_convert_type3A_1284, %and3A_1286 : vector<16xi32>
      %shift_right_arithmetic3A_1288 = arith.constant 16 : i32
      %shift_right_arithmetic3A_1289 = vector.broadcast %shift_right_arithmetic3A_1288 : i32 to vector<16xi32>
      %shift_right_arithmetic3A_1290 = arith.shrsi %and3A_1287, %shift_right_arithmetic3A_1289 : vector<16xi32>
      %neg3A_1291 = arith.constant 0 : i32
      %neg3A_1292 = vector.broadcast %neg3A_1291 : i32 to vector<16xi32>
      %neg3A_1293 = arith.subi %neg3A_1292, %broadcast_in_dim3A_7 : vector<16xi32>
      tpu.vector_store_idx %arg8[%shift_right_arithmetic3A_1290], %neg3A_1293 masked %and3A_1273 {add = true} : memref<32768xi32, #tpu.memory_space<vmem>>[vector<16xi32>], vector<16xi32>, vector<16xi1>
      %get3A_1294 = arith.constant 0 : index
      %get3A_1295 = tpu.vector_load %arg9[%get3A_1294] {strides = array<i32>} : memref<16xf32, #tpu.memory_space<vmem>>, vector<16xf32>,
      %sub3A_1296 = vector.broadcast %scan3A_41 : f32 to vector<16xf32>
      %sub3A_1297 = arith.subf %gather3A_1283, %sub3A_1296 : vector<16xf32>
      %abs3A_1298 = math.absf %sub3A_1297 : vector<16xf32>
      %jit3A_1299 = arith.constant 0.000000e+00 : f32
      %broadcast_in_dim3A_1300 = vector.broadcast %jit3A_1299 : f32 to vector<16xf32>
      %select_n3A_1301 = arith.select %and3A_1273, %abs3A_1298, %broadcast_in_dim3A_1300 : vector<16xi1>, vector<16xf32>
      %add3A_1302 = arith.addf %get3A_1295, %select_n3A_1301 : vector<16xf32>
      %swap3A_1303 = arith.constant 0 : index
      %swap3A_1304 = tpu.vector_load %arg9[%swap3A_1303] {strides = array<i32>} : memref<16xf32, #tpu.memory_space<vmem>>, vector<16xf32>,
      tpu.vector_store %arg9[%swap3A_1303], %add3A_1302 {strides = array<i32>} : memref<16xf32, #tpu.memory_space<vmem>>, vector<16xf32>,
      %get3A_1305 = arith.constant 496 : index
      %get3A_1306 = tpu.vector_load %arg7[%get3A_1305] {strides = array<i32>} : memref<512xi32, #tpu.memory_space<vmem>>, vector<16xi32>,
      %ge3A_1307 = vector.broadcast %mul3A_70 : i32 to vector<16xi32>
      %ge3A_1308 = arith.cmpi sge, %get3A_1306, %ge3A_1307 : vector<16xi32>
      %add3A_1309 = arith.constant 40 : i32
      %add3A_1310 = arith.addi %mul3A_70, %add3A_1309 : i32
      %lt3A_1311 = vector.broadcast %add3A_1310 : i32 to vector<16xi32>
      %lt3A_1312 = arith.cmpi slt, %get3A_1306, %lt3A_1311 : vector<16xi32>
      %and3A_1313 = arith.andi %ge3A_1308, %lt3A_1312 : vector<16xi1>
      %sub3A_1314 = vector.broadcast %mul3A_70 : i32 to vector<16xi32>
      %sub3A_1315 = arith.subi %get3A_1306, %sub3A_1314 : vector<16xi32>
      %add3A_1316 = arith.constant 496 : i32
      %add3A_1317 = vector.broadcast %add3A_1316 : i32 to vector<16xi32>
      %add3A_1318 = arith.addi %iota3A, %add3A_1317 : vector<16xi32>
      %gather3A_1319 = arith.constant 0 : i32
      %gather3A_1320 = arith.constant 0 : i32
      %gather3A_1321 = tpu.memref_slice %arg6[%select_n3A_60, %gather3A_1319, %gather3A_1320] : memref<2x40x512xf32, #tpu.memory_space<vmem>> -> memref<1x40x512xf32, #tpu.memory_space<vmem>>
      %gather3A_1322 = tpu.memref_squeeze %gather3A_1321 : memref<1x40x512xf32, #tpu.memory_space<vmem>> -> memref<40x512xf32, #tpu.memory_space<vmem>>
      %gather3A_1323 = tpu.vector_load_idx %gather3A_1322[%sub3A_1315, %add3A_1318] masked %and3A_1313 : memref<40x512xf32, #tpu.memory_space<vmem>>[vector<16xi32>, vector<16xi32>], vector<16xf32>, vector<16xi1>
      %bitcast_convert_type3A_1324 = tpu.bitcast %gather3A_1323 : vector<16xf32> -> vector<16xi32>
      %and3A_1325 = arith.constant 2147483647 : i32
      %and3A_1326 = vector.broadcast %and3A_1325 : i32 to vector<16xi32>
      %and3A_1327 = arith.andi %bitcast_convert_type3A_1324, %and3A_1326 : vector<16xi32>
      %shift_right_arithmetic3A_1328 = arith.constant 16 : i32
      %shift_right_arithmetic3A_1329 = vector.broadcast %shift_right_arithmetic3A_1328 : i32 to vector<16xi32>
      %shift_right_arithmetic3A_1330 = arith.shrsi %and3A_1327, %shift_right_arithmetic3A_1329 : vector<16xi32>
      %neg3A_1331 = arith.constant 0 : i32
      %neg3A_1332 = vector.broadcast %neg3A_1331 : i32 to vector<16xi32>
      %neg3A_1333 = arith.subi %neg3A_1332, %broadcast_in_dim3A_7 : vector<16xi32>
      tpu.vector_store_idx %arg8[%shift_right_arithmetic3A_1330], %neg3A_1333 masked %and3A_1313 {add = true} : memref<32768xi32, #tpu.memory_space<vmem>>[vector<16xi32>], vector<16xi32>, vector<16xi1>
      %get3A_1334 = arith.constant 0 : index
      %get3A_1335 = tpu.vector_load %arg9[%get3A_1334] {strides = array<i32>} : memref<16xf32, #tpu.memory_space<vmem>>, vector<16xf32>,
      %sub3A_1336 = vector.broadcast %scan3A_41 : f32 to vector<16xf32>
      %sub3A_1337 = arith.subf %gather3A_1323, %sub3A_1336 : vector<16xf32>
      %abs3A_1338 = math.absf %sub3A_1337 : vector<16xf32>
      %jit3A_1339 = arith.constant 0.000000e+00 : f32
      %broadcast_in_dim3A_1340 = vector.broadcast %jit3A_1339 : f32 to vector<16xf32>
      %select_n3A_1341 = arith.select %and3A_1313, %abs3A_1338, %broadcast_in_dim3A_1340 : vector<16xi1>, vector<16xf32>
      %add3A_1342 = arith.addf %get3A_1335, %select_n3A_1341 : vector<16xf32>
      %swap3A_1343 = arith.constant 0 : index
      %swap3A_1344 = tpu.vector_load %arg9[%swap3A_1343] {strides = array<i32>} : memref<16xf32, #tpu.memory_space<vmem>>, vector<16xf32>,
      tpu.vector_store %arg9[%swap3A_1343], %add3A_1342 {strides = array<i32>} : memref<16xf32, #tpu.memory_space<vmem>>, vector<16xf32>,
      %eq3A_1345 = arith.constant 0 : i32
      %eq3A_1346 = arith.cmpi eq, %select_n3A_60, %eq3A_1345 : i32
      %add3A_1347 = arith.constant 2 : i32
      %add3A_1348 = arith.addi %add3A_51, %add3A_1347 : i32
      %lt3A_1349 = arith.constant 25 : i32
      %lt3A_1350 = arith.cmpi slt, %add3A_1348, %lt3A_1349 : i32
      %and3A_1351 = arith.andi %eq3A_1346, %lt3A_1350 : i1
      %convert_element_type3A_1352 = arith.extui %and3A_1351 : i1 to i32
      %cond3A_1353 = arith.constant 0 : i32
      %cond3A_1354 = arith.cmpi ne, %convert_element_type3A_1352, %cond3A_1353 : i32
      scf.if %cond3A_1354 {
        %add3A_1365 = arith.constant 2 : i32
        %add3A_1366 = arith.addi %add3A_51, %add3A_1365 : i32
        %mul3A_1367 = arith.constant 40 : i32
        %mul3A_1368 = arith.muli %add3A_1366, %mul3A_1367 : i32
        %jit3A_1369 = arith.constant 2 : i32
        %eq3A_1370 = arith.constant 0 : i32
        %eq3A_1371 = arith.cmpi eq, %jit3A_1369, %eq3A_1370 : i32
        %jit3A_1372 = arith.constant 1 : i32
        %select_n3A_1373 = arith.select %eq3A_1371, %jit3A_1372, %jit3A_1369 : i32
        %rem3A_1374 = arith.remsi %add3A_1366, %select_n3A_1373 : i32
        %ne3A_1375 = arith.constant 0 : i32
        %ne3A_1376 = arith.cmpi ne, %rem3A_1374, %ne3A_1375 : i32
        %lt3A_1377 = arith.constant 0 : i32
        %lt3A_1378 = arith.cmpi slt, %rem3A_1374, %lt3A_1377 : i32
        %lt3A_1379 = arith.constant 0 : i32
        %lt3A_1380 = arith.cmpi slt, %select_n3A_1373, %lt3A_1379 : i32
        %ne3A_1381 = arith.xori %lt3A_1378, %lt3A_1380 : i1
        %and3A_1382 = arith.andi %ne3A_1381, %ne3A_1376 : i1
        %add3A_1383 = arith.addi %rem3A_1374, %select_n3A_1373 : i32
        %select_n3A_1384 = arith.select %and3A_1382, %add3A_1383, %rem3A_1374 : i32
        %dma_start3A_1385 = arith.constant 0 : i32
        %dma_start3A_1386 = arith.constant 0 : i32
        %dma_start3A_1387 = tpu.memref_slice %arg6[%select_n3A_1384, %dma_start3A_1385, %dma_start3A_1386] : memref<2x40x512xf32, #tpu.memory_space<vmem>> -> memref<1x40x512xf32, #tpu.memory_space<vmem>>
        %dma_start3A_1388 = tpu.memref_squeeze %dma_start3A_1387 : memref<1x40x512xf32, #tpu.memory_space<vmem>> -> memref<40x512xf32, #tpu.memory_space<vmem>>
        %dma_start3A_1389 = tpu.memref_slice %arg2[%mul3A_1368, %mul3A_5] : memref<1000x16384xf32, #tpu.memory_space<hbm>> -> memref<40x512xf32, #tpu.memory_space<hbm>>
        %dma_start3A_1390 = arith.constant 0 : i32
        %dma_start3A_1391 = arith.constant 0 : i32
        %dma_start3A_1392 = tpu.memref_slice %arg6[%select_n3A_1384, %dma_start3A_1390, %dma_start3A_1391] : memref<2x40x512xf32, #tpu.memory_space<vmem>> -> memref<1x40x512xf32, #tpu.memory_space<vmem>>
        %dma_start3A_1393 = tpu.memref_squeeze %dma_start3A_1392 : memref<1x40x512xf32, #tpu.memory_space<vmem>> -> memref<40x512xf32, #tpu.memory_space<vmem>>
        %dma_start3A_1394 = tpu.memref_slice %arg2[%mul3A_1368, %mul3A_5] : memref<1000x16384xf32, #tpu.memory_space<hbm>> -> memref<40x512xf32, #tpu.memory_space<hbm>>
        tpu.enqueue_dma source(%dma_start3A_1394 : memref<40x512xf32, #tpu.memory_space<hbm>>) target(%dma_start3A_1393 : memref<40x512xf32, #tpu.memory_space<vmem>>) target_semaphore(%arg10 : memref<!tpu.dma_semaphore, #tpu.memory_space<semaphore_mem>>)
      } else {
      }
      %eq3A_1355 = arith.constant 1 : i32
      %eq3A_1356 = arith.cmpi eq, %select_n3A_60, %eq3A_1355 : i32
      %add3A_1357 = arith.constant 2 : i32
      %add3A_1358 = arith.addi %add3A_51, %add3A_1357 : i32
      %lt3A_1359 = arith.constant 25 : i32
      %lt3A_1360 = arith.cmpi slt, %add3A_1358, %lt3A_1359 : i32
      %and3A_1361 = arith.andi %eq3A_1356, %lt3A_1360 : i1
      %convert_element_type3A_1362 = arith.extui %and3A_1361 : i1 to i32
      %cond3A_1363 = arith.constant 0 : i32
      %cond3A_1364 = arith.cmpi ne, %convert_element_type3A_1362, %cond3A_1363 : i32
      scf.if %cond3A_1364 {
        %add3A_1365 = arith.constant 2 : i32
        %add3A_1366 = arith.addi %add3A_51, %add3A_1365 : i32
        %mul3A_1367 = arith.constant 40 : i32
        %mul3A_1368 = arith.muli %add3A_1366, %mul3A_1367 : i32
        %jit3A_1369 = arith.constant 2 : i32
        %eq3A_1370 = arith.constant 0 : i32
        %eq3A_1371 = arith.cmpi eq, %jit3A_1369, %eq3A_1370 : i32
        %jit3A_1372 = arith.constant 1 : i32
        %select_n3A_1373 = arith.select %eq3A_1371, %jit3A_1372, %jit3A_1369 : i32
        %rem3A_1374 = arith.remsi %add3A_1366, %select_n3A_1373 : i32
        %ne3A_1375 = arith.constant 0 : i32
        %ne3A_1376 = arith.cmpi ne, %rem3A_1374, %ne3A_1375 : i32
        %lt3A_1377 = arith.constant 0 : i32
        %lt3A_1378 = arith.cmpi slt, %rem3A_1374, %lt3A_1377 : i32
        %lt3A_1379 = arith.constant 0 : i32
        %lt3A_1380 = arith.cmpi slt, %select_n3A_1373, %lt3A_1379 : i32
        %ne3A_1381 = arith.xori %lt3A_1378, %lt3A_1380 : i1
        %and3A_1382 = arith.andi %ne3A_1381, %ne3A_1376 : i1
        %add3A_1383 = arith.addi %rem3A_1374, %select_n3A_1373 : i32
        %select_n3A_1384 = arith.select %and3A_1382, %add3A_1383, %rem3A_1374 : i32
        %dma_start3A_1385 = arith.constant 0 : i32
        %dma_start3A_1386 = arith.constant 0 : i32
        %dma_start3A_1387 = tpu.memref_slice %arg6[%select_n3A_1384, %dma_start3A_1385, %dma_start3A_1386] : memref<2x40x512xf32, #tpu.memory_space<vmem>> -> memref<1x40x512xf32, #tpu.memory_space<vmem>>
        %dma_start3A_1388 = tpu.memref_squeeze %dma_start3A_1387 : memref<1x40x512xf32, #tpu.memory_space<vmem>> -> memref<40x512xf32, #tpu.memory_space<vmem>>
        %dma_start3A_1389 = tpu.memref_slice %arg2[%mul3A_1368, %mul3A_5] : memref<1000x16384xf32, #tpu.memory_space<hbm>> -> memref<40x512xf32, #tpu.memory_space<hbm>>
        %dma_start3A_1390 = arith.constant 0 : i32
        %dma_start3A_1391 = arith.constant 0 : i32
        %dma_start3A_1392 = tpu.memref_slice %arg6[%select_n3A_1384, %dma_start3A_1390, %dma_start3A_1391] : memref<2x40x512xf32, #tpu.memory_space<vmem>> -> memref<1x40x512xf32, #tpu.memory_space<vmem>>
        %dma_start3A_1393 = tpu.memref_squeeze %dma_start3A_1392 : memref<1x40x512xf32, #tpu.memory_space<vmem>> -> memref<40x512xf32, #tpu.memory_space<vmem>>
        %dma_start3A_1394 = tpu.memref_slice %arg2[%mul3A_1368, %mul3A_5] : memref<1000x16384xf32, #tpu.memory_space<hbm>> -> memref<40x512xf32, #tpu.memory_space<hbm>>
        tpu.enqueue_dma source(%dma_start3A_1394 : memref<40x512xf32, #tpu.memory_space<hbm>>) target(%dma_start3A_1393 : memref<40x512xf32, #tpu.memory_space<vmem>>) target_semaphore(%arg11 : memref<!tpu.dma_semaphore, #tpu.memory_space<semaphore_mem>>)
      } else {
      }
    }
    %scan3A_46 = arith.constant 25 : i32
    "tpu.region"() ({
      %run_scoped3A = tpu.sem_alloc : memref<!tpu.dma_semaphore, #tpu.memory_space<semaphore_mem>>
      %dma_start3A_47 = arith.constant 0 : i32
      %dma_start3A_48 = tpu.memref_slice %arg4[%add3A, %dma_start3A_47] : memref<32x32768xi32, #tpu.memory_space<hbm>> -> memref<1x32768xi32, #tpu.memory_space<hbm>>
      %dma_start3A_49 = tpu.memref_squeeze %dma_start3A_48 : memref<1x32768xi32, #tpu.memory_space<hbm>> -> memref<32768xi32, #tpu.memory_space<hbm>>
      %dma_start3A_50 = arith.constant 0 : i32
      %dma_start3A_51 = tpu.memref_slice %arg4[%add3A, %dma_start3A_50] : memref<32x32768xi32, #tpu.memory_space<hbm>> -> memref<1x32768xi32, #tpu.memory_space<hbm>>
      %dma_start3A_52 = tpu.memref_squeeze %dma_start3A_51 : memref<1x32768xi32, #tpu.memory_space<hbm>> -> memref<32768xi32, #tpu.memory_space<hbm>>
      tpu.enqueue_dma source(%arg8 : memref<32768xi32, #tpu.memory_space<vmem>>) target(%dma_start3A_52 : memref<32768xi32, #tpu.memory_space<hbm>>) target_semaphore(%run_scoped3A : memref<!tpu.dma_semaphore, #tpu.memory_space<semaphore_mem>>)
      %dma_wait3A_53 = arith.constant 0 : i32
      %dma_wait3A_54 = tpu.memref_slice %arg4[%add3A, %dma_wait3A_53] : memref<32x32768xi32, #tpu.memory_space<hbm>> -> memref<1x32768xi32, #tpu.memory_space<hbm>>
      %dma_wait3A_55 = tpu.memref_squeeze %dma_wait3A_54 : memref<1x32768xi32, #tpu.memory_space<hbm>> -> memref<32768xi32, #tpu.memory_space<hbm>>
      %dma_wait3A_56 = arith.constant 0 : i32
      %dma_wait3A_57 = tpu.memref_slice %arg4[%add3A, %dma_wait3A_56] : memref<32x32768xi32, #tpu.memory_space<hbm>> -> memref<1x32768xi32, #tpu.memory_space<hbm>>
      %dma_wait3A_58 = tpu.memref_squeeze %dma_wait3A_57 : memref<1x32768xi32, #tpu.memory_space<hbm>> -> memref<32768xi32, #tpu.memory_space<hbm>>
      tpu.wait_dma2 semaphore(%run_scoped3A : memref<!tpu.dma_semaphore, #tpu.memory_space<semaphore_mem>>) src(%arg8 : memref<32768xi32, #tpu.memory_space<vmem>>) dst(%dma_wait3A_58 : memref<32768xi32, #tpu.memory_space<hbm>>)
      tpu.yield
    }) : () -> ()
    "tpu.region"() ({
      %run_scoped3A = tpu.sem_alloc : memref<!tpu.dma_semaphore, #tpu.memory_space<semaphore_mem>>
      %dma_start3A_47 = arith.constant 0 : i32
      %dma_start3A_48 = tpu.memref_slice %arg5[%add3A, %dma_start3A_47] : memref<32x16xf32, #tpu.memory_space<hbm>> -> memref<1x16xf32, #tpu.memory_space<hbm>>
      %dma_start3A_49 = tpu.memref_squeeze %dma_start3A_48 : memref<1x16xf32, #tpu.memory_space<hbm>> -> memref<16xf32, #tpu.memory_space<hbm>>
      %dma_start3A_50 = arith.constant 0 : i32
      %dma_start3A_51 = tpu.memref_slice %arg5[%add3A, %dma_start3A_50] : memref<32x16xf32, #tpu.memory_space<hbm>> -> memref<1x16xf32, #tpu.memory_space<hbm>>
      %dma_start3A_52 = tpu.memref_squeeze %dma_start3A_51 : memref<1x16xf32, #tpu.memory_space<hbm>> -> memref<16xf32, #tpu.memory_space<hbm>>
      tpu.enqueue_dma source(%arg9 : memref<16xf32, #tpu.memory_space<vmem>>) target(%dma_start3A_52 : memref<16xf32, #tpu.memory_space<hbm>>) target_semaphore(%run_scoped3A : memref<!tpu.dma_semaphore, #tpu.memory_space<semaphore_mem>>)
      %dma_wait3A_53 = arith.constant 0 : i32
      %dma_wait3A_54 = tpu.memref_slice %arg5[%add3A, %dma_wait3A_53] : memref<32x16xf32, #tpu.memory_space<hbm>> -> memref<1x16xf32, #tpu.memory_space<hbm>>
      %dma_wait3A_55 = tpu.memref_squeeze %dma_wait3A_54 : memref<1x16xf32, #tpu.memory_space<hbm>> -> memref<16xf32, #tpu.memory_space<hbm>>
      %dma_wait3A_56 = arith.constant 0 : i32
      %dma_wait3A_57 = tpu.memref_slice %arg5[%add3A, %dma_wait3A_56] : memref<32x16xf32, #tpu.memory_space<hbm>> -> memref<1x16xf32, #tpu.memory_space<hbm>>
      %dma_wait3A_58 = tpu.memref_squeeze %dma_wait3A_57 : memref<1x16xf32, #tpu.memory_space<hbm>> -> memref<16xf32, #tpu.memory_space<hbm>>
      tpu.wait_dma2 semaphore(%run_scoped3A : memref<!tpu.dma_semaphore, #tpu.memory_space<semaphore_mem>>) src(%arg9 : memref<16xf32, #tpu.memory_space<vmem>>) dst(%dma_wait3A_58 : memref<16xf32, #tpu.memory_space<hbm>>)
      tpu.yield
    }) : () -> ()
    return
  }
}

module attributes {stable_mosaic.version = 14 : i64} {
  func.func @_finish_body(%arg0: memref<32x256x128xi32, #tpu.memory_space<vmem>>, %arg1: memref<32x16xf32, #tpu.memory_space<vmem>>, %arg2: memref<1x1xf32, #tpu.memory_space<vmem>>) attributes {dimension_semantics = [], scalar_prefetch = 0 : i64, scratch_operands = 0 : i64, tpu.core_type = #tpu.core_type<tc>} {
    %get3A = arith.constant 0 : index
    %get3A_0 = arith.constant 0 : index
    %get3A_1 = arith.constant 0 : index
    %get3A_2 = vector.load %arg0[%get3A, %get3A_0, %get3A_1] : memref<32x256x128xi32, #tpu.memory_space<vmem>>, vector<32x256x128xi32>
    %reduce_sum3A = arith.constant dense<0> : vector<256x128xi32>
    %reduce_sum3A_3 = vector.multi_reduction <add>, %get3A_2, %reduce_sum3A [0] : vector<32x256x128xi32> to vector<256x128xi32>
    %iota3A = tpu.iota {dimensions = array<i32: 0>} : vector<256x128xi32>
    %iota3A_4 = tpu.iota {dimensions = array<i32: 1>} : vector<256x128xi32>
    %mul3A = arith.constant 128 : i32
    %mul3A_5 = vector.broadcast %mul3A : i32 to vector<256x128xi32>
    %mul3A_6 = arith.muli %iota3A, %mul3A_5 : vector<256x128xi32>
    %add3A = arith.addi %mul3A_6, %iota3A_4 : vector<256x128xi32>
    %mul3A_7 = arith.constant 65536 : i32
    %mul3A_8 = vector.broadcast %mul3A_7 : i32 to vector<256x128xi32>
    %mul3A_9 = arith.muli %add3A, %mul3A_8 : vector<256x128xi32>
    %add3A_10 = arith.constant 32768 : i32
    %add3A_11 = vector.broadcast %add3A_10 : i32 to vector<256x128xi32>
    %add3A_12 = arith.addi %mul3A_9, %add3A_11 : vector<256x128xi32>
    %bitcast_convert_type3A = tpu.bitcast %add3A_12 : vector<256x128xi32> -> vector<256x128xf32>
    %eq3A = arith.constant 0 : i32
    %eq3A_13 = vector.broadcast %eq3A : i32 to vector<256x128xi32>
    %eq3A_14 = arith.cmpi eq, %add3A, %eq3A_13 : vector<256x128xi32>
    %jit3A = arith.constant 16384 : i32
    %jit3A_15 = arith.constant 0 : i32
    %broadcast_in_dim3A = vector.broadcast %jit3A : i32 to vector<256x128xi32>
    %broadcast_in_dim3A_16 = vector.broadcast %jit3A_15 : i32 to vector<256x128xi32>
    %select_n3A = arith.select %eq3A_14, %broadcast_in_dim3A, %broadcast_in_dim3A_16 : vector<256x128xi1>, vector<256x128xi32>
    %add3A_17 = arith.addi %reduce_sum3A_3, %select_n3A : vector<256x128xi32>
    %scan3A = arith.constant 0 : i32
    %scan3A_18 = arith.constant 32767 : i32
    %scan3A_19 = arith.constant 0 : i32
    %scan3A_20 = arith.constant 15 : i32
    %scan3A_21 = arith.addi %scan3A_19, %scan3A_20 : i32
    %scan3A_22 = arith.constant 1 : i32
    %scan3A_23:2 = scf.for %scan3A_74 = %scan3A_19 to %scan3A_21 step %scan3A_22 iter_args(%scan3A_75 = %scan3A, %scan3A_76 = %scan3A_18) -> (i32, i32)  : i32 {
      %add3A_77 = arith.addi %scan3A_75, %scan3A_76 : i32
      %add3A_78 = arith.constant 1 : i32
      %add3A_79 = arith.addi %add3A_77, %add3A_78 : i32
      %jit3A_80 = arith.constant 2 : i32
      %div3A_81 = arith.divsi %add3A_79, %jit3A_80 : i32
      %sign3A = arith.constant 0 : i32
      %sign3A_82 = arith.cmpi sgt, %add3A_79, %sign3A : i32
      %sign3A_83 = arith.extui %sign3A_82 : i1 to i32
      %sign3A_84 = arith.constant 0 : i32
      %sign3A_85 = arith.cmpi slt, %add3A_79, %sign3A_84 : i32
      %sign3A_86 = arith.extui %sign3A_85 : i1 to i32
      %sign3A_87 = arith.subi %sign3A_83, %sign3A_86 : i32
      %sign3A_88 = arith.constant 0 : i32
      %sign3A_89 = arith.cmpi sgt, %jit3A_80, %sign3A_88 : i32
      %sign3A_90 = arith.extui %sign3A_89 : i1 to i32
      %sign3A_91 = arith.constant 0 : i32
      %sign3A_92 = arith.cmpi slt, %jit3A_80, %sign3A_91 : i32
      %sign3A_93 = arith.extui %sign3A_92 : i1 to i32
      %sign3A_94 = arith.subi %sign3A_90, %sign3A_93 : i32
      %ne3A_95 = arith.cmpi ne, %sign3A_87, %sign3A_94 : i32
      %rem3A = arith.remsi %add3A_79, %jit3A_80 : i32
      %ne3A_96 = arith.constant 0 : i32
      %ne3A_97 = arith.cmpi ne, %rem3A, %ne3A_96 : i32
      %and3A_98 = arith.andi %ne3A_95, %ne3A_97 : i1
      %sub3A_99 = arith.constant 1 : i32
      %sub3A_100 = arith.subi %div3A_81, %sub3A_99 : i32
      %select_n3A_101 = arith.select %and3A_98, %sub3A_100, %div3A_81 : i32
      %ge3A = vector.broadcast %select_n3A_101 : i32 to vector<256x128xi32>
      %ge3A_102 = arith.cmpi sge, %add3A, %ge3A : vector<256x128xi32>
      %jit3A_103 = arith.constant 0 : i32
      %broadcast_in_dim3A_104 = vector.broadcast %jit3A_103 : i32 to vector<256x128xi32>
      %select_n3A_105 = arith.select %ge3A_102, %add3A_17, %broadcast_in_dim3A_104 : vector<256x128xi1>, vector<256x128xi32>
      %reduce_sum3A_106 = vector.shape_cast %select_n3A_105 : vector<256x128xi32> to vector<1x256x128xi32>
      %reduce_sum3A_107 = arith.constant dense<0> : vector<1xi32>
      %reduce_sum3A_108 = vector.multi_reduction <add>, %reduce_sum3A_106, %reduce_sum3A_107 [1, 2] : vector<1x256x128xi32> to vector<1xi32>
      %reduce_sum3A_109 = vector.shape_cast %reduce_sum3A_108 : vector<1xi32> to vector<1x1x1xi32>
      %reduce_sum3A_110 = vector.extract %reduce_sum3A_109[0, 0, 0] : i32 from vector<1x1x1xi32>
      %ge3A_111 = arith.constant 16385 : i32
      %ge3A_112 = arith.cmpi sge, %reduce_sum3A_110, %ge3A_111 : i32
      %select_n3A_113 = arith.select %ge3A_112, %select_n3A_101, %scan3A_75 : i32
      %sub3A_114 = arith.constant 1 : i32
      %sub3A_115 = arith.subi %select_n3A_101, %sub3A_114 : i32
      %select_n3A_116 = arith.select %ge3A_112, %scan3A_76, %sub3A_115 : i32
      scf.yield %select_n3A_113, %select_n3A_116 : i32, i32
    }
    %gt3A = vector.broadcast %scan3A_23#0 : i32 to vector<256x128xi32>
    %gt3A_24 = arith.cmpi sgt, %add3A, %gt3A : vector<256x128xi32>
    %jit3A_25 = arith.constant 0 : i32
    %broadcast_in_dim3A_26 = vector.broadcast %jit3A_25 : i32 to vector<256x128xi32>
    %select_n3A_27 = arith.select %gt3A_24, %add3A_17, %broadcast_in_dim3A_26 : vector<256x128xi1>, vector<256x128xi32>
    %reduce_sum3A_28 = vector.shape_cast %select_n3A_27 : vector<256x128xi32> to vector<1x256x128xi32>
    %reduce_sum3A_29 = arith.constant dense<0> : vector<1xi32>
    %reduce_sum3A_30 = vector.multi_reduction <add>, %reduce_sum3A_28, %reduce_sum3A_29 [1, 2] : vector<1x256x128xi32> to vector<1xi32>
    %reduce_sum3A_31 = vector.shape_cast %reduce_sum3A_30 : vector<1xi32> to vector<1x1x1xi32>
    %reduce_sum3A_32 = vector.extract %reduce_sum3A_31[0, 0, 0] : i32 from vector<1x1x1xi32>
    %ne3A = arith.constant 0 : i32
    %ne3A_33 = vector.broadcast %ne3A : i32 to vector<256x128xi32>
    %ne3A_34 = arith.cmpi ne, %add3A_17, %ne3A_33 : vector<256x128xi32>
    %and3A = arith.andi %gt3A_24, %ne3A_34 : vector<256x128xi1>
    %convert_element_type3A = arith.sitofp %add3A_17 : vector<256x128xi32> to vector<256x128xf32>
    %mul3A_35 = arith.mulf %convert_element_type3A, %bitcast_convert_type3A : vector<256x128xf32>
    %jit3A_36 = arith.constant 0.000000e+00 : f32
    %broadcast_in_dim3A_37 = vector.broadcast %jit3A_36 : f32 to vector<256x128xf32>
    %select_n3A_38 = arith.select %and3A, %mul3A_35, %broadcast_in_dim3A_37 : vector<256x128xi1>, vector<256x128xf32>
    %reduce_sum3A_39 = vector.shape_cast %select_n3A_38 : vector<256x128xf32> to vector<1x256x128xf32>
    %reduce_sum3A_40 = arith.constant dense<0.000000e+00> : vector<1xf32>
    %reduce_sum3A_41 = vector.multi_reduction <add>, %reduce_sum3A_39, %reduce_sum3A_40 [1, 2] : vector<1x256x128xf32> to vector<1xf32>
    %reduce_sum3A_42 = vector.shape_cast %reduce_sum3A_41 : vector<1xf32> to vector<1x1x1xf32>
    %reduce_sum3A_43 = vector.extract %reduce_sum3A_42[0, 0, 0] : f32 from vector<1x1x1xf32>
    %eq3A_44 = vector.broadcast %scan3A_23#0 : i32 to vector<256x128xi32>
    %eq3A_45 = arith.cmpi eq, %add3A, %eq3A_44 : vector<256x128xi32>
    %jit3A_46 = arith.constant 0.000000e+00 : f32
    %broadcast_in_dim3A_47 = vector.broadcast %jit3A_46 : f32 to vector<256x128xf32>
    %select_n3A_48 = arith.select %eq3A_45, %bitcast_convert_type3A, %broadcast_in_dim3A_47 : vector<256x128xi1>, vector<256x128xf32>
    %reduce_sum3A_49 = vector.shape_cast %select_n3A_48 : vector<256x128xf32> to vector<1x256x128xf32>
    %reduce_sum3A_50 = arith.constant dense<0.000000e+00> : vector<1xf32>
    %reduce_sum3A_51 = vector.multi_reduction <add>, %reduce_sum3A_49, %reduce_sum3A_50 [1, 2] : vector<1x256x128xf32> to vector<1xf32>
    %reduce_sum3A_52 = vector.shape_cast %reduce_sum3A_51 : vector<1xf32> to vector<1x1x1xf32>
    %reduce_sum3A_53 = vector.extract %reduce_sum3A_52[0, 0, 0] : f32 from vector<1x1x1xf32>
    %sub3A = arith.constant 16385 : i32
    %sub3A_54 = arith.subi %sub3A, %reduce_sum3A_32 : i32
    %convert_element_type3A_55 = arith.sitofp %sub3A_54 : i32 to f32
    %mul3A_56 = arith.mulf %convert_element_type3A_55, %reduce_sum3A_53 : f32
    %add3A_57 = arith.addf %reduce_sum3A_43, %mul3A_56 : f32
    %div3A = arith.constant 1.638500e+04 : f32
    %div3A_58 = arith.divf %add3A_57, %div3A : f32
    %get3A_59 = arith.constant 0 : index
    %get3A_60 = arith.constant 0 : index
    %get3A_61 = vector.load %arg1[%get3A_59, %get3A_60] : memref<32x16xf32, #tpu.memory_space<vmem>>, vector<32x16xf32>
    %reduce_sum3A_62 = vector.shape_cast %get3A_61 : vector<32x16xf32> to vector<1x32x16xf32>
    %reduce_sum3A_63 = arith.constant dense<0.000000e+00> : vector<1xf32>
    %reduce_sum3A_64 = vector.multi_reduction <add>, %reduce_sum3A_62, %reduce_sum3A_63 [1, 2] : vector<1x32x16xf32> to vector<1xf32>
    %reduce_sum3A_65 = vector.shape_cast %reduce_sum3A_64 : vector<1xf32> to vector<1x1x1xf32>
    %reduce_sum3A_66 = vector.extract %reduce_sum3A_65[0, 0, 0] : f32 from vector<1x1x1xf32>
    %div3A_67 = arith.constant 16384.0098 : f32
    %div3A_68 = arith.divf %reduce_sum3A_66, %div3A_67 : f32
    %add3A_69 = arith.addf %div3A_58, %div3A_68 : f32
    %mul3A_70 = arith.constant 5.000000e-01 : f32
    %mul3A_71 = arith.mulf %add3A_69, %mul3A_70 : f32
    %reshape3A = vector.broadcast %mul3A_71 : f32 to vector<1x1xf32>
    %swap3A = arith.constant 0 : index
    %swap3A_72 = arith.constant 0 : index
    %swap3A_73 = vector.load %arg2[%swap3A, %swap3A_72] : memref<1x1xf32, #tpu.memory_space<vmem>>, vector<1x1xf32>
    tpu.vector_store %arg2[%swap3A, %swap3A_72], %reshape3A {strides = array<i32>} : memref<1x1xf32, #tpu.memory_space<vmem>>, vector<1x1xf32>,
    return
  }
}

</mosaic_0001>

<sc_bundles>
// kernel: kernel.4.cloned.1.call-start
scs
__scs_entry_jumppad:
0x0: {  	(pc) =	sbr.rel $0x88, $3  }
0x1: {  	(tag) =	ssettag $0x0;
	lr =	simm.s32 $0x1  }
0x2: {  	[smem:$0x3F9F] =	sst lr;
	_ =	strace $0xD0000000  }
0x3: {  	_ = 	snop  }
0x4: {  	_ = 	snop  }
0x5: {  	_ = 	snop  }
0x6: {  	_ = 	snop  }
0x7: {  	_ = 	snop  }
__scs_overlays_trampoline_lowered:
0x8: {  	[smem:$0x3FAE] =	sst s0  }
0x9: {  	[smem:$0x3FAF] =	sst s1  }
0xa: {  	[smem:$0x3FB0] =	sst s2  }
0xb: {  	[smem:$0x3FB1] =	sst s3  }
0xc: {  	[smem:$0x3FB2] =	sst s4  }
0xd: {  	[smem:$0x3FB3] =	sst s5  }
0xe: {  	[smem:$0x3FB4] =	sst s6  }
0xf: {  	[smem:$0x3FB5] =	sst s7  }
0x10: {  	[smem:$0x3FB6] =	sst s8  }
0x11: {  	[smem:$0x3FB7] =	sst s9;
	s0 =	simm.s32 @!p0 $0x0  }
0x12: {  	s1 =	sld [smem:$0x3F9D];
	s0 =	simm.s32 @p0 $0x1  }
0x13: {  	[smem:$0x3FB8] =	sst s0;
	s0 =	simm.s32 @!p1 $0x0  }
0x14: {  	s2 =	sld [smem:$0x3F9C];
	s0 =	simm.s32 @p1 $0x1  }
0x15: {  	[smem:$0x3FB9] =	sst s0;
	s0 =	simm.s32 @!p2 $0x0  }
0x16: {  	s3 =	sld [smem:$0x3FDB];
	s0 =	simm.s32 @p2 $0x1  }
0x17: {  	s4 =	simm.s32 $0x1BF5;
	[smem:$0x3FBB] =	sst s0  }
0x18: {  	s0 =	sld [smem:$0x3F9E];
	_ =	swait.ge [sflag:s4], $0x0  }
0x19: {  	s7 =	sld [smem:$0x3F9F]  }
0x1a: {  	s8 =	sadd.s32 $0xFFFFE003, lr  }
0x1b: {  	s9 =	sadd.s32 $0xFFFFFEF7, lr;
	s5 =	simm.s32 $0xFFFFFFFF;
	p2 =	slt.u32 s8, $0xFFFFF086  }
0x1c: {  	p1 =	slt.u32 s9, $0xF7A;
	s5 =	simm.s32 @!p2 $0x0  }
0x1d: {  	s5 =	simm.s32 @p1 $0x1;
	p0 =	seq.s32 s7, s2  }
0x1e: {  	s7 =	smul.u32 @!p0 $0xF7A, s2;
	p2 =	seq.s32 @!p0 s5, $0x0  }
0x1f: {  	s9 =	smul.u32 $0xF7A, s1;
	s8 =	simm.s32 @!p0 $0x1BF5;
	p2 =	por !p2, p0  }
0x20: {  	[sflag:s8] =	ssyncset.s32 @!p0 $0xFFFFF086;
	s6 =	sadd.s32 @!p0 s3, s7;
	s7 =	simm.s32 @!p0 $0x108  }
0x21: {  	s3 =	sadd.s32 s3, s9;
	s6 =	sadd.s32 @!p0 $0x88, s6;
	s7 =	simm.s32 @p2 $0x1082  }
0x22: {  	[simem:s7], [sflag:s8] =	dma.local @!p0 [hbm:s6], $0xF7A  }
0x23: {  	s9 =	sor.u32 $0xD0000000, s2;
	s6 =	simm.s32 $0x108;
	_ =	swait.ge @!p0 [sflag:s8], $0x0  }
0x24: {  	s3 =	sadd.s32 $0x88, s3;
	s6 =	simm.s32 @!p1 $0x1082;
	[sflag:s4] =	ssyncset.s32 $0xFFFFF086  }
0x25: {  	[simem:s6], [sflag:s4] =	dma.local [hbm:s3], $0xF7A  }
0x26: {  	[smem:$0x3F9F] =	sst s1;
	(tag) =	ssettag s2;
	_ =	strace s9  }
0x27: {  	s1 =	sld [smem:$0x3FAF]  }
0x28: {  	s2 =	sld [smem:$0x3FB0]  }
0x29: {  	s4 =	sld [smem:$0x3FB2]  }
0x2a: {  	p0 =	seq.s32 s5, $0x0;
	s5 =	sld [smem:$0x3FB3]  }
0x2b: {  	s6 =	sld [smem:$0x3FB4]  }
0x2c: {  	s7 =	sld [smem:$0x3FB5]  }
0x2d: {  	s3 =	simm.s32 $0x108;
	s8 =	sld [smem:$0x3FB6]  }
0x2e: {  	s3 =	simm.s32 @!p0 $0x1082;
	s9 =	sld [smem:$0x3FB7]  }
0x2f: {  	lr =	sadd.s32 s0, s3;
	s0 =	sld [smem:$0x3FAE]  }
0x30: {  	s3 =	sld [smem:$0x3FB1]  }
0x31: {  	[smem:$0x3FBA] =	sst s10  }
0x32: {  	s10 =	sld [smem:$0x3FB8];
	_ =	sdelay $0x3  }
0x33: {  	p0 =	seq.s32 s10, $0x1;
	s10 =	sld [smem:$0x3FBA];
	_ =	sdelay $0x3  }
0x34: {  	[smem:$0x3FBA] =	sst s10  }
0x35: {  	s10 =	sld [smem:$0x3FB9];
	_ =	sdelay $0x3  }
0x36: {  	p1 =	seq.s32 s10, $0x1;
	s10 =	sld [smem:$0x3FBA];
	_ =	sdelay $0x3  }
0x37: {  	[smem:$0x3FBA] =	sst s10  }
0x38: {  	s10 =	sld [smem:$0x3FBB]  }
0x39: {  	_ = 	snop;
	(pc) =	sbr.ind lr, $3  }
0x3a: {  	_ = 	snop  }
0x3b: {  	_ = 	snop  }
0x3c: {  	p2 =	seq.s32 s10, $0x1;
	s10 =	sld [smem:$0x3FBA]  }
0x3d: {  	_ =	shalt  }
0x3e: {  	_ =	shalt  }
0x3f: {  	_ =	shalt  }
0x40: {  	_ =	shalt  }
0x41: {  	_ =	shalt  }
0x42: {  	_ =	shalt  }
0x43: {  	_ =	shalt  }
0x44: {  	_ =	shalt  }
0x45: {  	_ =	shalt  }
0x46: {  	_ =	shalt  }
0x47: {  	_ =	shalt  }
0x48: {  	_ =	shalt  }
0x49: {  	_ =	shalt  }
0x4a: {  	_ =	shalt  }
0x4b: {  	_ =	shalt  }
0x4c: {  	_ =	shalt  }
0x4d: {  	_ =	shalt  }
0x4e: {  	_ =	shalt  }
0x4f: {  	_ =	shalt  }
0x50: {  	_ =	shalt  }
0x51: {  	_ =	shalt  }
0x52: {  	_ =	shalt  }
0x53: {  	_ =	shalt  }
0x54: {  	_ =	shalt  }
0x55: {  	_ =	shalt  }
0x56: {  	_ =	shalt  }
0x57: {  	_ =	shalt  }
0x58: {  	_ =	shalt  }
0x59: {  	_ =	shalt  }
0x5a: {  	_ =	shalt  }
0x5b: {  	_ =	shalt  }
0x5c: {  	_ =	shalt  }
0x5d: {  	_ =	shalt  }
0x5e: {  	_ =	shalt  }
0x5f: {  	_ =	shalt  }
0x60: {  	_ =	shalt  }
0x61: {  	_ =	shalt  }
0x62: {  	_ =	shalt  }
0x63: {  	_ =	shalt  }
0x64: {  	_ =	shalt  }
0x65: {  	_ =	shalt  }
0x66: {  	_ =	shalt  }
0x67: {  	_ =	shalt  }
0x68: {  	_ =	shalt  }
0x69: {  	_ =	shalt  }
0x6a: {  	_ =	shalt  }
0x6b: {  	_ =	shalt  }
0x6c: {  	_ =	shalt  }
0x6d: {  	_ =	shalt  }
0x6e: {  	_ =	shalt  }
0x6f: {  	_ =	shalt  }
0x70: {  	_ =	shalt  }
0x71: {  	_ =	shalt  }
0x72: {  	_ =	shalt  }
0x73: {  	_ =	shalt  }
0x74: {  	_ =	shalt  }
0x75: {  	_ =	shalt  }
0x76: {  	_ =	shalt  }
0x77: {  	_ =	shalt  }
0x78: {  	_ =	shalt  }
0x79: {  	_ =	shalt  }
0x7a: {  	_ =	shalt  }
0x7b: {  	_ =	shalt  }
0x7c: {  	_ =	shalt  }
0x7d: {  	_ =	shalt  }
0x7e: {  	_ =	shalt  }
0x7f: {  	_ =	shalt  }
0x80: {  	_ =	shalt  }
0x81: {  	_ =	shalt  }
0x82: {  	_ =	shalt  }
0x83: {  	_ =	shalt  }
0x84: {  	_ =	shalt  }
0x85: {  	_ =	shalt  }
0x86: {  	_ =	shalt  }
0x87: {  	_ =	shalt  }
.Lfunc_end0:
.L_simem_size_0:
called_computation_lowered:
.L_overlay_start_0:
0x88: {  	s2 =	sld [smem:$0x3FD9]  }
0x89: {  	s3 =	sld [smem:$0x3FFE];
	_ =	sdelay $0x1  }
0x8a: {  	s1 =	srdreg.scid  }
0x8b: {  	s0 =	sand.u32 $0x1, s1  }
0x8c: {  	s17 =	sshll.u32 s0, $0xA;
	s2 =	sadd.s32 s3, s2  }
0x8d: {  	s2 =	sadd.s32 s2, s17  }
0x8e: {  	[smem:$0x3FC6] =	sst s2  }
0x8f: {  	_ = 	snop  }
0x90: {  	s2 =	sld [smem:$0x3FC9]  }
0x91: {  	s18 =	sld [smem:$0x3FC8];
	(tm) =	ssettm $0x1  }
0x92: {  	s4 =	sld [smem:$0x3FFB];
	_ =	sdelay $0x3  }
0x93: {  	_ =	strace s4  }
0x94: {  	s4 =	sld [smem:$0x3FFC];
	_ =	sdelay $0x3  }
0x95: {  	_ =	strace s4  }
0x96: {  	s4 =	sld [smem:$0x3FFD];
	_ =	sdelay $0x3  }
0x97: {  	_ =	strace s4  }
0x98: {  	_ =	strace $0x8FFFFFFF  }
0x99: {  	s19 =	sld [smem:$0x3FDB];
	_ =	sdelay $0x1  }
0x9a: {  	s5 =	simm.s32 $_scs_section_size  }
0x9b: {  	s6 =	simm.s32 $_size__tile_overlayer_lowered;
	s7 =	simm.s32 $_tile_overlayer_lowered  }
0x9c: {  	s22 =	simm.s32 $0x1BFF;
	s21 =	sshll.u32 s7, $0x1;
	s4 =	sadd.s32 s5, s19  }
0x9d: {  	s8 =	simm.s32 $0x0;
	s20 =	sshll.u32 s6, $0x1;
	s6 =	sadd.s32 s21, s4  }
0x9e: {  	[timem:s8], [sflag:s22] =	dma.local [hbm:s6], s20  }
0x9f: {  	_ =	swait.ge [sflag:s22], s20  }
0xa0: {  	s5 =	ssub.s32 $0x0, s20;
	[sflag:s22] =	ssyncset.done $0x0  }
0xa1: {  	[sflag:s22] =	ssyncadd.s32 s5;
	_ =	sdelay $0x1  }
0xa2: {  	s23 =	simm.s32 $0x1B8B  }
0xa3: {  	_ =	swait.ge [sflag:s23], $0x1  }
0xa4: {  	[sflag:s23] =	ssyncset.done $0x0  }
0xa5: {  	s25 =	simm.s32 $0x1B8E;
	s24 =	sld [smem:$0x3FFE];
	[sflag:s23] =	ssyncadd.s32 $0xFFFFFFFF  }
0xa6: {  	s26 =	simm.s32 $execute0_lowered;
	[smem:$0x3FD2] =	sst s25  }
0xa7: {  	s6 =	sshll.u32 s26, $0x1;
	_ =	strace $0x80000046;
	[dreg:$0x1] =	wrdreg $0xFFFFFFFF  }
0xa8: {  	s28 =	simm.s32 $_size_execute0_lowered;
	s4 =	sadd.s32 s4, s6;
	[dreg:$0x0] =	wrdreg $0x0  }
0xa9: {  	s6 =	sshll.u32 s28, $0x1;
	[dreg:$0x2] =	wrdreg s4  }
0xaa: {  	[dreg:$0x3] =	wrdreg s6  }
0xab: {  	[dreg:$0x4] =	wrdreg $0xC0  }
0xac: {  	_ =	task [dreg:s8], $0x5FFFF  }
0xad: {  	[dreg:$0x1] =	wrdreg $0xFFFFFFFF  }
0xae: {  	[dreg:$0x0] =	wrdreg $0x60  }
0xaf: {  	[dreg:$0x2] =	wrdreg s2  }
0xb0: {  	[dreg:$0x3] =	wrdreg s18  }
0xb1: {  	[dreg:$0x4] =	wrdreg s24  }
0xb2: {  	[dreg:$0x5] =	wrdreg $0x9  }
0xb3: {  	_ =	task.clear_ibuf [dreg:s8], $0x6FFFF;
	_ =	strace $0x90000046  }
0xb4: {  	s29 =	simm.s32 $0x9;
	_ =	strace $0x80000048  }
0xb5: {  	_ =	swait.ge [sflag:s29], $0x1  }
0xb6: {  	[sflag:s29] =	ssyncadd.s32 $0xFFFFFFFF  }
0xb7: {  	_ =	strace $0x90000048  }
0xb8: {  	_ =	sfence  }
0xb9: {  	s30 =	sld [smem:$0x0];
	_ =	sdelay $0x2  }
0xba: {  	s31 =	sshll.u32 s1, $0xD;
	s1 =	sshrl.u32 s1, $0x2  }
0xbb: {  	s3 =	sand.u32 $0x4000, s31;
	s1 =	sadd.s32 s1, s30  }
0xbc: {  	s0 =	sor.u32 s3, s0;
	s1 =	sshll.u32 s1, $0x11  }
0xbd: {  	s0 =	sor.u32 s1, s0  }
0xbe: {  	s0 =	sadd.s32 $0x8F2B, s0  }
0xbf: {  	[sflag:s0] =	ssyncadd.remote.s32 $0x1  }
0xc0: {  	_ =	sfence.sel $0xFFFF  }
0xc1: {  	[dreg:$0x0] =	wrdreg $0xFFFFFFFF;
	(pc) =	sbr.abs _section_cstart, $3  }
0xc2: {  	[dreg:$0x1] =	wrdreg $0xFFFFFFFF  }
0xc3: {  	_ =	task.clear_ibuf [dreg:s8], $0x2FFFF;
	_ =	strace $0x9FFFFFFF  }
0xc4: {  	(tm) =	ssettm $0x7FFFFFFF  }
0xc5: {  	_ =	shalt  }
tec
execute0_lowered:
.L_overlay_start_1:
0x0: {  	(tag) =	ssettag $0x1  }
0x1: {  	s1 =	rddreg [dreg:$0x0];
	s2 =	srdreg.scid  }
0x2: {  	s0 =	stileid.u32;
	s7 =	rddreg [dreg:$0x1]  }
0x3: {  	s5 =	rddreg [dreg:$0x2];
	s3 =	simm.s32 $0x0;
	s14 =	simm.s32 $0xA000  }
0x4: {  	s15 =	simm.s32 $0x3;
	s16 =	simm.s32 $0xA200;
	s17 =	simm.s32 $0x80  }
0x5: {  	v0 =	vimm.s32 $0x0;
	v1 =	vlaneseq.u32;
	s18 =	simm.s32 $0x400;
	s19 =	simm.s32 $0x4;
	s20 =	simm.s32 $0x12200  }
0x6: {  	v3 =	vimm.s32 $0x1;
	v4 =	vimm.s32 $0xFFFFFFFF;
	s21 =	simm.s32 $0x0;
	s4 =	sand.u32 $0x1, s2;
	s2 =	rddreg [dreg:$0x3];
	v2 =	vor.u32 $0x10, v1  }
0x7: {  	s30 =	sshll.u32 s0, $0x1;
	s6 =	sshrl.u32 s0, $0x2;
	[smem:$0x7FF] =	sst s3;
	v7 =	vor.u32 $0x30, v1;
	v8 =	vor.u32 $0x40, v1;
	v9 =	vor.u32 $0x50, v1  }
0x8: {  	v10 =	vor.u32 $0x60, v1;
	v11 =	vor.u32 $0x70, v1;
	v12 =	vor.u32 $0x400, v1;
	s8 =	sor.u32 s4, s30;
	s10 =	sshll.u32 s6, $0x12;
	[tilespmem:$0x1FFE0] =	vst v2;
	s6 =	sshll.u32 s6, $0xA  }
0x9: {  	v13 =	vor.u32 $0x410, v1;
	v14 =	vor.u32 $0x420, v1;
	v15 =	vor.u32 $0x430, v1;
	s4 =	ssub.s32 $0x2, s4;
	s9 =	sshll.u32 s8, $0x7;
	_ =	strace $0x80000047  }
0xa: {  	v16 =	vor.u32 $0x440, v1;
	v17 =	vor.u32 $0x450, v1;
	v18 =	vor.u32 $0x460, v1;
	s31 =	sshrl.u32 s4, $0x1;
	s11 =	sshll.u32 s8, $0x9;
	s9 =	sand.u32 $0x380, s9  }
0xb: {  	v19 =	vor.u32 $0x470, v1;
	v20 =	vor.u32 $0x800, v1;
	v21 =	vor.u32 $0x810, v1;
	s13 =	ssub.s32 s4, s31;
	s10 =	sor.u32 s10, s9;
	s6 =	sor.u32 s6, s9  }
0xc: {  	v22 =	vor.u32 $0x820, v1;
	v23 =	vor.u32 $0x830, v1;
	v24 =	vor.u32 $0x840, v1;
	s4 =	sadd.s32 s1, s11;
	s10 =	sshrl.u32 s10, $0x3;
	s6 =	sshrl.u32 s6, $0x3  }
0xd: {  	v25 =	vor.u32 $0x850, v1;
	v26 =	vor.u32 $0x860, v1;
	v27 =	vor.u32 $0x870, v1;
	s11 =	simm.s32 $0x1000;
	s10 =	sadd.s32 s10, s5;
	s12 =	sadd.s32 s6, s5  }
0xe: {  	v28 =	vor.u32 $0xC00, v1;
	v29 =	vor.u32 $0xC10, v1;
	v30 =	vor.u32 $0xC20, v1;
	s5 =	sshll.u32 s8, $0xC;
	s6 =	sadd.s32 $0x14000, s4;
	s8 =	sshll.u32 s8, $0x6  }
0xf: {  	v31 =	vor.u32 $0xC30, v1;
	v32 =	vor.u32 $0xC40, v1;
	v2 =	vor.u32 $0x20, v1;
	s7 =	sadd.s32 s7, s8;
	s8 =	sadd.s32 $0xA00, s10;
	s9 =	sadd.s32 $0x20A00, s12  }
0x10: {  	v33 =	vor.u32 $0xC50, v1;
	v34 =	vor.u32 $0xC60, v1;
	v35 =	vor.u32 $0xC70, v1;
	[tilespmem:$0x1FFF0] =	vst v2;
	s10 =	smax.u32 s13, $0x1;
	s12 =	simm.s32 $0x20000;
	s13 =	simm.s32 $0x5000  }
.LBB2_1:
0x11: {  	[tilespmem:s3], [sflag:$0x1] =	stream.strided.gather [hbm4b:s4+s11], $0x5000, s12, s11, $0x38;
	[tilespmem:$0x12280] =	vst v63  }
0x12: {  	_ = 	snop  }
0x13: {  	[tilespmem:s13], [sflag:$0x2] =	stream.strided.gather [hbm4b:s6+s11], $0x5000, s12, s11, $0x38;
	[tilespmem:$0x12280] =	vst v63  }
0x14: {  	s22 =	simm.s32 $0xA240  }
0x15: {  	[tilespmem:s14], [sflag:$0x3] =	stream.linear.gather [hbm4b:s7+s3], $0x200, $0x38;
	[tilespmem:$0x12280] =	vst v63  }
0x16: {  	[tilespmem:s22+$0xFFFFFFC0] =	vst v0  }
0x17: {  	[tilespmem:s22+$0x30] =	vst v0  }
0x18: {  	[tilespmem:s22+$0x20] =	vst v0  }
0x19: {  	[tilespmem:s22+$0x10] =	vst v0  }
0x1a: {  	[tilespmem:s22+$0x0] =	vst v0  }
0x1b: {  	[tilespmem:s22+$0xFFFFFFF0] =	vst v0  }
0x1c: {  	s23 =	simm.s32 $0x0;
	[tilespmem:s22+$0xFFFFFFE0] =	vst v0  }
.LBB2_2:
0x1d: {  	s23 =	sadd.s32 $0x8, s23;
	[tilespmem:s22+$0xFFFFFFD0] =	vst v0;
	s22 =	sadd.s32 $0x80, s22  }
0x1e: {  	[tilespmem:s22+$0xFFFFFFC0] =	vst v0;
	p0 =	slt.u32 s23, $0x7F8  }
0x1f: {  	[tilespmem:s22+$0x30] =	vst v0  }
.Ltmp0:
0x20: {  	[tilespmem:s22+$0x20] =	vst v0;
	(pc) =	sbr.rel @p0 .LBB2_2-.Ltmp0, $4  }
0x21: {  	[tilespmem:s22+$0x10] =	vst v0  }
0x22: {  	[tilespmem:s22+$0x0] =	vst v0  }
0x23: {  	[tilespmem:s22+$0xFFFFFFF0] =	vst v0  }
0x24: {  	[tilespmem:s22+$0xFFFFFFE0] =	vst v0  }
0x25: {  	[tilespmem:s22+$0xFFFFFFD0] =	vst v0;
	v1 =	vimm.f32 $0.0e+00  }
0x26: {  	[tilespmem:$0x12200] =	vst v1  }
0x27: {  	_ =	swait.ge [sflag:s15], $0x200  }
0x28: {  	[sflag:s15] =	ssyncset.done $0x0  }
0x29: {  	s22 =	simm.s32 $0x0;
	s23 =	simm.s32 $0x0;
	[sflag:s15] =	ssyncadd.s32 $0xFFFFFE00  }
.LBB2_4:
0x2a: {  	s24 =	sand.u32 $0x1, s23  }
0x2b: {  	p0 =	seq.s32 s24, $0x1  }
0x2c: {  	s25 =	simm.s32 @!p0 $0x1  }
0x2d: {  	_ =	swait.ge @!p0 [sflag:s25], $0x5000  }
0x2e: {  	p1 =	seq.s32 s24, $0x0;
	s26 =	smul.u32 $0x14000, s24;
	[sflag:s25] =	ssyncset.done @!p0 $0x0  }
0x2f: {  	s28 =	simm.s32 @!p1 $0x2;
	[sflag:s25] =	ssyncadd.s32 @!p0 $0xFFFFB000  }
0x30: {  	s31 =	sand.u32 $0x7000, s22;
	s25 =	sshrl.u32 s26, $0x2;
	_ =	swait.ge @!p1 [sflag:s28], $0x5000  }
0x31: {  	s29 =	sand.u32 $0x380, s22;
	s26 =	sadd.s32 s31, s25;
	[sflag:s28] =	ssyncset.done @!p1 $0x0  }
0x32: {  	s26 =	sadd.s32 s29, s26;
	[sflag:s28] =	ssyncadd.s32 @!p1 $0xFFFFB000  }
0x33: {  	v36 =	vld [tilespmem:s26+$0x0]  }
0x34: {  	v37 =	vld [tilespmem:s26+$0x10]  }
0x35: {  	v38 =	vld [tilespmem:s26+$0x20]  }
0x36: {  	v39 =	vld [tilespmem:s26+$0x30]  }
0x37: {  	v40 =	vld [tilespmem:s26+$0x40]  }
0x38: {  	v44 =	vld [tilespmem:s26+$0x50]  }
0x39: {  	v45 =	vld [tilespmem:s26+$0x60]  }
0x3a: {  	v46 =	vld [tilespmem:s26+$0x70]  }
0x3b: {  	v47 =	vld [tilespmem:s26+$0x400]  }
0x3c: {  	v48 =	vld [tilespmem:s26+$0x410]  }
0x3d: {  	v49 =	vld [tilespmem:s26+$0x420]  }
0x3e: {  	v50 =	vld [tilespmem:s26+$0x430]  }
0x3f: {  	v51 =	vld [tilespmem:s26+$0x440]  }
0x40: {  	v52 =	vld [tilespmem:s26+$0x450]  }
0x41: {  	v53 =	vld [tilespmem:s26+$0x460]  }
0x42: {  	v54 =	vld [tilespmem:s26+$0x470]  }
0x43: {  	v55 =	vld [tilespmem:s26+$0x800]  }
0x44: {  	v56 =	vld [tilespmem:s26+$0x810]  }
0x45: {  	v57 =	vld [tilespmem:s26+$0x820]  }
0x46: {  	v58 =	vld [tilespmem:s26+$0x830]  }
0x47: {  	v59 =	vld [tilespmem:s26+$0x840]  }
0x48: {  	v60 =	vld [tilespmem:s26+$0x850]  }
0x49: {  	v61 =	vld [tilespmem:s26+$0x860]  }
0x4a: {  	v62 =	vld [tilespmem:s26+$0x870]  }
0x4b: {  	v43 =	vld [tilespmem:s26+$0xC00]  }
0x4c: {  	v42 =	vld [tilespmem:s26+$0xC10]  }
0x4d: {  	v41 =	vld [tilespmem:s26+$0xC20];
	v63 =	vshrl.u32 v36, $0x10  }
0x4e: {  	v36 =	vld [tilespmem:s26+$0xC30];
	v1 =	vshrl.u32 v37, $0x10;
	v63 =	vand.u32 $0x7FFF, v63  }
0x4f: {  	v37 =	vld [tilespmem:s26+$0xC40];
	v2 =	vshrl.u32 v38, $0x10;
	v1 =	vand.u32 $0x7FFF, v1  }
0x50: {  	v38 =	vld [tilespmem:s26+$0xC50];
	v5 =	vshrl.u32 v39, $0x10;
	v2 =	vand.u32 $0x7FFF, v2  }
0x51: {  	v39 =	vld [tilespmem:s26+$0xC60];
	v6 =	vshrl.u32 v40, $0x10;
	v5 =	vand.u32 $0x7FFF, v5  }
0x52: {  	v40 =	vld [tilespmem:s26+$0xC70];
	v44 =	vshrl.u32 v44, $0x10;
	v6 =	vand.u32 $0x7FFF, v6  }
0x53: {  	v45 =	vshrl.u32 v45, $0x10;
	v44 =	vand.u32 $0x7FFF, v44;
	[tilespmem:v63+s16+$0x0] =	vst.idx.add.s32.msk $0xffff, v3  }
0x54: {  	v46 =	vshrl.u32 v46, $0x10;
	[tilespmem:v1+s16+$0x0] =	vst.idx.add.s32.msk $0xffff, v3;
	v1 =	vand.u32 $0x7FFF, v45  }
0x55: {  	v45 =	vshrl.u32 v47, $0x10;
	[tilespmem:v2+s16+$0x0] =	vst.idx.add.s32.msk $0xffff, v3;
	v2 =	vand.u32 $0x7FFF, v46  }
0x56: {  	v63 =	vshrl.u32 v48, $0x10;
	[tilespmem:v5+s16+$0x0] =	vst.idx.add.s32.msk $0xffff, v3;
	v5 =	vand.u32 $0x7FFF, v45  }
0x57: {  	v48 =	vshrl.u32 v49, $0x10;
	[tilespmem:v6+s16+$0x0] =	vst.idx.add.s32.msk $0xffff, v3;
	v6 =	vand.u32 $0x7FFF, v63  }
0x58: {  	v49 =	vshrl.u32 v50, $0x10;
	v50 =	vand.u32 $0x7FFF, v48;
	[tilespmem:v44+s16+$0x0] =	vst.idx.add.s32.msk $0xffff, v3  }
0x59: {  	v51 =	vshrl.u32 v51, $0x10;
	[tilespmem:v1+s16+$0x0] =	vst.idx.add.s32.msk $0xffff, v3;
	v1 =	vand.u32 $0x7FFF, v49  }
0x5a: {  	v52 =	vshrl.u32 v52, $0x10;
	[tilespmem:v2+s16+$0x0] =	vst.idx.add.s32.msk $0xffff, v3;
	v2 =	vand.u32 $0x7FFF, v51  }
0x5b: {  	[tilespmem:v5+s16+$0x0] =	vst.idx.add.s32.msk $0xffff, v3;
	v5 =	vand.u32 $0x7FFF, v52  }
0x5c: {  	v53 =	vshrl.u32 v53, $0x10;
	[tilespmem:v6+s16+$0x0] =	vst.idx.add.s32.msk $0xffff, v3  }
0x5d: {  	v54 =	vshrl.u32 v54, $0x10;
	v6 =	vand.u32 $0x7FFF, v53;
	[tilespmem:v50+s16+$0x0] =	vst.idx.add.s32.msk $0xffff, v3  }
0x5e: {  	v55 =	vshrl.u32 v55, $0x10;
	v46 =	vand.u32 $0x7FFF, v54;
	[tilespmem:v1+s16+$0x0] =	vst.idx.add.s32.msk $0xffff, v3  }
0x5f: {  	v56 =	vshrl.u32 v56, $0x10;
	v1 =	vand.u32 $0x7FFF, v55;
	[tilespmem:v2+s16+$0x0] =	vst.idx.add.s32.msk $0xffff, v3  }
0x60: {  	v2 =	vand.u32 $0x7FFF, v56;
	[tilespmem:v5+s16+$0x0] =	vst.idx.add.s32.msk $0xffff, v3;
	v5 =	vshrl.u32 v57, $0x10  }
0x61: {  	v63 =	vshrl.u32 v58, $0x10;
	v48 =	vand.u32 $0x7FFF, v5  }
0x62: {  	v44 =	vand.u32 $0x7FFF, v63;
	[tilespmem:v6+s16+$0x0] =	vst.idx.add.s32.msk $0xffff, v3;
	v5 =	vshrl.u32 v59, $0x10  }
0x63: {  	v6 =	vshrl.u32 v60, $0x10;
	[tilespmem:v46+s16+$0x0] =	vst.idx.add.s32.msk $0xffff, v3;
	v45 =	vand.u32 $0x7FFF, v5  }
0x64: {  	v5 =	vshrl.u32 v61, $0x10;
	v46 =	vand.u32 $0x7FFF, v6;
	[tilespmem:v1+s16+$0x0] =	vst.idx.add.s32.msk $0xffff, v3  }
0x65: {  	s28 =	simm.s32 $0x0;
	s26 =	simm.s32 $0x200;
	v49 =	vshrl.u32 v62, $0x10;
	v47 =	vand.u32 $0x7FFF, v5;
	[tilespmem:v2+s16+$0x0] =	vst.idx.add.s32.msk $0xffff, v3  }
.LBB2_5:
0x66: {  	p1 =	sne.s32 s26, $0x4E00;
	v1 =	vshrl.u32 v43, $0x10;
	[tilespmem:v48+s16+$0x0] =	vst.idx.add.s32.msk $0xffff, v3;
	v2 =	vand.u32 $0x7FFF, v49  }
0x67: {  	v5 =	vshrl.u32 v42, $0x10;
	[tilespmem:v44+s16+$0x0] =	vst.idx.add.s32.msk $0xffff, v3;
	v1 =	vand.u32 $0x7FFF, v1  }
0x68: {  	v6 =	vshrl.u32 v41, $0x10;
	v5 =	vand.u32 $0x7FFF, v5;
	[tilespmem:v45+s16+$0x0] =	vst.idx.add.s32.msk $0xffff, v3  }
0x69: {  	v36 =	vshrl.u32 v36, $0x10;
	v6 =	vand.u32 $0x7FFF, v6;
	[tilespmem:v46+s16+$0x0] =	vst.idx.add.s32.msk $0xffff, v3  }
0x6a: {  	v37 =	vshrl.u32 v37, $0x10;
	v36 =	vand.u32 $0x7FFF, v36;
	[tilespmem:v47+s16+$0x0] =	vst.idx.add.s32.msk $0xffff, v3  }
0x6b: {  	v38 =	vshrl.u32 v38, $0x10;
	[tilespmem:v2+s16+$0x0] =	vst.idx.add.s32.msk $0xffff, v3;
	v2 =	vand.u32 $0x7FFF, v37  }
0x6c: {  	v37 =	vshrl.u32 v39, $0x10;
	[tilespmem:v1+s16+$0x0] =	vst.idx.add.s32.msk $0xffff, v3;
	v1 =	vand.u32 $0x7FFF, v38  }
0x6d: {  	v38 =	vshrl.u32 v40, $0x10;
	[tilespmem:v5+s16+$0x0] =	vst.idx.add.s32.msk $0xffff, v3;
	v5 =	vand.u32 $0x7FFF, v37  }
0x6e: {  	[tilespmem:v6+s16+$0x0] =	vst.idx.add.s32.msk $0xffff, v3;
	v6 =	vand.u32 $0x7FFF, v38  }
0x6f: {  	[tilespmem:v36+s16+$0x0] =	vst.idx.add.s32.msk $0xffff, v3  }
0x70: {  	[tilespmem:v2+s16+$0x0] =	vst.idx.add.s32.msk $0xffff, v3  }
0x71: {  	s29 =	sand.u32 $0x7000, s26;
	s28 =	sadd.s32 $0x80, s28;
	[tilespmem:v1+s16+$0x0] =	vst.idx.add.s32.msk $0xffff, v3  }
0x72: {  	s30 =	sand.u32 $0x380, s28;
	s29 =	sadd.s32 s29, s25;
	[tilespmem:v5+s16+$0x0] =	vst.idx.add.s32.msk $0xffff, v3  }
0x73: {  	s29 =	sadd.s32 s30, s29;
	[tilespmem:v6+s16+$0x0] =	vst.idx.add.s32.msk $0xffff, v3  }
0x74: {  	v1 =	vld [tilespmem:s29+$0x0]  }
0x75: {  	v2 =	vld [tilespmem:s29+$0x10]  }
0x76: {  	v5 =	vld [tilespmem:s29+$0x20]  }
0x77: {  	v6 =	vld [tilespmem:s29+$0x30]  }
0x78: {  	v40 =	vld [tilespmem:s29+$0x40]  }
0x79: {  	v44 =	vld [tilespmem:s29+$0x50]  }
0x7a: {  	v45 =	vld [tilespmem:s29+$0x60]  }
0x7b: {  	v46 =	vld [tilespmem:s29+$0x70]  }
0x7c: {  	v47 =	vld [tilespmem:s29+$0x400]  }
0x7d: {  	v48 =	vld [tilespmem:s29+$0x410]  }
0x7e: {  	v49 =	vld [tilespmem:s29+$0x420]  }
0x7f: {  	v50 =	vld [tilespmem:s29+$0x430]  }
0x80: {  	v51 =	vld [tilespmem:s29+$0x440]  }
0x81: {  	v52 =	vld [tilespmem:s29+$0x450]  }
0x82: {  	v53 =	vld [tilespmem:s29+$0x460]  }
0x83: {  	v54 =	vld [tilespmem:s29+$0x470]  }
0x84: {  	v55 =	vld [tilespmem:s29+$0x800]  }
0x85: {  	v56 =	vld [tilespmem:s29+$0x810]  }
0x86: {  	v57 =	vld [tilespmem:s29+$0x820]  }
0x87: {  	v58 =	vld [tilespmem:s29+$0x830]  }
0x88: {  	v59 =	vld [tilespmem:s29+$0x840]  }
0x89: {  	v60 =	vld [tilespmem:s29+$0x850]  }
0x8a: {  	v61 =	vld [tilespmem:s29+$0x860]  }
0x8b: {  	v62 =	vld [tilespmem:s29+$0x870]  }
0x8c: {  	v43 =	vld [tilespmem:s29+$0xC00]  }
0x8d: {  	v42 =	vld [tilespmem:s29+$0xC10]  }
0x8e: {  	v1 =	vshrl.u32 v1, $0x10;
	v41 =	vld [tilespmem:s29+$0xC20]  }
0x8f: {  	v2 =	vshrl.u32 v2, $0x10;
	v1 =	vand.u32 $0x7FFF, v1;
	v36 =	vld [tilespmem:s29+$0xC30]  }
0x90: {  	v5 =	vshrl.u32 v5, $0x10;
	v2 =	vand.u32 $0x7FFF, v2;
	v37 =	vld [tilespmem:s29+$0xC40]  }
0x91: {  	v6 =	vshrl.u32 v6, $0x10;
	v5 =	vand.u32 $0x7FFF, v5;
	v38 =	vld [tilespmem:s29+$0xC50]  }
0x92: {  	v63 =	vshrl.u32 v40, $0x10;
	v6 =	vand.u32 $0x7FFF, v6;
	v39 =	vld [tilespmem:s29+$0xC60]  }
0x93: {  	v44 =	vshrl.u32 v44, $0x10;
	v63 =	vand.u32 $0x7FFF, v63;
	v40 =	vld [tilespmem:s29+$0xC70]  }
0x94: {  	v45 =	vshrl.u32 v45, $0x10;
	[tilespmem:v1+s16+$0x0] =	vst.idx.add.s32.msk $0xffff, v3;
	v1 =	vand.u32 $0x7FFF, v44  }
0x95: {  	v44 =	vshrl.u32 v46, $0x10;
	[tilespmem:v2+s16+$0x0] =	vst.idx.add.s32.msk $0xffff, v3;
	v2 =	vand.u32 $0x7FFF, v45  }
0x96: {  	v45 =	vshrl.u32 v47, $0x10;
	[tilespmem:v5+s16+$0x0] =	vst.idx.add.s32.msk $0xffff, v3;
	v5 =	vand.u32 $0x7FFF, v44  }
0x97: {  	v44 =	vshrl.u32 v48, $0x10;
	[tilespmem:v6+s16+$0x0] =	vst.idx.add.s32.msk $0xffff, v3;
	v6 =	vand.u32 $0x7FFF, v45  }
0x98: {  	v45 =	vshrl.u32 v49, $0x10;
	v44 =	vand.u32 $0x7FFF, v44;
	[tilespmem:v63+s16+$0x0] =	vst.idx.add.s32.msk $0xffff, v3  }
0x99: {  	v46 =	vshrl.u32 v50, $0x10;
	[tilespmem:v1+s16+$0x0] =	vst.idx.add.s32.msk $0xffff, v3;
	v1 =	vand.u32 $0x7FFF, v45  }
0x9a: {  	v45 =	vshrl.u32 v51, $0x10;
	[tilespmem:v2+s16+$0x0] =	vst.idx.add.s32.msk $0xffff, v3;
	v2 =	vand.u32 $0x7FFF, v46  }
0x9b: {  	v46 =	vshrl.u32 v52, $0x10;
	[tilespmem:v5+s16+$0x0] =	vst.idx.add.s32.msk $0xffff, v3;
	v5 =	vand.u32 $0x7FFF, v45  }
0x9c: {  	v45 =	vshrl.u32 v53, $0x10;
	[tilespmem:v6+s16+$0x0] =	vst.idx.add.s32.msk $0xffff, v3;
	v6 =	vand.u32 $0x7FFF, v46  }
0x9d: {  	v46 =	vshrl.u32 v54, $0x10;
	[tilespmem:v44+s16+$0x0] =	vst.idx.add.s32.msk $0xffff, v3;
	v44 =	vand.u32 $0x7FFF, v45  }
0x9e: {  	v45 =	vshrl.u32 v55, $0x10;
	[tilespmem:v1+s16+$0x0] =	vst.idx.add.s32.msk $0xffff, v3;
	v1 =	vand.u32 $0x7FFF, v46  }
0x9f: {  	v46 =	vshrl.u32 v56, $0x10;
	[tilespmem:v2+s16+$0x0] =	vst.idx.add.s32.msk $0xffff, v3;
	v2 =	vand.u32 $0x7FFF, v45  }
0xa0: {  	v45 =	vshrl.u32 v57, $0x10;
	[tilespmem:v5+s16+$0x0] =	vst.idx.add.s32.msk $0xffff, v3;
	v5 =	vand.u32 $0x7FFF, v46  }
.Ltmp1:
0xa1: {  	v46 =	vshrl.u32 v58, $0x10;
	v48 =	vand.u32 $0x7FFF, v45;
	[tilespmem:v6+s16+$0x0] =	vst.idx.add.s32.msk $0xffff, v3;
	(pc) =	sbr.rel @p1 .LBB2_5-.Ltmp1, $4  }
0xa2: {  	v6 =	vshrl.u32 v59, $0x10;
	[tilespmem:v44+s16+$0x0] =	vst.idx.add.s32.msk $0xffff, v3;
	v44 =	vand.u32 $0x7FFF, v46  }
0xa3: {  	v46 =	vshrl.u32 v60, $0x10;
	v45 =	vand.u32 $0x7FFF, v6;
	[tilespmem:v1+s16+$0x0] =	vst.idx.add.s32.msk $0xffff, v3  }
0xa4: {  	v1 =	vshrl.u32 v61, $0x10;
	v46 =	vand.u32 $0x7FFF, v46;
	[tilespmem:v2+s16+$0x0] =	vst.idx.add.s32.msk $0xffff, v3  }
0xa5: {  	s26 =	sadd.s32 $0x200, s26;
	v49 =	vshrl.u32 v62, $0x10;
	v47 =	vand.u32 $0x7FFF, v1;
	[tilespmem:v5+s16+$0x0] =	vst.idx.add.s32.msk $0xffff, v3  }
0xa6: {  	_ =	sdelay $0x3  }
0xa7: {  	v1 =	vshrl.u32 v43, $0x10;
	[tilespmem:v48+s16+$0x0] =	vst.idx.add.s32.msk $0xffff, v3;
	v2 =	vand.u32 $0x7FFF, v49  }
0xa8: {  	v5 =	vshrl.u32 v42, $0x10;
	[tilespmem:v44+s16+$0x0] =	vst.idx.add.s32.msk $0xffff, v3;
	v1 =	vand.u32 $0x7FFF, v1  }
0xa9: {  	v6 =	vshrl.u32 v41, $0x10;
	v5 =	vand.u32 $0x7FFF, v5;
	[tilespmem:v45+s16+$0x0] =	vst.idx.add.s32.msk $0xffff, v3  }
0xaa: {  	v36 =	vshrl.u32 v36, $0x10;
	v6 =	vand.u32 $0x7FFF, v6;
	[tilespmem:v46+s16+$0x0] =	vst.idx.add.s32.msk $0xffff, v3  }
0xab: {  	v37 =	vshrl.u32 v37, $0x10;
	v36 =	vand.u32 $0x7FFF, v36;
	[tilespmem:v47+s16+$0x0] =	vst.idx.add.s32.msk $0xffff, v3  }
0xac: {  	v38 =	vshrl.u32 v38, $0x10;
	[tilespmem:v2+s16+$0x0] =	vst.idx.add.s32.msk $0xffff, v3;
	v2 =	vand.u32 $0x7FFF, v37  }
0xad: {  	v55 =	vshrl.u32 v39, $0x10;
	[tilespmem:v1+s16+$0x0] =	vst.idx.add.s32.msk $0xffff, v3;
	v1 =	vand.u32 $0x7FFF, v38  }
0xae: {  	v56 =	vshrl.u32 v40, $0x10;
	[tilespmem:v5+s16+$0x0] =	vst.idx.add.s32.msk $0xffff, v3;
	v5 =	vand.u32 $0x7FFF, v55  }
0xaf: {  	[tilespmem:v6+s16+$0x0] =	vst.idx.add.s32.msk $0xffff, v3;
	v6 =	vand.u32 $0x7FFF, v56  }
0xb0: {  	[tilespmem:v36+s16+$0x0] =	vst.idx.add.s32.msk $0xffff, v3  }
0xb1: {  	[tilespmem:v2+s16+$0x0] =	vst.idx.add.s32.msk $0xffff, v3  }
0xb2: {  	[tilespmem:v1+s16+$0x0] =	vst.idx.add.s32.msk $0xffff, v3  }
0xb3: {  	[tilespmem:v5+s16+$0x0] =	vst.idx.add.s32.msk $0xffff, v3  }
0xb4: {  	[tilespmem:v6+s16+$0x0] =	vst.idx.add.s32.msk $0xffff, v3  }
0xb5: {  	v1 =	vld [tilespmem:$0xA000];
	_ =	sdelay $0x1  }
0xb6: {  	s26 =	smul.u32 $0x28, s23;
	_ =	sdelay $0x1  }
0xb7: {  	v36 =	vmov s26  }
0xb8: {  	v2 =	vsub.s32 v1, v36  }
0xb9: {  	s28 =	sadd.s32 $0x28, s26;
	vm0 =	vge.s32 v1, s26;
	v5 =	vshll.u32 v1, $0x7;
	v2 =	vshll.u32 v2, $0x9  }
0xba: {  	vm1 =	vlt.s32 v1, s28;
	v1 =	vand.u32 $0xFFFFF000, v2;
	v2 =	vand.u32 $0x380, v5  }
0xbb: {  	vm0 =	vmand vm0, vm1;
	v1 =	vor.u32 v1, v2;
	v2 =	vlaneseq.u32  }
0xbc: {  	v1 =	vor.u32 v2, v1;
	_ =	sdelay $0x4  }
0xbd: {  	v1 =	vld.idx.msk [tilespmem:v1+s25+$0x0], vm0;
	_ =	sdelay $0x4  }
0xbe: {  	v2 =	vand.u32 $0x7FFFFFFF, v1  }
0xbf: {  	v2 =	vshrl.u32 v2, $0x10;
	_ =	sdelay $0x4  }
0xc0: {  	[tilespmem:v2+s16+$0x0] =	vst.idx.add.s32.msk vm0, v4  }
0xc1: {  	v2 =	vld [tilespmem:$0xA010];
	_ =	sdelay $0x4  }
0xc2: {  	v5 =	vsub.s32 v2, v36  }
0xc3: {  	vm15 =	vge.s32 v2, s26;
	v57 =	vshll.u32 v2, $0x7;
	v5 =	vshll.u32 v5, $0x9  }
0xc4: {  	vm2 =	vlt.s32 v2, s28;
	v2 =	vand.u32 $0xFFFFF000, v5;
	v5 =	vand.u32 $0x380, v57  }
0xc5: {  	v2 =	vor.u32 v2, v5;
	v5 =	vld [tilespmem:$0x1FFE0];
	_ =	sdelay $0x1  }
0xc6: {  	v6 =	vld [tilespmem:$0x12200]  }
0xc7: {  	v1 =	vadd.f32 $-1.000000000e+00, v1  }
0xc8: {  	vm1 =	vmand vm15, vm2  }
0xc9: {  	v1 =	vand.u32 $0x7FFFFFFF, v1;
	v2 =	vor.u32 v5, v2  }
0xca: {  	v1 =	vnsel vm0, $0x0, v1  }
0xcb: {  	v1 =	vadd.f32 v1, v6;
	_ =	sdelay $0x1  }
0xcc: {  	[tilespmem:$0x12200] =	vst v1  }
0xcd: {  	v1 =	vld.idx.msk [tilespmem:v2+s25+$0x0], vm1;
	_ =	sdelay $0x4  }
0xce: {  	v2 =	vand.u32 $0x7FFFFFFF, v1  }
0xcf: {  	v2 =	vshrl.u32 v2, $0x10;
	_ =	sdelay $0x4  }
0xd0: {  	[tilespmem:v2+s16+$0x0] =	vst.idx.add.s32.msk vm1, v4  }
0xd1: {  	v2 =	vld [tilespmem:$0xA020];
	_ =	sdelay $0x4  }
0xd2: {  	v5 =	vsub.s32 v2, v36  }
0xd3: {  	vm4 =	vge.s32 v2, s26;
	v58 =	vshll.u32 v2, $0x7;
	v5 =	vshll.u32 v5, $0x9  }
0xd4: {  	vm5 =	vlt.s32 v2, s28;
	v2 =	vand.u32 $0xFFFFF000, v5;
	v5 =	vand.u32 $0x380, v58  }
0xd5: {  	v2 =	vor.u32 v2, v5;
	v5 =	vld [tilespmem:$0x1FFF0];
	_ =	sdelay $0x1  }
0xd6: {  	v6 =	vld [tilespmem:$0x12200]  }
0xd7: {  	v1 =	vadd.f32 $-1.000000000e+00, v1  }
0xd8: {  	vm0 =	vmand vm4, vm5  }
0xd9: {  	v1 =	vand.u32 $0x7FFFFFFF, v1;
	v2 =	vor.u32 v5, v2  }
0xda: {  	v1 =	vnsel vm1, $0x0, v1  }
0xdb: {  	v1 =	vadd.f32 v1, v6;
	_ =	sdelay $0x1  }
0xdc: {  	[tilespmem:$0x12200] =	vst v1  }
0xdd: {  	v1 =	vld.idx.msk [tilespmem:v2+s25+$0x0], vm0;
	_ =	sdelay $0x4  }
0xde: {  	v2 =	vand.u32 $0x7FFFFFFF, v1  }
0xdf: {  	v2 =	vshrl.u32 v2, $0x10;
	_ =	sdelay $0x4  }
0xe0: {  	[tilespmem:v2+s16+$0x0] =	vst.idx.add.s32.msk vm0, v4  }
0xe1: {  	v2 =	vld [tilespmem:$0xA030];
	_ =	sdelay $0x4  }
0xe2: {  	v1 =	vadd.f32 $-1.000000000e+00, v1;
	v5 =	vsub.s32 v2, v36  }
0xe3: {  	v6 =	vld [tilespmem:$0x12200];
	vm6 =	vge.s32 v2, s26;
	v59 =	vshll.u32 v2, $0x7;
	v5 =	vshll.u32 v5, $0x9  }
0xe4: {  	vm7 =	vlt.s32 v2, s28;
	v2 =	vand.u32 $0xFFFFF000, v5;
	v5 =	vand.u32 $0x380, v59  }
0xe5: {  	vm1 =	vmand vm6, vm7;
	v2 =	vor.u32 v2, v5  }
0xe6: {  	v1 =	vand.u32 $0x7FFFFFFF, v1;
	v2 =	vor.u32 v7, v2  }
0xe7: {  	v1 =	vnsel vm0, $0x0, v1  }
0xe8: {  	v1 =	vadd.f32 v1, v6;
	_ =	sdelay $0x1  }
0xe9: {  	[tilespmem:$0x12200] =	vst v1  }
0xea: {  	v1 =	vld.idx.msk [tilespmem:v2+s25+$0x0], vm1;
	_ =	sdelay $0x4  }
0xeb: {  	v2 =	vand.u32 $0x7FFFFFFF, v1  }
0xec: {  	v2 =	vshrl.u32 v2, $0x10;
	_ =	sdelay $0x4  }
0xed: {  	[tilespmem:v2+s16+$0x0] =	vst.idx.add.s32.msk vm1, v4  }
0xee: {  	v2 =	vld [tilespmem:$0xA040];
	_ =	sdelay $0x4  }
0xef: {  	v1 =	vadd.f32 $-1.000000000e+00, v1;
	v5 =	vsub.s32 v2, v36  }
0xf0: {  	v6 =	vld [tilespmem:$0x12200];
	vm8 =	vge.s32 v2, s26;
	v60 =	vshll.u32 v2, $0x7;
	v5 =	vshll.u32 v5, $0x9  }
0xf1: {  	vm9 =	vlt.s32 v2, s28;
	v2 =	vand.u32 $0xFFFFF000, v5;
	v5 =	vand.u32 $0x380, v60  }
0xf2: {  	vm0 =	vmand vm8, vm9;
	v2 =	vor.u32 v2, v5  }
0xf3: {  	v1 =	vand.u32 $0x7FFFFFFF, v1;
	v2 =	vor.u32 v8, v2  }
0xf4: {  	v1 =	vnsel vm1, $0x0, v1  }
0xf5: {  	v1 =	vadd.f32 v1, v6;
	_ =	sdelay $0x1  }
0xf6: {  	[tilespmem:$0x12200] =	vst v1  }
0xf7: {  	v1 =	vld.idx.msk [tilespmem:v2+s25+$0x0], vm0;
	_ =	sdelay $0x4  }
0xf8: {  	v2 =	vand.u32 $0x7FFFFFFF, v1  }
0xf9: {  	v2 =	vshrl.u32 v2, $0x10;
	_ =	sdelay $0x4  }
0xfa: {  	[tilespmem:v2+s16+$0x0] =	vst.idx.add.s32.msk vm0, v4  }
0xfb: {  	v2 =	vld [tilespmem:$0xA050];
	_ =	sdelay $0x4  }
0xfc: {  	v1 =	vadd.f32 $-1.000000000e+00, v1;
	v5 =	vsub.s32 v2, v36  }
0xfd: {  	v6 =	vld [tilespmem:$0x12200];
	vm10 =	vge.s32 v2, s26;
	v61 =	vshll.u32 v2, $0x7;
	v5 =	vshll.u32 v5, $0x9  }
0xfe: {  	vm11 =	vlt.s32 v2, s28;
	v2 =	vand.u32 $0xFFFFF000, v5;
	v5 =	vand.u32 $0x380, v61  }
0xff: {  	vm1 =	vmand vm10, vm11;
	v2 =	vor.u32 v2, v5  }
0x100: {  	v1 =	vand.u32 $0x7FFFFFFF, v1;
	v2 =	vor.u32 v9, v2  }
0x101: {  	v1 =	vnsel vm0, $0x0, v1  }
0x102: {  	v1 =	vadd.f32 v1, v6;
	_ =	sdelay $0x1  }
0x103: {  	[tilespmem:$0x12200] =	vst v1  }
0x104: {  	v1 =	vld.idx.msk [tilespmem:v2+s25+$0x0], vm1;
	_ =	sdelay $0x4  }
0x105: {  	v2 =	vand.u32 $0x7FFFFFFF, v1  }
0x106: {  	v2 =	vshrl.u32 v2, $0x10;
	_ =	sdelay $0x4  }
0x107: {  	[tilespmem:v2+s16+$0x0] =	vst.idx.add.s32.msk vm1, v4  }
0x108: {  	v2 =	vld [tilespmem:$0xA060];
	_ =	sdelay $0x4  }
0x109: {  	v1 =	vadd.f32 $-1.000000000e+00, v1;
	v5 =	vsub.s32 v2, v36  }
0x10a: {  	v6 =	vld [tilespmem:$0x12200];
	vm12 =	vge.s32 v2, s26;
	v62 =	vshll.u32 v2, $0x7;
	v5 =	vshll.u32 v5, $0x9  }
0x10b: {  	vm13 =	vlt.s32 v2, s28;
	v2 =	vand.u32 $0xFFFFF000, v5;
	v5 =	vand.u32 $0x380, v62  }
0x10c: {  	vm0 =	vmand vm12, vm13;
	v2 =	vor.u32 v2, v5  }
0x10d: {  	v1 =	vand.u32 $0x7FFFFFFF, v1;
	v2 =	vor.u32 v10, v2  }
0x10e: {  	v1 =	vnsel vm1, $0x0, v1  }
0x10f: {  	v1 =	vadd.f32 v1, v6;
	_ =	sdelay $0x1  }
0x110: {  	[tilespmem:$0x12200] =	vst v1  }
0x111: {  	v1 =	vld.idx.msk [tilespmem:v2+s25+$0x0], vm0;
	_ =	sdelay $0x4  }
0x112: {  	v2 =	vand.u32 $0x7FFFFFFF, v1  }
0x113: {  	v2 =	vshrl.u32 v2, $0x10;
	_ =	sdelay $0x4  }
0x114: {  	[tilespmem:v2+s16+$0x0] =	vst.idx.add.s32.msk vm0, v4  }
0x115: {  	v2 =	vld [tilespmem:$0xA070];
	_ =	sdelay $0x4  }
0x116: {  	v1 =	vadd.f32 $-1.000000000e+00, v1;
	v5 =	vsub.s32 v2, v36  }
0x117: {  	v6 =	vld [tilespmem:$0x12200];
	vm14 =	vge.s32 v2, s26;
	v63 =	vshll.u32 v2, $0x7;
	v5 =	vshll.u32 v5, $0x9  }
0x118: {  	vm15 =	vlt.s32 v2, s28;
	v2 =	vand.u32 $0xFFFFF000, v5;
	v5 =	vand.u32 $0x380, v63  }
0x119: {  	vm1 =	vmand vm14, vm15;
	v2 =	vor.u32 v2, v5  }
0x11a: {  	v1 =	vand.u32 $0x7FFFFFFF, v1;
	v2 =	vor.u32 v11, v2  }
0x11b: {  	v1 =	vnsel vm0, $0x0, v1  }
0x11c: {  	v1 =	vadd.f32 v1, v6;
	_ =	sdelay $0x1  }
0x11d: {  	[tilespmem:$0x12200] =	vst v1  }
0x11e: {  	v1 =	vld.idx.msk [tilespmem:v2+s25+$0x0], vm1;
	_ =	sdelay $0x4  }
0x11f: {  	v2 =	vand.u32 $0x7FFFFFFF, v1  }
0x120: {  	v2 =	vshrl.u32 v2, $0x10;
	_ =	sdelay $0x4  }
0x121: {  	[tilespmem:v2+s16+$0x0] =	vst.idx.add.s32.msk vm1, v4  }
0x122: {  	v2 =	vld [tilespmem:$0xA080];
	_ =	sdelay $0x4  }
0x123: {  	v1 =	vadd.f32 $-1.000000000e+00, v1;
	v5 =	vsub.s32 v2, v36  }
0x124: {  	v6 =	vld [tilespmem:$0x12200];
	vm4 =	vge.s32 v2, s26;
	v40 =	vshll.u32 v2, $0x7;
	v5 =	vshll.u32 v5, $0x9  }
0x125: {  	vm5 =	vlt.s32 v2, s28;
	v2 =	vand.u32 $0xFFFFF000, v5;
	v5 =	vand.u32 $0x380, v40  }
0x126: {  	vm0 =	vmand vm4, vm5;
	v2 =	vor.u32 v2, v5  }
0x127: {  	v1 =	vand.u32 $0x7FFFFFFF, v1;
	v2 =	vor.u32 v12, v2  }
0x128: {  	v1 =	vnsel vm1, $0x0, v1  }
0x129: {  	v1 =	vadd.f32 v1, v6;
	_ =	sdelay $0x1  }
0x12a: {  	[tilespmem:$0x12200] =	vst v1  }
0x12b: {  	v1 =	vld.idx.msk [tilespmem:v2+s25+$0x0], vm0;
	_ =	sdelay $0x4  }
0x12c: {  	v2 =	vand.u32 $0x7FFFFFFF, v1  }
0x12d: {  	v2 =	vshrl.u32 v2, $0x10;
	_ =	sdelay $0x4  }
0x12e: {  	[tilespmem:v2+s16+$0x0] =	vst.idx.add.s32.msk vm0, v4  }
0x12f: {  	v2 =	vld [tilespmem:$0xA090];
	_ =	sdelay $0x4  }
0x130: {  	v1 =	vadd.f32 $-1.000000000e+00, v1;
	v5 =	vsub.s32 v2, v36  }
0x131: {  	v6 =	vld [tilespmem:$0x12200];
	vm6 =	vge.s32 v2, s26;
	v41 =	vshll.u32 v2, $0x7;
	v5 =	vshll.u32 v5, $0x9  }
0x132: {  	vm7 =	vlt.s32 v2, s28;
	v2 =	vand.u32 $0xFFFFF000, v5;
	v5 =	vand.u32 $0x380, v41  }
0x133: {  	vm1 =	vmand vm6, vm7;
	v2 =	vor.u32 v2, v5  }
0x134: {  	v1 =	vand.u32 $0x7FFFFFFF, v1;
	v2 =	vor.u32 v13, v2  }
0x135: {  	v1 =	vnsel vm0, $0x0, v1  }
0x136: {  	v1 =	vadd.f32 v1, v6;
	_ =	sdelay $0x1  }
0x137: {  	[tilespmem:$0x12200] =	vst v1  }
0x138: {  	v1 =	vld.idx.msk [tilespmem:v2+s25+$0x0], vm1;
	_ =	sdelay $0x4  }
0x139: {  	v2 =	vand.u32 $0x7FFFFFFF, v1  }
0x13a: {  	v2 =	vshrl.u32 v2, $0x10;
	_ =	sdelay $0x4  }
0x13b: {  	[tilespmem:v2+s16+$0x0] =	vst.idx.add.s32.msk vm1, v4  }
0x13c: {  	v2 =	vld [tilespmem:$0xA0A0];
	_ =	sdelay $0x4  }
0x13d: {  	v1 =	vadd.f32 $-1.000000000e+00, v1;
	v5 =	vsub.s32 v2, v36  }
0x13e: {  	v6 =	vld [tilespmem:$0x12200];
	vm8 =	vge.s32 v2, s26;
	v42 =	vshll.u32 v2, $0x7;
	v5 =	vshll.u32 v5, $0x9  }
0x13f: {  	vm9 =	vlt.s32 v2, s28;
	v2 =	vand.u32 $0xFFFFF000, v5;
	v5 =	vand.u32 $0x380, v42  }
0x140: {  	vm0 =	vmand vm8, vm9;
	v2 =	vor.u32 v2, v5  }
0x141: {  	v1 =	vand.u32 $0x7FFFFFFF, v1;
	v2 =	vor.u32 v14, v2  }
0x142: {  	v1 =	vnsel vm1, $0x0, v1  }
0x143: {  	v1 =	vadd.f32 v1, v6;
	_ =	sdelay $0x1  }
0x144: {  	[tilespmem:$0x12200] =	vst v1  }
0x145: {  	v1 =	vld.idx.msk [tilespmem:v2+s25+$0x0], vm0;
	_ =	sdelay $0x4  }
0x146: {  	v2 =	vand.u32 $0x7FFFFFFF, v1  }
0x147: {  	v2 =	vshrl.u32 v2, $0x10;
	_ =	sdelay $0x4  }
0x148: {  	[tilespmem:v2+s16+$0x0] =	vst.idx.add.s32.msk vm0, v4  }
0x149: {  	v2 =	vld [tilespmem:$0xA0B0];
	_ =	sdelay $0x4  }
0x14a: {  	v1 =	vadd.f32 $-1.000000000e+00, v1;
	v5 =	vsub.s32 v2, v36  }
0x14b: {  	v6 =	vld [tilespmem:$0x12200];
	vm10 =	vge.s32 v2, s26;
	v43 =	vshll.u32 v2, $0x7;
	v5 =	vshll.u32 v5, $0x9  }
0x14c: {  	vm11 =	vlt.s32 v2, s28;
	v2 =	vand.u32 $0xFFFFF000, v5;
	v5 =	vand.u32 $0x380, v43  }
0x14d: {  	vm1 =	vmand vm10, vm11;
	v2 =	vor.u32 v2, v5  }
0x14e: {  	v1 =	vand.u32 $0x7FFFFFFF, v1;
	v2 =	vor.u32 v15, v2  }
0x14f: {  	v1 =	vnsel vm0, $0x0, v1  }
0x150: {  	v1 =	vadd.f32 v1, v6;
	_ =	sdelay $0x1  }
0x151: {  	[tilespmem:$0x12200] =	vst v1  }
0x152: {  	v1 =	vld.idx.msk [tilespmem:v2+s25+$0x0], vm1;
	_ =	sdelay $0x4  }
0x153: {  	v2 =	vand.u32 $0x7FFFFFFF, v1  }
0x154: {  	v2 =	vshrl.u32 v2, $0x10;
	_ =	sdelay $0x4  }
0x155: {  	[tilespmem:v2+s16+$0x0] =	vst.idx.add.s32.msk vm1, v4  }
0x156: {  	v2 =	vld [tilespmem:$0xA0C0];
	_ =	sdelay $0x4  }
0x157: {  	v1 =	vadd.f32 $-1.000000000e+00, v1;
	v5 =	vsub.s32 v2, v36  }
0x158: {  	v6 =	vld [tilespmem:$0x12200];
	vm12 =	vge.s32 v2, s26;
	v44 =	vshll.u32 v2, $0x7;
	v5 =	vshll.u32 v5, $0x9  }
0x159: {  	vm13 =	vlt.s32 v2, s28;
	v2 =	vand.u32 $0xFFFFF000, v5;
	v5 =	vand.u32 $0x380, v44  }
0x15a: {  	vm0 =	vmand vm12, vm13;
	v2 =	vor.u32 v2, v5  }
0x15b: {  	v1 =	vand.u32 $0x7FFFFFFF, v1;
	v2 =	vor.u32 v16, v2  }
0x15c: {  	v1 =	vnsel vm1, $0x0, v1  }
0x15d: {  	v1 =	vadd.f32 v1, v6;
	_ =	sdelay $0x1  }
0x15e: {  	[tilespmem:$0x12200] =	vst v1  }
0x15f: {  	v1 =	vld.idx.msk [tilespmem:v2+s25+$0x0], vm0;
	_ =	sdelay $0x4  }
0x160: {  	v2 =	vand.u32 $0x7FFFFFFF, v1  }
0x161: {  	v2 =	vshrl.u32 v2, $0x10;
	_ =	sdelay $0x4  }
0x162: {  	[tilespmem:v2+s16+$0x0] =	vst.idx.add.s32.msk vm0, v4  }
0x163: {  	v2 =	vld [tilespmem:$0xA0D0];
	_ =	sdelay $0x4  }
0x164: {  	v1 =	vadd.f32 $-1.000000000e+00, v1;
	v5 =	vsub.s32 v2, v36  }
0x165: {  	v6 =	vld [tilespmem:$0x12200];
	vm14 =	vge.s32 v2, s26;
	v45 =	vshll.u32 v2, $0x7;
	v5 =	vshll.u32 v5, $0x9  }
0x166: {  	vm15 =	vlt.s32 v2, s28;
	v2 =	vand.u32 $0xFFFFF000, v5;
	v5 =	vand.u32 $0x380, v45  }
0x167: {  	vm1 =	vmand vm14, vm15;
	v2 =	vor.u32 v2, v5  }
0x168: {  	v1 =	vand.u32 $0x7FFFFFFF, v1;
	v2 =	vor.u32 v17, v2  }
0x169: {  	v1 =	vnsel vm0, $0x0, v1  }
0x16a: {  	v1 =	vadd.f32 v1, v6;
	_ =	sdelay $0x1  }
0x16b: {  	[tilespmem:$0x12200] =	vst v1  }
0x16c: {  	v1 =	vld.idx.msk [tilespmem:v2+s25+$0x0], vm1;
	_ =	sdelay $0x4  }
0x16d: {  	v2 =	vand.u32 $0x7FFFFFFF, v1  }
0x16e: {  	v2 =	vshrl.u32 v2, $0x10;
	_ =	sdelay $0x4  }
0x16f: {  	[tilespmem:v2+s16+$0x0] =	vst.idx.add.s32.msk vm1, v4  }
0x170: {  	v2 =	vld [tilespmem:$0xA0E0];
	_ =	sdelay $0x4  }
0x171: {  	v1 =	vadd.f32 $-1.000000000e+00, v1;
	v5 =	vsub.s32 v2, v36  }
0x172: {  	v6 =	vld [tilespmem:$0x12200];
	vm4 =	vge.s32 v2, s26;
	v46 =	vshll.u32 v2, $0x7;
	v5 =	vshll.u32 v5, $0x9  }
0x173: {  	vm5 =	vlt.s32 v2, s28;
	v2 =	vand.u32 $0xFFFFF000, v5;
	v5 =	vand.u32 $0x380, v46  }
0x174: {  	vm0 =	vmand vm4, vm5;
	v2 =	vor.u32 v2, v5  }
0x175: {  	v1 =	vand.u32 $0x7FFFFFFF, v1;
	v2 =	vor.u32 v18, v2  }
0x176: {  	v1 =	vnsel vm1, $0x0, v1  }
0x177: {  	v1 =	vadd.f32 v1, v6;
	_ =	sdelay $0x1  }
0x178: {  	[tilespmem:$0x12200] =	vst v1  }
0x179: {  	v1 =	vld.idx.msk [tilespmem:v2+s25+$0x0], vm0;
	_ =	sdelay $0x4  }
0x17a: {  	v2 =	vand.u32 $0x7FFFFFFF, v1  }
0x17b: {  	v2 =	vshrl.u32 v2, $0x10;
	_ =	sdelay $0x4  }
0x17c: {  	[tilespmem:v2+s16+$0x0] =	vst.idx.add.s32.msk vm0, v4  }
0x17d: {  	v2 =	vld [tilespmem:$0xA0F0];
	_ =	sdelay $0x4  }
0x17e: {  	v1 =	vadd.f32 $-1.000000000e+00, v1;
	v5 =	vsub.s32 v2, v36  }
0x17f: {  	v6 =	vld [tilespmem:$0x12200];
	vm6 =	vge.s32 v2, s26;
	v47 =	vshll.u32 v2, $0x7;
	v5 =	vshll.u32 v5, $0x9  }
0x180: {  	vm7 =	vlt.s32 v2, s28;
	v2 =	vand.u32 $0xFFFFF000, v5;
	v5 =	vand.u32 $0x380, v47  }
0x181: {  	vm1 =	vmand vm6, vm7;
	v2 =	vor.u32 v2, v5  }
0x182: {  	v1 =	vand.u32 $0x7FFFFFFF, v1;
	v2 =	vor.u32 v19, v2  }
0x183: {  	v1 =	vnsel vm0, $0x0, v1  }
0x184: {  	v1 =	vadd.f32 v1, v6;
	_ =	sdelay $0x1  }
0x185: {  	[tilespmem:$0x12200] =	vst v1  }
0x186: {  	v1 =	vld.idx.msk [tilespmem:v2+s25+$0x0], vm1;
	_ =	sdelay $0x4  }
0x187: {  	v2 =	vand.u32 $0x7FFFFFFF, v1  }
0x188: {  	v2 =	vshrl.u32 v2, $0x10;
	_ =	sdelay $0x4  }
0x189: {  	[tilespmem:v2+s16+$0x0] =	vst.idx.add.s32.msk vm1, v4  }
0x18a: {  	v2 =	vld [tilespmem:$0xA100];
	_ =	sdelay $0x4  }
0x18b: {  	v1 =	vadd.f32 $-1.000000000e+00, v1;
	v5 =	vsub.s32 v2, v36  }
0x18c: {  	v6 =	vld [tilespmem:$0x12200];
	vm8 =	vge.s32 v2, s26;
	v48 =	vshll.u32 v2, $0x7;
	v5 =	vshll.u32 v5, $0x9  }
0x18d: {  	vm9 =	vlt.s32 v2, s28;
	v2 =	vand.u32 $0xFFFFF000, v5;
	v5 =	vand.u32 $0x380, v48  }
0x18e: {  	vm0 =	vmand vm8, vm9;
	v2 =	vor.u32 v2, v5  }
0x18f: {  	v1 =	vand.u32 $0x7FFFFFFF, v1;
	v2 =	vor.u32 v20, v2  }
0x190: {  	v1 =	vnsel vm1, $0x0, v1  }
0x191: {  	v1 =	vadd.f32 v1, v6;
	_ =	sdelay $0x1  }
0x192: {  	[tilespmem:$0x12200] =	vst v1  }
0x193: {  	v1 =	vld.idx.msk [tilespmem:v2+s25+$0x0], vm0;
	_ =	sdelay $0x4  }
0x194: {  	v2 =	vand.u32 $0x7FFFFFFF, v1  }
0x195: {  	v2 =	vshrl.u32 v2, $0x10;
	_ =	sdelay $0x4  }
0x196: {  	[tilespmem:v2+s16+$0x0] =	vst.idx.add.s32.msk vm0, v4  }
0x197: {  	v2 =	vld [tilespmem:$0xA110];
	_ =	sdelay $0x4  }
0x198: {  	v1 =	vadd.f32 $-1.000000000e+00, v1;
	v5 =	vsub.s32 v2, v36  }
0x199: {  	v6 =	vld [tilespmem:$0x12200];
	vm10 =	vge.s32 v2, s26;
	v49 =	vshll.u32 v2, $0x7;
	v5 =	vshll.u32 v5, $0x9  }
0x19a: {  	vm11 =	vlt.s32 v2, s28;
	v2 =	vand.u32 $0xFFFFF000, v5;
	v5 =	vand.u32 $0x380, v49  }
0x19b: {  	vm1 =	vmand vm10, vm11;
	v2 =	vor.u32 v2, v5  }
0x19c: {  	v1 =	vand.u32 $0x7FFFFFFF, v1;
	v2 =	vor.u32 v21, v2  }
0x19d: {  	v1 =	vnsel vm0, $0x0, v1  }
0x19e: {  	v1 =	vadd.f32 v1, v6;
	_ =	sdelay $0x1  }
0x19f: {  	[tilespmem:$0x12200] =	vst v1  }
0x1a0: {  	v1 =	vld.idx.msk [tilespmem:v2+s25+$0x0], vm1;
	_ =	sdelay $0x4  }
0x1a1: {  	v2 =	vand.u32 $0x7FFFFFFF, v1  }
0x1a2: {  	v2 =	vshrl.u32 v2, $0x10;
	_ =	sdelay $0x4  }
0x1a3: {  	[tilespmem:v2+s16+$0x0] =	vst.idx.add.s32.msk vm1, v4  }
0x1a4: {  	v2 =	vld [tilespmem:$0xA120];
	_ =	sdelay $0x4  }
0x1a5: {  	v1 =	vadd.f32 $-1.000000000e+00, v1;
	v5 =	vsub.s32 v2, v36  }
0x1a6: {  	v6 =	vld [tilespmem:$0x12200];
	vm12 =	vge.s32 v2, s26;
	v50 =	vshll.u32 v2, $0x7;
	v5 =	vshll.u32 v5, $0x9  }
0x1a7: {  	vm13 =	vlt.s32 v2, s28;
	v2 =	vand.u32 $0xFFFFF000, v5;
	v5 =	vand.u32 $0x380, v50  }
0x1a8: {  	vm0 =	vmand vm12, vm13;
	v2 =	vor.u32 v2, v5  }
0x1a9: {  	v1 =	vand.u32 $0x7FFFFFFF, v1;
	v2 =	vor.u32 v22, v2  }
0x1aa: {  	v1 =	vnsel vm1, $0x0, v1  }
0x1ab: {  	v1 =	vadd.f32 v1, v6;
	_ =	sdelay $0x1  }
0x1ac: {  	[tilespmem:$0x12200] =	vst v1  }
0x1ad: {  	v1 =	vld.idx.msk [tilespmem:v2+s25+$0x0], vm0;
	_ =	sdelay $0x4  }
0x1ae: {  	v2 =	vand.u32 $0x7FFFFFFF, v1  }
0x1af: {  	v2 =	vshrl.u32 v2, $0x10;
	_ =	sdelay $0x4  }
0x1b0: {  	[tilespmem:v2+s16+$0x0] =	vst.idx.add.s32.msk vm0, v4  }
0x1b1: {  	v2 =	vld [tilespmem:$0xA130];
	_ =	sdelay $0x4  }
0x1b2: {  	v1 =	vadd.f32 $-1.000000000e+00, v1;
	v5 =	vsub.s32 v2, v36  }
0x1b3: {  	v6 =	vld [tilespmem:$0x12200];
	vm14 =	vge.s32 v2, s26;
	v51 =	vshll.u32 v2, $0x7;
	v5 =	vshll.u32 v5, $0x9  }
0x1b4: {  	vm15 =	vlt.s32 v2, s28;
	v2 =	vand.u32 $0xFFFFF000, v5;
	v5 =	vand.u32 $0x380, v51  }
0x1b5: {  	vm1 =	vmand vm14, vm15;
	v2 =	vor.u32 v2, v5  }
0x1b6: {  	v1 =	vand.u32 $0x7FFFFFFF, v1;
	v2 =	vor.u32 v23, v2  }
0x1b7: {  	v1 =	vnsel vm0, $0x0, v1  }
0x1b8: {  	v1 =	vadd.f32 v1, v6;
	_ =	sdelay $0x1  }
0x1b9: {  	[tilespmem:$0x12200] =	vst v1  }
0x1ba: {  	v1 =	vld.idx.msk [tilespmem:v2+s25+$0x0], vm1;
	_ =	sdelay $0x4  }
0x1bb: {  	v2 =	vand.u32 $0x7FFFFFFF, v1  }
0x1bc: {  	v2 =	vshrl.u32 v2, $0x10;
	_ =	sdelay $0x4  }
0x1bd: {  	[tilespmem:v2+s16+$0x0] =	vst.idx.add.s32.msk vm1, v4  }
0x1be: {  	v2 =	vld [tilespmem:$0xA140];
	_ =	sdelay $0x4  }
0x1bf: {  	v1 =	vadd.f32 $-1.000000000e+00, v1;
	v5 =	vsub.s32 v2, v36  }
0x1c0: {  	v6 =	vld [tilespmem:$0x12200];
	vm4 =	vge.s32 v2, s26;
	v52 =	vshll.u32 v2, $0x7;
	v5 =	vshll.u32 v5, $0x9  }
0x1c1: {  	vm5 =	vlt.s32 v2, s28;
	v2 =	vand.u32 $0xFFFFF000, v5;
	v5 =	vand.u32 $0x380, v52  }
0x1c2: {  	vm0 =	vmand vm4, vm5;
	v2 =	vor.u32 v2, v5  }
0x1c3: {  	v1 =	vand.u32 $0x7FFFFFFF, v1;
	v2 =	vor.u32 v24, v2  }
0x1c4: {  	v1 =	vnsel vm1, $0x0, v1  }
0x1c5: {  	v1 =	vadd.f32 v1, v6;
	_ =	sdelay $0x1  }
0x1c6: {  	[tilespmem:$0x12200] =	vst v1  }
0x1c7: {  	v1 =	vld.idx.msk [tilespmem:v2+s25+$0x0], vm0;
	_ =	sdelay $0x4  }
0x1c8: {  	v2 =	vand.u32 $0x7FFFFFFF, v1  }
0x1c9: {  	v2 =	vshrl.u32 v2, $0x10;
	_ =	sdelay $0x4  }
0x1ca: {  	[tilespmem:v2+s16+$0x0] =	vst.idx.add.s32.msk vm0, v4  }
0x1cb: {  	v2 =	vld [tilespmem:$0xA150];
	_ =	sdelay $0x4  }
0x1cc: {  	v1 =	vadd.f32 $-1.000000000e+00, v1;
	v5 =	vsub.s32 v2, v36  }
0x1cd: {  	v6 =	vld [tilespmem:$0x12200];
	vm6 =	vge.s32 v2, s26;
	v53 =	vshll.u32 v2, $0x7;
	v5 =	vshll.u32 v5, $0x9  }
0x1ce: {  	vm7 =	vlt.s32 v2, s28;
	v2 =	vand.u32 $0xFFFFF000, v5;
	v5 =	vand.u32 $0x380, v53  }
0x1cf: {  	vm1 =	vmand vm6, vm7;
	v2 =	vor.u32 v2, v5  }
0x1d0: {  	v1 =	vand.u32 $0x7FFFFFFF, v1;
	v2 =	vor.u32 v25, v2  }
0x1d1: {  	v1 =	vnsel vm0, $0x0, v1  }
0x1d2: {  	v1 =	vadd.f32 v1, v6;
	_ =	sdelay $0x1  }
0x1d3: {  	[tilespmem:$0x12200] =	vst v1  }
0x1d4: {  	v1 =	vld.idx.msk [tilespmem:v2+s25+$0x0], vm1;
	_ =	sdelay $0x4  }
0x1d5: {  	v2 =	vand.u32 $0x7FFFFFFF, v1  }
0x1d6: {  	v2 =	vshrl.u32 v2, $0x10;
	_ =	sdelay $0x4  }
0x1d7: {  	[tilespmem:v2+s16+$0x0] =	vst.idx.add.s32.msk vm1, v4  }
0x1d8: {  	v2 =	vld [tilespmem:$0xA160];
	_ =	sdelay $0x4  }
0x1d9: {  	v1 =	vadd.f32 $-1.000000000e+00, v1;
	v5 =	vsub.s32 v2, v36  }
0x1da: {  	v6 =	vld [tilespmem:$0x12200];
	vm8 =	vge.s32 v2, s26;
	v54 =	vshll.u32 v2, $0x7;
	v5 =	vshll.u32 v5, $0x9  }
0x1db: {  	vm9 =	vlt.s32 v2, s28;
	v2 =	vand.u32 $0xFFFFF000, v5;
	v5 =	vand.u32 $0x380, v54  }
0x1dc: {  	vm0 =	vmand vm8, vm9;
	v2 =	vor.u32 v2, v5  }
0x1dd: {  	v1 =	vand.u32 $0x7FFFFFFF, v1;
	v2 =	vor.u32 v26, v2  }
0x1de: {  	v1 =	vnsel vm1, $0x0, v1  }
0x1df: {  	v1 =	vadd.f32 v1, v6;
	_ =	sdelay $0x1  }
0x1e0: {  	[tilespmem:$0x12200] =	vst v1  }
0x1e1: {  	v1 =	vld.idx.msk [tilespmem:v2+s25+$0x0], vm0;
	_ =	sdelay $0x4  }
0x1e2: {  	v2 =	vand.u32 $0x7FFFFFFF, v1  }
0x1e3: {  	v2 =	vshrl.u32 v2, $0x10;
	_ =	sdelay $0x4  }
0x1e4: {  	[tilespmem:v2+s16+$0x0] =	vst.idx.add.s32.msk vm0, v4  }
0x1e5: {  	v2 =	vld [tilespmem:$0xA170];
	_ =	sdelay $0x4  }
0x1e6: {  	v1 =	vadd.f32 $-1.000000000e+00, v1;
	v5 =	vsub.s32 v2, v36  }
0x1e7: {  	v6 =	vld [tilespmem:$0x12200];
	vm10 =	vge.s32 v2, s26;
	v55 =	vshll.u32 v2, $0x7;
	v5 =	vshll.u32 v5, $0x9  }
0x1e8: {  	vm11 =	vlt.s32 v2, s28;
	v2 =	vand.u32 $0xFFFFF000, v5;
	v5 =	vand.u32 $0x380, v55  }
0x1e9: {  	vm1 =	vmand vm10, vm11;
	v2 =	vor.u32 v2, v5  }
0x1ea: {  	v1 =	vand.u32 $0x7FFFFFFF, v1;
	v2 =	vor.u32 v27, v2  }
0x1eb: {  	v1 =	vnsel vm0, $0x0, v1  }
0x1ec: {  	v1 =	vadd.f32 v1, v6;
	_ =	sdelay $0x1  }
0x1ed: {  	[tilespmem:$0x12200] =	vst v1  }
0x1ee: {  	v1 =	vld.idx.msk [tilespmem:v2+s25+$0x0], vm1;
	_ =	sdelay $0x4  }
0x1ef: {  	v2 =	vand.u32 $0x7FFFFFFF, v1  }
0x1f0: {  	v2 =	vshrl.u32 v2, $0x10;
	_ =	sdelay $0x4  }
0x1f1: {  	[tilespmem:v2+s16+$0x0] =	vst.idx.add.s32.msk vm1, v4  }
0x1f2: {  	v2 =	vld [tilespmem:$0xA180];
	_ =	sdelay $0x4  }
0x1f3: {  	v1 =	vadd.f32 $-1.000000000e+00, v1;
	v5 =	vsub.s32 v2, v36  }
0x1f4: {  	v6 =	vld [tilespmem:$0x12200];
	vm12 =	vge.s32 v2, s26;
	v56 =	vshll.u32 v2, $0x7;
	v5 =	vshll.u32 v5, $0x9  }
0x1f5: {  	vm13 =	vlt.s32 v2, s28;
	v2 =	vand.u32 $0xFFFFF000, v5;
	v5 =	vand.u32 $0x380, v56  }
0x1f6: {  	vm0 =	vmand vm12, vm13;
	v2 =	vor.u32 v2, v5  }
0x1f7: {  	v1 =	vand.u32 $0x7FFFFFFF, v1;
	v2 =	vor.u32 v28, v2  }
0x1f8: {  	v1 =	vnsel vm1, $0x0, v1  }
0x1f9: {  	v1 =	vadd.f32 v1, v6;
	_ =	sdelay $0x1  }
0x1fa: {  	[tilespmem:$0x12200] =	vst v1  }
0x1fb: {  	v1 =	vld.idx.msk [tilespmem:v2+s25+$0x0], vm0;
	_ =	sdelay $0x4  }
0x1fc: {  	v2 =	vand.u32 $0x7FFFFFFF, v1  }
0x1fd: {  	v2 =	vshrl.u32 v2, $0x10;
	_ =	sdelay $0x4  }
0x1fe: {  	[tilespmem:v2+s16+$0x0] =	vst.idx.add.s32.msk vm0, v4  }
0x1ff: {  	v2 =	vld [tilespmem:$0xA190];
	_ =	sdelay $0x4  }
0x200: {  	v1 =	vadd.f32 $-1.000000000e+00, v1;
	v5 =	vsub.s32 v2, v36  }
0x201: {  	v6 =	vld [tilespmem:$0x12200];
	vm14 =	vge.s32 v2, s26;
	v57 =	vshll.u32 v2, $0x7;
	v5 =	vshll.u32 v5, $0x9  }
0x202: {  	vm15 =	vlt.s32 v2, s28;
	v2 =	vand.u32 $0xFFFFF000, v5;
	v5 =	vand.u32 $0x380, v57  }
0x203: {  	vm1 =	vmand vm14, vm15;
	v2 =	vor.u32 v2, v5  }
0x204: {  	v1 =	vand.u32 $0x7FFFFFFF, v1;
	v2 =	vor.u32 v29, v2  }
0x205: {  	v1 =	vnsel vm0, $0x0, v1  }
0x206: {  	v1 =	vadd.f32 v1, v6;
	_ =	sdelay $0x1  }
0x207: {  	[tilespmem:$0x12200] =	vst v1  }
0x208: {  	v1 =	vld.idx.msk [tilespmem:v2+s25+$0x0], vm1;
	_ =	sdelay $0x4  }
0x209: {  	v2 =	vand.u32 $0x7FFFFFFF, v1  }
0x20a: {  	v2 =	vshrl.u32 v2, $0x10;
	_ =	sdelay $0x4  }
0x20b: {  	[tilespmem:v2+s16+$0x0] =	vst.idx.add.s32.msk vm1, v4  }
0x20c: {  	v2 =	vld [tilespmem:$0xA1A0];
	_ =	sdelay $0x4  }
0x20d: {  	v1 =	vadd.f32 $-1.000000000e+00, v1;
	v5 =	vsub.s32 v2, v36  }
0x20e: {  	v6 =	vld [tilespmem:$0x12200];
	vm4 =	vge.s32 v2, s26;
	v58 =	vshll.u32 v2, $0x7;
	v5 =	vshll.u32 v5, $0x9  }
0x20f: {  	vm5 =	vlt.s32 v2, s28;
	v2 =	vand.u32 $0xFFFFF000, v5;
	v5 =	vand.u32 $0x380, v58  }
0x210: {  	vm0 =	vmand vm4, vm5;
	v2 =	vor.u32 v2, v5  }
0x211: {  	v1 =	vand.u32 $0x7FFFFFFF, v1;
	v2 =	vor.u32 v30, v2  }
0x212: {  	v1 =	vnsel vm1, $0x0, v1  }
0x213: {  	v1 =	vadd.f32 v1, v6;
	_ =	sdelay $0x1  }
0x214: {  	[tilespmem:$0x12200] =	vst v1  }
0x215: {  	v1 =	vld.idx.msk [tilespmem:v2+s25+$0x0], vm0;
	_ =	sdelay $0x4  }
0x216: {  	v2 =	vand.u32 $0x7FFFFFFF, v1  }
0x217: {  	v2 =	vshrl.u32 v2, $0x10;
	_ =	sdelay $0x4  }
0x218: {  	[tilespmem:v2+s16+$0x0] =	vst.idx.add.s32.msk vm0, v4  }
0x219: {  	v2 =	vld [tilespmem:$0xA1B0];
	_ =	sdelay $0x4  }
0x21a: {  	v1 =	vadd.f32 $-1.000000000e+00, v1;
	v5 =	vsub.s32 v2, v36  }
0x21b: {  	v6 =	vld [tilespmem:$0x12200];
	vm6 =	vge.s32 v2, s26;
	v59 =	vshll.u32 v2, $0x7;
	v5 =	vshll.u32 v5, $0x9  }
0x21c: {  	vm7 =	vlt.s32 v2, s28;
	v2 =	vand.u32 $0xFFFFF000, v5;
	v5 =	vand.u32 $0x380, v59  }
0x21d: {  	vm1 =	vmand vm6, vm7;
	v2 =	vor.u32 v2, v5  }
0x21e: {  	v1 =	vand.u32 $0x7FFFFFFF, v1;
	v2 =	vor.u32 v31, v2  }
0x21f: {  	v1 =	vnsel vm0, $0x0, v1  }
0x220: {  	v1 =	vadd.f32 v1, v6;
	_ =	sdelay $0x1  }
0x221: {  	[tilespmem:$0x12200] =	vst v1  }
0x222: {  	v1 =	vld.idx.msk [tilespmem:v2+s25+$0x0], vm1;
	_ =	sdelay $0x4  }
0x223: {  	v2 =	vand.u32 $0x7FFFFFFF, v1  }
0x224: {  	v2 =	vshrl.u32 v2, $0x10;
	_ =	sdelay $0x4  }
0x225: {  	[tilespmem:v2+s16+$0x0] =	vst.idx.add.s32.msk vm1, v4  }
0x226: {  	v2 =	vld [tilespmem:$0xA1C0];
	_ =	sdelay $0x4  }
0x227: {  	v1 =	vadd.f32 $-1.000000000e+00, v1;
	v5 =	vsub.s32 v2, v36  }
0x228: {  	v6 =	vld [tilespmem:$0x12200];
	vm8 =	vge.s32 v2, s26;
	v60 =	vshll.u32 v2, $0x7;
	v5 =	vshll.u32 v5, $0x9  }
0x229: {  	vm9 =	vlt.s32 v2, s28;
	v2 =	vand.u32 $0xFFFFF000, v5;
	v5 =	vand.u32 $0x380, v60  }
0x22a: {  	vm0 =	vmand vm8, vm9;
	v2 =	vor.u32 v2, v5  }
0x22b: {  	v1 =	vand.u32 $0x7FFFFFFF, v1;
	v2 =	vor.u32 v32, v2  }
0x22c: {  	v1 =	vnsel vm1, $0x0, v1  }
0x22d: {  	v1 =	vadd.f32 v1, v6;
	_ =	sdelay $0x1  }
0x22e: {  	[tilespmem:$0x12200] =	vst v1  }
0x22f: {  	v1 =	vld.idx.msk [tilespmem:v2+s25+$0x0], vm0;
	_ =	sdelay $0x4  }
0x230: {  	v2 =	vand.u32 $0x7FFFFFFF, v1  }
0x231: {  	v2 =	vshrl.u32 v2, $0x10;
	_ =	sdelay $0x4  }
0x232: {  	[tilespmem:v2+s16+$0x0] =	vst.idx.add.s32.msk vm0, v4  }
0x233: {  	v2 =	vld [tilespmem:$0xA1D0];
	_ =	sdelay $0x4  }
0x234: {  	v1 =	vadd.f32 $-1.000000000e+00, v1;
	v5 =	vsub.s32 v2, v36  }
0x235: {  	v6 =	vld [tilespmem:$0x12200];
	vm10 =	vge.s32 v2, s26;
	v61 =	vshll.u32 v2, $0x7;
	v5 =	vshll.u32 v5, $0x9  }
0x236: {  	vm11 =	vlt.s32 v2, s28;
	v2 =	vand.u32 $0xFFFFF000, v5;
	v5 =	vand.u32 $0x380, v61  }
0x237: {  	vm1 =	vmand vm10, vm11;
	v2 =	vor.u32 v2, v5  }
0x238: {  	v1 =	vand.u32 $0x7FFFFFFF, v1;
	v2 =	vor.u32 v33, v2  }
0x239: {  	v1 =	vnsel vm0, $0x0, v1  }
0x23a: {  	v1 =	vadd.f32 v1, v6;
	_ =	sdelay $0x1  }
0x23b: {  	[tilespmem:$0x12200] =	vst v1  }
0x23c: {  	v1 =	vld.idx.msk [tilespmem:v2+s25+$0x0], vm1;
	_ =	sdelay $0x4  }
0x23d: {  	v2 =	vand.u32 $0x7FFFFFFF, v1  }
0x23e: {  	v2 =	vshrl.u32 v2, $0x10;
	_ =	sdelay $0x4  }
0x23f: {  	[tilespmem:v2+s16+$0x0] =	vst.idx.add.s32.msk vm1, v4  }
0x240: {  	v2 =	vld [tilespmem:$0xA1E0];
	_ =	sdelay $0x4  }
0x241: {  	v1 =	vadd.f32 $-1.000000000e+00, v1;
	v5 =	vsub.s32 v2, v36  }
0x242: {  	v6 =	vld [tilespmem:$0x12200];
	vm12 =	vge.s32 v2, s26;
	v62 =	vshll.u32 v2, $0x7;
	v5 =	vshll.u32 v5, $0x9  }
0x243: {  	vm13 =	vlt.s32 v2, s28;
	v2 =	vand.u32 $0xFFFFF000, v5;
	v5 =	vand.u32 $0x380, v62  }
0x244: {  	vm0 =	vmand vm12, vm13;
	v2 =	vor.u32 v2, v5  }
0x245: {  	v1 =	vand.u32 $0x7FFFFFFF, v1;
	v2 =	vor.u32 v34, v2  }
0x246: {  	v1 =	vnsel vm1, $0x0, v1  }
0x247: {  	v1 =	vadd.f32 v1, v6;
	_ =	sdelay $0x1  }
0x248: {  	[tilespmem:$0x12200] =	vst v1  }
0x249: {  	v1 =	vld.idx.msk [tilespmem:v2+s25+$0x0], vm0;
	_ =	sdelay $0x4  }
0x24a: {  	v2 =	vand.u32 $0x7FFFFFFF, v1  }
0x24b: {  	v2 =	vshrl.u32 v2, $0x10;
	_ =	sdelay $0x4  }
0x24c: {  	[tilespmem:v2+s16+$0x0] =	vst.idx.add.s32.msk vm0, v4  }
0x24d: {  	v2 =	vld [tilespmem:$0xA1F0];
	_ =	sdelay $0x4  }
0x24e: {  	v1 =	vadd.f32 $-1.000000000e+00, v1;
	v5 =	vsub.s32 v2, v36  }
0x24f: {  	v6 =	vld [tilespmem:$0x12200];
	vm14 =	vge.s32 v2, s26;
	v63 =	vshll.u32 v2, $0x7;
	v5 =	vshll.u32 v5, $0x9  }
0x250: {  	vm15 =	vlt.s32 v2, s28;
	v2 =	vand.u32 $0xFFFFF000, v5;
	v5 =	vand.u32 $0x380, v63  }
0x251: {  	vm1 =	vmand vm14, vm15;
	v2 =	vor.u32 v2, v5  }
0x252: {  	v1 =	vand.u32 $0x7FFFFFFF, v1;
	v2 =	vor.u32 v35, v2  }
0x253: {  	v1 =	vnsel vm0, $0x0, v1  }
0x254: {  	v1 =	vadd.f32 v1, v6;
	_ =	sdelay $0x1  }
0x255: {  	[tilespmem:$0x12200] =	vst v1  }
0x256: {  	v1 =	vld.idx.msk [tilespmem:v2+s25+$0x0], vm1;
	_ =	sdelay $0x4  }
0x257: {  	v2 =	vand.u32 $0x7FFFFFFF, v1  }
0x258: {  	v2 =	vshrl.u32 v2, $0x10;
	_ =	sdelay $0x4  }
0x259: {  	p1 =	sgt.u32 s23, $0x16;
	[tilespmem:v2+s16+$0x0] =	vst.idx.add.s32.msk vm1, v4  }
0x25a: {  	p2 =	sne.s32 @!p1 s24, $0x0;
	v2 =	vld [tilespmem:$0x12200]  }
0x25b: {  	p0 =	por !p0, !p0;
	s24 =	sadd.s32 $0x2, s23;
	p2 =	por p2, p1;
	v1 =	vadd.f32 $-1.000000000e+00, v1  }
0x25c: {  	p0 =	por p1, p0;
	s25 =	smul.u32 @!p2 $0xA0000, s24  }
0x25d: {  	s24 =	smul.u32 @!p0 $0xA0000, s24;
	v1 =	vand.u32 $0x7FFFFFFF, v1  }
0x25e: {  	s23 =	sadd.s32 $0x1, s23;
	v1 =	vnsel vm1, $0x0, v1  }
0x25f: {  	s29 =	simm.s32 @!p2 $0x0;
	s25 =	sor.u32 @!p2 s5, s25;
	s24 =	sor.u32 @!p0 s5, s24;
	v1 =	vadd.f32 v1, v2  }
0x260: {  	s26 =	simm.s32 @!p2 $0x1000;
	s25 =	sshrl.u32 @!p2 s25, $0x3;
	s24 =	sshrl.u32 @!p0 s24, $0x3  }
0x261: {  	s28 =	simm.s32 @!p2 $0x20000;
	s25 =	sadd.s32 @!p2 s1, s25;
	s24 =	sadd.s32 @!p0 s1, s24;
	[tilespmem:$0x12200] =	vst v1  }
0x262: {  	[tilespmem:s29], [sflag:$0x1] =	stream.strided.gather @!p2 [hbm4b:s25+s26], $0x5000, s28, s26, $0x38;
	[tilespmem:$0x12280] =	vst v63  }
0x263: {  	s25 =	simm.s32 @!p0 $0x1000;
	s26 =	simm.s32 @!p0 $0x20000;
	s28 =	simm.s32 @!p0 $0x5000  }
0x264: {  	[tilespmem:s28], [sflag:$0x2] =	stream.strided.gather @!p0 [hbm4b:s24+s25], $0x5000, s26, s25, $0x38;
	[tilespmem:$0x12280] =	vst v63  }
0x265: {  	p0 =	sne.s32 s23, $0x19  }
.Ltmp2:
0x266: {  	_ = 	snop;
	(pc) =	sbr.rel @p0 .LBB2_4-.Ltmp2, $1  }
0x267: {  	_ =	sdelay $0x3  }
0x268: {  	[hbm4b:s8+s17] =	stream.strided.scatter [tilespmem:s16], [sflag:$0x4], $0x8000, s18, s17, $0x38;
	[tilespmem:$0x12280] =	vst v63  }
0x269: {  	s21 =	sadd.s32 $0x1, s21;
	_ =	swait.ge [sflag:s19], $0x8000  }
0x26a: {  	p0 =	sne.s32 s21, s10;
	[sflag:s19] =	ssyncset.done $0x0  }
.Ltmp3:
0x26b: {  	[sflag:s19] =	ssyncadd.s32 $0xFFFF8000;
	(pc) =	sbr.rel @p0 .LBB2_1-.Ltmp3, $4  }
0x26c: {  	[hbm4b:s9+s3] =	stream.linear.scatter [tilespmem:s20], [sflag:$0x4], $0x80, $0x38;
	[tilespmem:$0x12280] =	vst v63  }
0x26d: {  	_ =	swait.ge [sflag:s19], $0x80  }
0x26e: {  	[sflag:s19] =	ssyncset.done $0x0  }
0x26f: {  	[sflag:s19] =	ssyncadd.s32 $0xFFFFFF80  }
0x270: {  	_ =	sfence.sel $0x180000  }
0x271: {  	[bflag:$0x0] =	sbarrier.arrive $0xFFFF  }
0x272: {  	p0 =	sne.s32 s0, $0x0;
	_ =	strace $0x90000047  }
0x273: {  	s0 =	sadd.s32 @!p0 $0x100000, s2;
	[bflag:$0x2] =	sbarrier.arrive $0xFFFF  }
0x274: {  	[sflag:s0] =	ssyncadd.tile.s32 @!p0 $0x1;
	_ =	shalt  }
.Lfunc_end2:
_tile_overlayer_lowered:
.L_overlay_start_2:
0x275: {  	(tag) =	ssettag $0x2  }
0x276: {  	s0 =	rddreg [dreg:$0x0];
	s2 =	stileid.u32  }
0x277: {  	s1 =	rddreg [dreg:$0x1];
	p0 =	sne.s32 s2, $0x0  }
0x278: {  	s3 =	rddreg [dreg:$0x2];
	[bflag:$0x3] =	sbarrier.arrive $0xFFFF;
	s2 =	simm.s32 @!p0 $0x1C04  }
0x279: {  	[timem:s3], [sflag:s2] =	dma.local @!p0 [hbm:s0], s1  }
0x27a: {  	s0 =	simm.s32 @!p0 $0x4  }
0x27b: {  	_ =	swait.ge @!p0 [sflag:s0], s1  }
0x27c: {  	s1 =	ssub.s32 @!p0 $0x0, s1;
	[sflag:s0] =	ssyncset.done @!p0 $0x0  }
0x27d: {  	[sflag:s0] =	ssyncadd.s32 @!p0 s1  }
0x27e: {  	[bflag:$0x3] =	sbarrier.arrive $0xFFFF  }
0x27f: {  	_ =	shalt  }

</sc_bundles>
